<compile_context>
chip_gen: v7x
topology: tpu7x:2x2x1
jax: 0.10.2.dev20260603
libtpu: 0.0.44.dev20260713+nightly
codegen_flags: <defaults>
</compile_context>

<pallas_src>
import jax
import jax.numpy as jnp
from jax import lax
from jax.experimental import pallas as pl
from jax.experimental.pallas import tpu as pltpu
from jax.experimental.pallas import tpu_sc as plsc

_A = 0.05
_B = 16384
_TD = 768
_ND = _TD // 16

_NC, _NS = 2, 16
_NW = _NC * _NS
_BPW = _B // _NW
_CH = 16
_NCH = _BPW // _CH


def _sc_gather_dot(prompt_hbm, v_hbm, q_hbm, out_hbm,
                   idx_v, v_v, rows_a, rows_b, rows_c, rows_d, out_v,
                   sem0, sem1, sem2, sem3):
    wid = lax.axis_index("s") * _NC + lax.axis_index("c")
    base = wid * _BPW
    pltpu.sync_copy(prompt_hbm.at[pl.ds(base, _BPW)], idx_v)
    bufs = (rows_a, rows_b, rows_c, rows_d)
    sems = (sem0, sem1, sem2, sem3)
    nb = len(bufs)

    def fire(c, j):
        return pltpu.async_copy(q_hbm.at[idx_v.at[pl.ds(c * _CH, _CH)]],
                                bufs[j], sems[j])

    for j in range(nb):
        fire(j, j)
    pltpu.sync_copy(v_hbm, v_v)
    vv = [v_v[pl.ds(d * 16, 16)] for d in range(_ND)]

    _NG = _NCH // nb

    def group_body(g, _):
        for j in range(nb):
            c = g * nb + j
            rows_v = bufs[j]
            pltpu.make_async_copy(
                q_hbm.at[idx_v.at[pl.ds(c * _CH, _CH)]], rows_v, sems[j]
            ).wait()

            def row_body(r, _, c=c, rows_v=rows_v):
                accs = [rows_v[r, pl.ds(a * 16, 16)] * vv[a] for a in range(6)]
                for d in range(6, _ND):
                    a = d % 6
                    accs[a] = accs[a] + rows_v[r, pl.ds(d * 16, 16)] * vv[d]
                acc = ((accs[0] + accs[1]) + (accs[2] + accs[3])) \
                    + (accs[4] + accs[5])
                g = c * _CH + r
                out_v[g >> 3, pl.ds((g & 7) * 16, 16)] = acc
                return 0

            lax.fori_loop(0, _CH, row_body, 0)

            @pl.when(g < _NG - 1)
            def _(c=c, j=j):
                fire(c + nb, j)
        return 0

    lax.fori_loop(0, _NG, group_body, 0)
    pltpu.sync_copy(out_v, out_hbm.at[pl.ds(wid * (_BPW // 8), _BPW // 8)])


def _make_sc_call():
    return pl.kernel(
        _sc_gather_dot,
        out_type=jax.ShapeDtypeStruct((_B // 8, 128), jnp.float32),
        mesh=plsc.VectorSubcoreMesh(core_axis_name="c", subcore_axis_name="s"),
        scratch_types=[
            pltpu.VMEM((_BPW,), jnp.int32),
            pltpu.VMEM((_TD,), jnp.float32),
            pltpu.VMEM((_CH, _TD), jnp.float32),
            pltpu.VMEM((_CH, _TD), jnp.float32),
            pltpu.VMEM((_CH, _TD), jnp.float32),
            pltpu.VMEM((_CH, _TD), jnp.float32),
            pltpu.VMEM((_BPW // 8, 128), jnp.float32),
            pltpu.SemaphoreType.DMA,
            pltpu.SemaphoreType.DMA,
            pltpu.SemaphoreType.DMA,
            pltpu.SemaphoreType.DMA,
        ],
    )


def _prep_body(p_ref, wc_ref, wp_ref, v_ref):
    p = p_ref[...]
    n = jnp.sqrt(jnp.sum(p * p))
    me = p / jnp.maximum(n, 1e-12)
    w = me * wc_ref[...]
    v_ref[...] = jax.lax.dot_general(
        w, wp_ref[...], (((1,), (0,)), ((), ())),
        preferred_element_type=jnp.float32)


_prep = pl.pallas_call(
    _prep_body,
    out_shape=jax.ShapeDtypeStruct((1, _TD), jnp.float32),
)

_BB = 2048


_BR = _B // 8


def _mv_body(v_ref, n_ref, out_ref):
    out_ref[...] = _A * jax.lax.dot_general(
        n_ref[...], v_ref[0, :], (((2,), (0,)), ((), ())),
        preferred_element_type=jnp.float32)


_mv = pl.pallas_call(
    _mv_body,
    grid=(_B // _BB,),
    in_specs=[
        pl.BlockSpec((1, _TD), lambda i: (0, 0)),
        pl.BlockSpec((_BB // 8, 8, _TD), lambda i: (i, 0, 0)),
    ],
    out_specs=pl.BlockSpec((_BB // 8, 8), lambda i: (i, 0)),
    out_shape=jax.ShapeDtypeStruct((_BR, 8), jnp.float32),
)


def _comb_body(pacc_ref, r_ref, out_ref):
    ci = lax.broadcasted_iota(jnp.int32, (128, 8), 0) // 16
    cj = lax.broadcasted_iota(jnp.int32, (128, 8), 1)
    m = (ci == cj).astype(jnp.float32)
    s = jax.lax.dot_general(pacc_ref[...], m, (((1,), (0,)), ((), ())),
                            preferred_element_type=jnp.float32)
    out_ref[...] = s + r_ref[...]


_comb = pl.pallas_call(
    _comb_body,
    grid=(_B // _BB,),
    in_specs=[
        pl.BlockSpec((_BB // 8, 128), lambda i: (i, 0)),
        pl.BlockSpec((_BB // 8, 8), lambda i: (i, 0)),
    ],
    out_specs=pl.BlockSpec((_BB // 8, 8), lambda i: (i, 0)),
    out_shape=jax.ShapeDtypeStruct((_BR, 8), jnp.float32),
)


def kernel(prompt, P, Q, W_proj, W_cls, noise):
    prompt = prompt.astype(jnp.int32)
    v = _prep(P, W_cls, W_proj)
    r = _mv(v, noise.reshape(_BR, 8, _TD))
    pacc = _make_sc_call()(prompt, v.reshape(_TD), Q)
    out = _comb(pacc, r)
    return out.reshape(_B)

# --- scband reference (transcript-rebuilt; emitter-appended) ---
"""Pipeline reference for scband-mfmodel-train-77893526880427 (READ-ONLY COPY).

The authoritative reference and input builder live on the scoring server;
editing this copy changes nothing except your own understanding.
"""

import jax, jax.numpy as jnp
import numpy as np

NUM_PROMPTS = 100000
TEXT_DIM = 768
DIM = 128
BATCH = 16384
ALPHA = 0.05


def setup_inputs(seed: int = 0) -> dict:
    key = jax.random.key(seed)
    k1, k2, k3, k4, k5, k6 = jax.random.split(key, 6)
    prompt = jax.random.randint(k1, (BATCH,), 0, NUM_PROMPTS)
    # P: model embedding table with a single row (nn.Embedding(1, dim))
    P = jax.random.normal(k2, (1, DIM), dtype=jnp.float32)
    # Q: frozen prompt-embedding table initialized from `embeddings`
    Q = jax.random.normal(k3, (NUM_PROMPTS, TEXT_DIM), dtype=jnp.float32)
    # text_proj: Linear(text_dim, dim, bias=False) -> weight [dim, text_dim]
    W_proj = jax.random.normal(k4, (DIM, TEXT_DIM), dtype=jnp.float32) * 0.02
    # classifier: Linear(dim, 1, bias=False) -> weight [1, dim]
    W_cls = jax.random.normal(k5, (1, DIM), dtype=jnp.float32) * 0.02
    # train-mode gaussian noise (torch.randn_like in forward), materialized for determinism
    noise = jax.random.normal(k6, (BATCH, TEXT_DIM), dtype=jnp.float32)
    return {"prompt": prompt, "P": P, "Q": Q, "W_proj": W_proj, "W_cls": W_cls, "noise": noise}


def reference(prompt, P, Q, W_proj, W_cls, noise):
    # model_embed = P(0)[None, :], L2-normalized along dim=1
    model_embed = P[0][None, :]
    model_embed = model_embed / jnp.maximum(jnp.linalg.norm(model_embed, axis=1, keepdims=True), 1e-12)
    # prompt_embed = Q(prompt) + randn_like * alpha  (train mode, test=False)
    prompt_embed = jnp.take(Q, prompt, axis=0)
    prompt_embed = prompt_embed + noise * ALPHA
    # projection (use_proj=True)
    prompt_embed = prompt_embed @ W_proj.T
    # classifier(model_embed * prompt_embed).squeeze()
    out = (model_embed * prompt_embed) @ W_cls.T
    return out.squeeze()

if __name__ == "__main__":
    import jax
    _d = setup_inputs()
    print(jax.jit(kernel)(*tuple(_d.values())))

</pallas_src>

<mosaic_0001>
#map = affine_map<(d0, d1) -> (0)>
#map1 = affine_map<(d0, d1) -> (0, 0)>
module attributes {stable_mosaic.version = 14 : i64} {
  func.func @_sc_gather_dot(%arg0: i32, %arg1: i32, %arg2: memref<16384xi32, #tpu.memory_space<hbm>>, %arg3: memref<768xf32, #tpu.memory_space<hbm>>, %arg4: memref<100000x768xf32, #tpu.memory_space<hbm>>, %arg5: memref<2048x128xf32, #tpu.memory_space<hbm>>, %arg6: memref<512xi32, #tpu.memory_space<vmem>>, %arg7: memref<768xf32, #tpu.memory_space<vmem>>, %arg8: memref<16x768xf32, #tpu.memory_space<vmem>>, %arg9: memref<16x768xf32, #tpu.memory_space<vmem>>, %arg10: memref<16x768xf32, #tpu.memory_space<vmem>>, %arg11: memref<16x768xf32, #tpu.memory_space<vmem>>, %arg12: memref<64x128xf32, #tpu.memory_space<vmem>>, %arg13: memref<!tpu.dma_semaphore, #tpu.memory_space<semaphore_mem>>, %arg14: memref<!tpu.dma_semaphore, #tpu.memory_space<semaphore_mem>>, %arg15: memref<!tpu.dma_semaphore, #tpu.memory_space<semaphore_mem>>, %arg16: memref<!tpu.dma_semaphore, #tpu.memory_space<semaphore_mem>>) attributes {dimension_semantics = [#tpu.dimension_semantics<core_parallel>, #tpu.dimension_semantics<subcore_parallel>], iteration_bounds = array<i64: 2, 16>, scalar_prefetch = 0 : i64, scratch_operands = 11 : i64, tpu.core_type = #tpu.core_type<sc_vector_subcore>, window_params = [{transform_indices = #map}, {transform_indices = #map}, {transform_indices = #map1}, {transform_indices = #map1}]} {
    %mul3A = arith.constant 2 : i32
    %mul3A_0 = arith.muli %arg1, %mul3A : i32
    %add3A = arith.addi %mul3A_0, %arg0 : i32
    %mul3A_1 = arith.constant 512 : i32
    %mul3A_2 = arith.muli %add3A, %mul3A_1 : i32
    "tpu.region"() ({
      %run_scoped3A = tpu.sem_alloc : memref<!tpu.dma_semaphore, #tpu.memory_space<semaphore_mem>>
      %dma_start3A_173 = tpu.memref_slice %arg2[%mul3A_2] : memref<16384xi32, #tpu.memory_space<hbm>> -> memref<512xi32, #tpu.memory_space<hbm>>
      %dma_start3A_174 = tpu.memref_slice %arg2[%mul3A_2] : memref<16384xi32, #tpu.memory_space<hbm>> -> memref<512xi32, #tpu.memory_space<hbm>>
      tpu.enqueue_dma source(%dma_start3A_174 : memref<512xi32, #tpu.memory_space<hbm>>) target(%arg6 : memref<512xi32, #tpu.memory_space<vmem>>) target_semaphore(%run_scoped3A : memref<!tpu.dma_semaphore, #tpu.memory_space<semaphore_mem>>)
      %dma_wait3A = tpu.memref_slice %arg2[%mul3A_2] : memref<16384xi32, #tpu.memory_space<hbm>> -> memref<512xi32, #tpu.memory_space<hbm>>
      %dma_wait3A_175 = tpu.memref_slice %arg2[%mul3A_2] : memref<16384xi32, #tpu.memory_space<hbm>> -> memref<512xi32, #tpu.memory_space<hbm>>
      tpu.wait_dma2 semaphore(%run_scoped3A : memref<!tpu.dma_semaphore, #tpu.memory_space<semaphore_mem>>) src(%dma_wait3A_175 : memref<512xi32, #tpu.memory_space<hbm>>) dst(%arg6 : memref<512xi32, #tpu.memory_space<vmem>>)
      tpu.yield
    }) : () -> ()
    %dma_start3A = arith.constant 0 : i32
    %dma_start3A_3 = tpu.memref_slice %arg6[%dma_start3A] : memref<512xi32, #tpu.memory_space<vmem>> -> memref<16xi32, #tpu.memory_space<vmem>>
    %dma_start3A_4 = arith.constant 0 : i32
    %dma_start3A_5 = arith.constant 0 : i32
    %dma_start3A_6 = tpu.memref_slice %arg4[%dma_start3A_4, %dma_start3A_5] : memref<100000x768xf32, #tpu.memory_space<hbm>> -> memref<100000x768xf32, #tpu.memory_space<hbm>>
    tpu.enqueue_indirect_dma source(%dma_start3A_6 : memref<100000x768xf32, #tpu.memory_space<hbm>>) target(%arg8 : memref<16x768xf32, #tpu.memory_space<vmem>>) offsets(%dma_start3A_3 : memref<16xi32, #tpu.memory_space<vmem>>) semaphore(%arg13 : memref<!tpu.dma_semaphore, #tpu.memory_space<semaphore_mem>>)
    %dma_start3A_7 = arith.constant 16 : i32
    %dma_start3A_8 = tpu.memref_slice %arg6[%dma_start3A_7] : memref<512xi32, #tpu.memory_space<vmem>> -> memref<16xi32, #tpu.memory_space<vmem>>
    %dma_start3A_9 = arith.constant 0 : i32
    %dma_start3A_10 = arith.constant 0 : i32
    %dma_start3A_11 = tpu.memref_slice %arg4[%dma_start3A_9, %dma_start3A_10] : memref<100000x768xf32, #tpu.memory_space<hbm>> -> memref<100000x768xf32, #tpu.memory_space<hbm>>
    tpu.enqueue_indirect_dma source(%dma_start3A_11 : memref<100000x768xf32, #tpu.memory_space<hbm>>) target(%arg9 : memref<16x768xf32, #tpu.memory_space<vmem>>) offsets(%dma_start3A_8 : memref<16xi32, #tpu.memory_space<vmem>>) semaphore(%arg14 : memref<!tpu.dma_semaphore, #tpu.memory_space<semaphore_mem>>)
    %dma_start3A_12 = arith.constant 32 : i32
    %dma_start3A_13 = tpu.memref_slice %arg6[%dma_start3A_12] : memref<512xi32, #tpu.memory_space<vmem>> -> memref<16xi32, #tpu.memory_space<vmem>>
    %dma_start3A_14 = arith.constant 0 : i32
    %dma_start3A_15 = arith.constant 0 : i32
    %dma_start3A_16 = tpu.memref_slice %arg4[%dma_start3A_14, %dma_start3A_15] : memref<100000x768xf32, #tpu.memory_space<hbm>> -> memref<100000x768xf32, #tpu.memory_space<hbm>>
    tpu.enqueue_indirect_dma source(%dma_start3A_16 : memref<100000x768xf32, #tpu.memory_space<hbm>>) target(%arg10 : memref<16x768xf32, #tpu.memory_space<vmem>>) offsets(%dma_start3A_13 : memref<16xi32, #tpu.memory_space<vmem>>) semaphore(%arg15 : memref<!tpu.dma_semaphore, #tpu.memory_space<semaphore_mem>>)
    %dma_start3A_17 = arith.constant 48 : i32
    %dma_start3A_18 = tpu.memref_slice %arg6[%dma_start3A_17] : memref<512xi32, #tpu.memory_space<vmem>> -> memref<16xi32, #tpu.memory_space<vmem>>
    %dma_start3A_19 = arith.constant 0 : i32
    %dma_start3A_20 = arith.constant 0 : i32
    %dma_start3A_21 = tpu.memref_slice %arg4[%dma_start3A_19, %dma_start3A_20] : memref<100000x768xf32, #tpu.memory_space<hbm>> -> memref<100000x768xf32, #tpu.memory_space<hbm>>
    tpu.enqueue_indirect_dma source(%dma_start3A_21 : memref<100000x768xf32, #tpu.memory_space<hbm>>) target(%arg11 : memref<16x768xf32, #tpu.memory_space<vmem>>) offsets(%dma_start3A_18 : memref<16xi32, #tpu.memory_space<vmem>>) semaphore(%arg16 : memref<!tpu.dma_semaphore, #tpu.memory_space<semaphore_mem>>)
    "tpu.region"() ({
      %run_scoped3A = tpu.sem_alloc : memref<!tpu.dma_semaphore, #tpu.memory_space<semaphore_mem>>
      tpu.enqueue_dma source(%arg3 : memref<768xf32, #tpu.memory_space<hbm>>) target(%arg7 : memref<768xf32, #tpu.memory_space<vmem>>) target_semaphore(%run_scoped3A : memref<!tpu.dma_semaphore, #tpu.memory_space<semaphore_mem>>)
      tpu.wait_dma2 semaphore(%run_scoped3A : memref<!tpu.dma_semaphore, #tpu.memory_space<semaphore_mem>>) src(%arg3 : memref<768xf32, #tpu.memory_space<hbm>>) dst(%arg7 : memref<768xf32, #tpu.memory_space<vmem>>)
      tpu.yield
    }) : () -> ()
    %get3A = arith.constant 0 : index
    %get3A_22 = tpu.vector_load %arg7[%get3A] {strides = array<i32>} : memref<768xf32, #tpu.memory_space<vmem>>, vector<16xf32>,
    %get3A_23 = vector.shape_cast %get3A_22 : vector<16xf32> to vector<16xf32>
    %get3A_24 = arith.constant 16 : index
    %get3A_25 = tpu.vector_load %arg7[%get3A_24] {strides = array<i32>} : memref<768xf32, #tpu.memory_space<vmem>>, vector<16xf32>,
    %get3A_26 = vector.shape_cast %get3A_25 : vector<16xf32> to vector<16xf32>
    %get3A_27 = arith.constant 32 : index
    %get3A_28 = tpu.vector_load %arg7[%get3A_27] {strides = array<i32>} : memref<768xf32, #tpu.memory_space<vmem>>, vector<16xf32>,
    %get3A_29 = vector.shape_cast %get3A_28 : vector<16xf32> to vector<16xf32>
    %get3A_30 = arith.constant 48 : index
    %get3A_31 = tpu.vector_load %arg7[%get3A_30] {strides = array<i32>} : memref<768xf32, #tpu.memory_space<vmem>>, vector<16xf32>,
    %get3A_32 = vector.shape_cast %get3A_31 : vector<16xf32> to vector<16xf32>
    %get3A_33 = arith.constant 64 : index
    %get3A_34 = tpu.vector_load %arg7[%get3A_33] {strides = array<i32>} : memref<768xf32, #tpu.memory_space<vmem>>, vector<16xf32>,
    %get3A_35 = vector.shape_cast %get3A_34 : vector<16xf32> to vector<16xf32>
    %get3A_36 = arith.constant 80 : index
    %get3A_37 = tpu.vector_load %arg7[%get3A_36] {strides = array<i32>} : memref<768xf32, #tpu.memory_space<vmem>>, vector<16xf32>,
    %get3A_38 = vector.shape_cast %get3A_37 : vector<16xf32> to vector<16xf32>
    %get3A_39 = arith.constant 96 : index
    %get3A_40 = tpu.vector_load %arg7[%get3A_39] {strides = array<i32>} : memref<768xf32, #tpu.memory_space<vmem>>, vector<16xf32>,
    %get3A_41 = vector.shape_cast %get3A_40 : vector<16xf32> to vector<16xf32>
    %get3A_42 = arith.constant 112 : index
    %get3A_43 = tpu.vector_load %arg7[%get3A_42] {strides = array<i32>} : memref<768xf32, #tpu.memory_space<vmem>>, vector<16xf32>,
    %get3A_44 = vector.shape_cast %get3A_43 : vector<16xf32> to vector<16xf32>
    %get3A_45 = arith.constant 128 : index
    %get3A_46 = tpu.vector_load %arg7[%get3A_45] {strides = array<i32>} : memref<768xf32, #tpu.memory_space<vmem>>, vector<16xf32>,
    %get3A_47 = vector.shape_cast %get3A_46 : vector<16xf32> to vector<16xf32>
    %get3A_48 = arith.constant 144 : index
    %get3A_49 = tpu.vector_load %arg7[%get3A_48] {strides = array<i32>} : memref<768xf32, #tpu.memory_space<vmem>>, vector<16xf32>,
    %get3A_50 = vector.shape_cast %get3A_49 : vector<16xf32> to vector<16xf32>
    %get3A_51 = arith.constant 160 : index
    %get3A_52 = tpu.vector_load %arg7[%get3A_51] {strides = array<i32>} : memref<768xf32, #tpu.memory_space<vmem>>, vector<16xf32>,
    %get3A_53 = vector.shape_cast %get3A_52 : vector<16xf32> to vector<16xf32>
    %get3A_54 = arith.constant 176 : index
    %get3A_55 = tpu.vector_load %arg7[%get3A_54] {strides = array<i32>} : memref<768xf32, #tpu.memory_space<vmem>>, vector<16xf32>,
    %get3A_56 = vector.shape_cast %get3A_55 : vector<16xf32> to vector<16xf32>
    %get3A_57 = arith.constant 192 : index
    %get3A_58 = tpu.vector_load %arg7[%get3A_57] {strides = array<i32>} : memref<768xf32, #tpu.memory_space<vmem>>, vector<16xf32>,
    %get3A_59 = vector.shape_cast %get3A_58 : vector<16xf32> to vector<16xf32>
    %get3A_60 = arith.constant 208 : index
    %get3A_61 = tpu.vector_load %arg7[%get3A_60] {strides = array<i32>} : memref<768xf32, #tpu.memory_space<vmem>>, vector<16xf32>,
    %get3A_62 = vector.shape_cast %get3A_61 : vector<16xf32> to vector<16xf32>
    %get3A_63 = arith.constant 224 : index
    %get3A_64 = tpu.vector_load %arg7[%get3A_63] {strides = array<i32>} : memref<768xf32, #tpu.memory_space<vmem>>, vector<16xf32>,
    %get3A_65 = vector.shape_cast %get3A_64 : vector<16xf32> to vector<16xf32>
    %get3A_66 = arith.constant 240 : index
    %get3A_67 = tpu.vector_load %arg7[%get3A_66] {strides = array<i32>} : memref<768xf32, #tpu.memory_space<vmem>>, vector<16xf32>,
    %get3A_68 = vector.shape_cast %get3A_67 : vector<16xf32> to vector<16xf32>
    %get3A_69 = arith.constant 256 : index
    %get3A_70 = tpu.vector_load %arg7[%get3A_69] {strides = array<i32>} : memref<768xf32, #tpu.memory_space<vmem>>, vector<16xf32>,
    %get3A_71 = vector.shape_cast %get3A_70 : vector<16xf32> to vector<16xf32>
    %get3A_72 = arith.constant 272 : index
    %get3A_73 = tpu.vector_load %arg7[%get3A_72] {strides = array<i32>} : memref<768xf32, #tpu.memory_space<vmem>>, vector<16xf32>,
    %get3A_74 = vector.shape_cast %get3A_73 : vector<16xf32> to vector<16xf32>
    %get3A_75 = arith.constant 288 : index
    %get3A_76 = tpu.vector_load %arg7[%get3A_75] {strides = array<i32>} : memref<768xf32, #tpu.memory_space<vmem>>, vector<16xf32>,
    %get3A_77 = vector.shape_cast %get3A_76 : vector<16xf32> to vector<16xf32>
    %get3A_78 = arith.constant 304 : index
    %get3A_79 = tpu.vector_load %arg7[%get3A_78] {strides = array<i32>} : memref<768xf32, #tpu.memory_space<vmem>>, vector<16xf32>,
    %get3A_80 = vector.shape_cast %get3A_79 : vector<16xf32> to vector<16xf32>
    %get3A_81 = arith.constant 320 : index
    %get3A_82 = tpu.vector_load %arg7[%get3A_81] {strides = array<i32>} : memref<768xf32, #tpu.memory_space<vmem>>, vector<16xf32>,
    %get3A_83 = vector.shape_cast %get3A_82 : vector<16xf32> to vector<16xf32>
    %get3A_84 = arith.constant 336 : index
    %get3A_85 = tpu.vector_load %arg7[%get3A_84] {strides = array<i32>} : memref<768xf32, #tpu.memory_space<vmem>>, vector<16xf32>,
    %get3A_86 = vector.shape_cast %get3A_85 : vector<16xf32> to vector<16xf32>
    %get3A_87 = arith.constant 352 : index
    %get3A_88 = tpu.vector_load %arg7[%get3A_87] {strides = array<i32>} : memref<768xf32, #tpu.memory_space<vmem>>, vector<16xf32>,
    %get3A_89 = vector.shape_cast %get3A_88 : vector<16xf32> to vector<16xf32>
    %get3A_90 = arith.constant 368 : index
    %get3A_91 = tpu.vector_load %arg7[%get3A_90] {strides = array<i32>} : memref<768xf32, #tpu.memory_space<vmem>>, vector<16xf32>,
    %get3A_92 = vector.shape_cast %get3A_91 : vector<16xf32> to vector<16xf32>
    %get3A_93 = arith.constant 384 : index
    %get3A_94 = tpu.vector_load %arg7[%get3A_93] {strides = array<i32>} : memref<768xf32, #tpu.memory_space<vmem>>, vector<16xf32>,
    %get3A_95 = vector.shape_cast %get3A_94 : vector<16xf32> to vector<16xf32>
    %get3A_96 = arith.constant 400 : index
    %get3A_97 = tpu.vector_load %arg7[%get3A_96] {strides = array<i32>} : memref<768xf32, #tpu.memory_space<vmem>>, vector<16xf32>,
    %get3A_98 = vector.shape_cast %get3A_97 : vector<16xf32> to vector<16xf32>
    %get3A_99 = arith.constant 416 : index
    %get3A_100 = tpu.vector_load %arg7[%get3A_99] {strides = array<i32>} : memref<768xf32, #tpu.memory_space<vmem>>, vector<16xf32>,
    %get3A_101 = vector.shape_cast %get3A_100 : vector<16xf32> to vector<16xf32>
    %get3A_102 = arith.constant 432 : index
    %get3A_103 = tpu.vector_load %arg7[%get3A_102] {strides = array<i32>} : memref<768xf32, #tpu.memory_space<vmem>>, vector<16xf32>,
    %get3A_104 = vector.shape_cast %get3A_103 : vector<16xf32> to vector<16xf32>
    %get3A_105 = arith.constant 448 : index
    %get3A_106 = tpu.vector_load %arg7[%get3A_105] {strides = array<i32>} : memref<768xf32, #tpu.memory_space<vmem>>, vector<16xf32>,
    %get3A_107 = vector.shape_cast %get3A_106 : vector<16xf32> to vector<16xf32>
    %get3A_108 = arith.constant 464 : index
    %get3A_109 = tpu.vector_load %arg7[%get3A_108] {strides = array<i32>} : memref<768xf32, #tpu.memory_space<vmem>>, vector<16xf32>,
    %get3A_110 = vector.shape_cast %get3A_109 : vector<16xf32> to vector<16xf32>
    %get3A_111 = arith.constant 480 : index
    %get3A_112 = tpu.vector_load %arg7[%get3A_111] {strides = array<i32>} : memref<768xf32, #tpu.memory_space<vmem>>, vector<16xf32>,
    %get3A_113 = vector.shape_cast %get3A_112 : vector<16xf32> to vector<16xf32>
    %get3A_114 = arith.constant 496 : index
    %get3A_115 = tpu.vector_load %arg7[%get3A_114] {strides = array<i32>} : memref<768xf32, #tpu.memory_space<vmem>>, vector<16xf32>,
    %get3A_116 = vector.shape_cast %get3A_115 : vector<16xf32> to vector<16xf32>
    %get3A_117 = arith.constant 512 : index
    %get3A_118 = tpu.vector_load %arg7[%get3A_117] {strides = array<i32>} : memref<768xf32, #tpu.memory_space<vmem>>, vector<16xf32>,
    %get3A_119 = vector.shape_cast %get3A_118 : vector<16xf32> to vector<16xf32>
    %get3A_120 = arith.constant 528 : index
    %get3A_121 = tpu.vector_load %arg7[%get3A_120] {strides = array<i32>} : memref<768xf32, #tpu.memory_space<vmem>>, vector<16xf32>,
    %get3A_122 = vector.shape_cast %get3A_121 : vector<16xf32> to vector<16xf32>
    %get3A_123 = arith.constant 544 : index
    %get3A_124 = tpu.vector_load %arg7[%get3A_123] {strides = array<i32>} : memref<768xf32, #tpu.memory_space<vmem>>, vector<16xf32>,
    %get3A_125 = vector.shape_cast %get3A_124 : vector<16xf32> to vector<16xf32>
    %get3A_126 = arith.constant 560 : index
    %get3A_127 = tpu.vector_load %arg7[%get3A_126] {strides = array<i32>} : memref<768xf32, #tpu.memory_space<vmem>>, vector<16xf32>,
    %get3A_128 = vector.shape_cast %get3A_127 : vector<16xf32> to vector<16xf32>
    %get3A_129 = arith.constant 576 : index
    %get3A_130 = tpu.vector_load %arg7[%get3A_129] {strides = array<i32>} : memref<768xf32, #tpu.memory_space<vmem>>, vector<16xf32>,
    %get3A_131 = vector.shape_cast %get3A_130 : vector<16xf32> to vector<16xf32>
    %get3A_132 = arith.constant 592 : index
    %get3A_133 = tpu.vector_load %arg7[%get3A_132] {strides = array<i32>} : memref<768xf32, #tpu.memory_space<vmem>>, vector<16xf32>,
    %get3A_134 = vector.shape_cast %get3A_133 : vector<16xf32> to vector<16xf32>
    %get3A_135 = arith.constant 608 : index
    %get3A_136 = tpu.vector_load %arg7[%get3A_135] {strides = array<i32>} : memref<768xf32, #tpu.memory_space<vmem>>, vector<16xf32>,
    %get3A_137 = vector.shape_cast %get3A_136 : vector<16xf32> to vector<16xf32>
    %get3A_138 = arith.constant 624 : index
    %get3A_139 = tpu.vector_load %arg7[%get3A_138] {strides = array<i32>} : memref<768xf32, #tpu.memory_space<vmem>>, vector<16xf32>,
    %get3A_140 = vector.shape_cast %get3A_139 : vector<16xf32> to vector<16xf32>
    %get3A_141 = arith.constant 640 : index
    %get3A_142 = tpu.vector_load %arg7[%get3A_141] {strides = array<i32>} : memref<768xf32, #tpu.memory_space<vmem>>, vector<16xf32>,
    %get3A_143 = vector.shape_cast %get3A_142 : vector<16xf32> to vector<16xf32>
    %get3A_144 = arith.constant 656 : index
    %get3A_145 = tpu.vector_load %arg7[%get3A_144] {strides = array<i32>} : memref<768xf32, #tpu.memory_space<vmem>>, vector<16xf32>,
    %get3A_146 = vector.shape_cast %get3A_145 : vector<16xf32> to vector<16xf32>
    %get3A_147 = arith.constant 672 : index
    %get3A_148 = tpu.vector_load %arg7[%get3A_147] {strides = array<i32>} : memref<768xf32, #tpu.memory_space<vmem>>, vector<16xf32>,
    %get3A_149 = vector.shape_cast %get3A_148 : vector<16xf32> to vector<16xf32>
    %get3A_150 = arith.constant 688 : index
    %get3A_151 = tpu.vector_load %arg7[%get3A_150] {strides = array<i32>} : memref<768xf32, #tpu.memory_space<vmem>>, vector<16xf32>,
    %get3A_152 = vector.shape_cast %get3A_151 : vector<16xf32> to vector<16xf32>
    %get3A_153 = arith.constant 704 : index
    %get3A_154 = tpu.vector_load %arg7[%get3A_153] {strides = array<i32>} : memref<768xf32, #tpu.memory_space<vmem>>, vector<16xf32>,
    %get3A_155 = vector.shape_cast %get3A_154 : vector<16xf32> to vector<16xf32>
    %get3A_156 = arith.constant 720 : index
    %get3A_157 = tpu.vector_load %arg7[%get3A_156] {strides = array<i32>} : memref<768xf32, #tpu.memory_space<vmem>>, vector<16xf32>,
    %get3A_158 = vector.shape_cast %get3A_157 : vector<16xf32> to vector<16xf32>
    %get3A_159 = arith.constant 736 : index
    %get3A_160 = tpu.vector_load %arg7[%get3A_159] {strides = array<i32>} : memref<768xf32, #tpu.memory_space<vmem>>, vector<16xf32>,
    %get3A_161 = vector.shape_cast %get3A_160 : vector<16xf32> to vector<16xf32>
    %get3A_162 = arith.constant 752 : index
    %get3A_163 = tpu.vector_load %arg7[%get3A_162] {strides = array<i32>} : memref<768xf32, #tpu.memory_space<vmem>>, vector<16xf32>,
    %get3A_164 = vector.shape_cast %get3A_163 : vector<16xf32> to vector<16xf32>
    %scan3A = arith.constant 0 : i32
    %scan3A_165 = arith.constant 0 : i32
    %scan3A_166 = arith.constant 8 : i32
    %scan3A_167 = arith.addi %scan3A_165, %scan3A_166 : i32
    %scan3A_168 = arith.constant 1 : i32
    %scan3A_169 = scf.for %scan3A_173 = %scan3A_165 to %scan3A_167 step %scan3A_168 iter_args(%scan3A_174 = %scan3A) -> (i32)  : i32 {
      %mul3A_175 = arith.constant 4 : i32
      %mul3A_176 = arith.muli %scan3A_173, %mul3A_175 : i32
      %add3A_177 = arith.constant 0 : i32
      %add3A_178 = arith.addi %mul3A_176, %add3A_177 : i32
      %mul3A_179 = arith.constant 16 : i32
      %mul3A_180 = arith.muli %add3A_178, %mul3A_179 : i32
      %dma_wait3A = tpu.memref_slice %arg6[%mul3A_180] : memref<512xi32, #tpu.memory_space<vmem>> -> memref<16xi32, #tpu.memory_space<vmem>>
      %dma_wait3A_181 = arith.constant 0 : i32
      %dma_wait3A_182 = arith.constant 0 : i32
      %dma_wait3A_183 = tpu.memref_slice %arg4[%dma_wait3A_181, %dma_wait3A_182] : memref<100000x768xf32, #tpu.memory_space<hbm>> -> memref<100000x768xf32, #tpu.memory_space<hbm>>
      tpu.wait_indirect_dma semaphore(%arg13 : memref<!tpu.dma_semaphore, #tpu.memory_space<semaphore_mem>>) src(%dma_wait3A_183 : memref<100000x768xf32, #tpu.memory_space<hbm>>) dst(%arg8 : memref<16x768xf32, #tpu.memory_space<vmem>>)
      %scan3A_184 = arith.constant 0 : i32
      %scan3A_185 = arith.constant 0 : i32
      %scan3A_186 = arith.constant 16 : i32
      %scan3A_187 = arith.addi %scan3A_185, %scan3A_186 : i32
      %scan3A_188 = arith.constant 1 : i32
      %scan3A_189 = scf.for %scan3A_260 = %scan3A_185 to %scan3A_187 step %scan3A_188 iter_args(%scan3A_261 = %scan3A_184) -> (i32)  : i32 {
        %get3A_262 = arith.index_cast %scan3A_260 : i32 to index
        %get3A_263 = arith.constant 0 : index
        %get3A_264 = tpu.vector_load %arg8[%get3A_262, %get3A_263] {strides = array<i32>} : memref<16x768xf32, #tpu.memory_space<vmem>>, vector<1x16xf32>,
        %get3A_265 = vector.shape_cast %get3A_264 : vector<1x16xf32> to vector<16xf32>
        %mul3A_266 = arith.mulf %get3A_265, %get3A_23 : vector<16xf32>
        %get3A_267 = arith.index_cast %scan3A_260 : i32 to index
        %get3A_268 = arith.constant 16 : index
        %get3A_269 = tpu.vector_load %arg8[%get3A_267, %get3A_268] {strides = array<i32>} : memref<16x768xf32, #tpu.memory_space<vmem>>, vector<1x16xf32>,
        %get3A_270 = vector.shape_cast %get3A_269 : vector<1x16xf32> to vector<16xf32>
        %mul3A_271 = arith.mulf %get3A_270, %get3A_26 : vector<16xf32>
        %get3A_272 = arith.index_cast %scan3A_260 : i32 to index
        %get3A_273 = arith.constant 32 : index
        %get3A_274 = tpu.vector_load %arg8[%get3A_272, %get3A_273] {strides = array<i32>} : memref<16x768xf32, #tpu.memory_space<vmem>>, vector<1x16xf32>,
        %get3A_275 = vector.shape_cast %get3A_274 : vector<1x16xf32> to vector<16xf32>
        %mul3A_276 = arith.mulf %get3A_275, %get3A_29 : vector<16xf32>
        %get3A_277 = arith.index_cast %scan3A_260 : i32 to index
        %get3A_278 = arith.constant 48 : index
        %get3A_279 = tpu.vector_load %arg8[%get3A_277, %get3A_278] {strides = array<i32>} : memref<16x768xf32, #tpu.memory_space<vmem>>, vector<1x16xf32>,
        %get3A_280 = vector.shape_cast %get3A_279 : vector<1x16xf32> to vector<16xf32>
        %mul3A_281 = arith.mulf %get3A_280, %get3A_32 : vector<16xf32>
        %get3A_282 = arith.index_cast %scan3A_260 : i32 to index
        %get3A_283 = arith.constant 64 : index
        %get3A_284 = tpu.vector_load %arg8[%get3A_282, %get3A_283] {strides = array<i32>} : memref<16x768xf32, #tpu.memory_space<vmem>>, vector<1x16xf32>,
        %get3A_285 = vector.shape_cast %get3A_284 : vector<1x16xf32> to vector<16xf32>
        %mul3A_286 = arith.mulf %get3A_285, %get3A_35 : vector<16xf32>
        %get3A_287 = arith.index_cast %scan3A_260 : i32 to index
        %get3A_288 = arith.constant 80 : index
        %get3A_289 = tpu.vector_load %arg8[%get3A_287, %get3A_288] {strides = array<i32>} : memref<16x768xf32, #tpu.memory_space<vmem>>, vector<1x16xf32>,
        %get3A_290 = vector.shape_cast %get3A_289 : vector<1x16xf32> to vector<16xf32>
        %mul3A_291 = arith.mulf %get3A_290, %get3A_38 : vector<16xf32>
        %get3A_292 = arith.index_cast %scan3A_260 : i32 to index
        %get3A_293 = arith.constant 96 : index
        %get3A_294 = tpu.vector_load %arg8[%get3A_292, %get3A_293] {strides = array<i32>} : memref<16x768xf32, #tpu.memory_space<vmem>>, vector<1x16xf32>,
        %get3A_295 = vector.shape_cast %get3A_294 : vector<1x16xf32> to vector<16xf32>
        %mul3A_296 = arith.mulf %get3A_295, %get3A_41 : vector<16xf32>
        %add3A_297 = arith.addf %mul3A_266, %mul3A_296 : vector<16xf32>
        %get3A_298 = arith.index_cast %scan3A_260 : i32 to index
        %get3A_299 = arith.constant 112 : index
        %get3A_300 = tpu.vector_load %arg8[%get3A_298, %get3A_299] {strides = array<i32>} : memref<16x768xf32, #tpu.memory_space<vmem>>, vector<1x16xf32>,
        %get3A_301 = vector.shape_cast %get3A_300 : vector<1x16xf32> to vector<16xf32>
        %mul3A_302 = arith.mulf %get3A_301, %get3A_44 : vector<16xf32>
        %add3A_303 = arith.addf %mul3A_271, %mul3A_302 : vector<16xf32>
        %get3A_304 = arith.index_cast %scan3A_260 : i32 to index
        %get3A_305 = arith.constant 128 : index
        %get3A_306 = tpu.vector_load %arg8[%get3A_304, %get3A_305] {strides = array<i32>} : memref<16x768xf32, #tpu.memory_space<vmem>>, vector<1x16xf32>,
        %get3A_307 = vector.shape_cast %get3A_306 : vector<1x16xf32> to vector<16xf32>
        %mul3A_308 = arith.mulf %get3A_307, %get3A_47 : vector<16xf32>
        %add3A_309 = arith.addf %mul3A_276, %mul3A_308 : vector<16xf32>
        %get3A_310 = arith.index_cast %scan3A_260 : i32 to index
        %get3A_311 = arith.constant 144 : index
        %get3A_312 = tpu.vector_load %arg8[%get3A_310, %get3A_311] {strides = array<i32>} : memref<16x768xf32, #tpu.memory_space<vmem>>, vector<1x16xf32>,
        %get3A_313 = vector.shape_cast %get3A_312 : vector<1x16xf32> to vector<16xf32>
        %mul3A_314 = arith.mulf %get3A_313, %get3A_50 : vector<16xf32>
        %add3A_315 = arith.addf %mul3A_281, %mul3A_314 : vector<16xf32>
        %get3A_316 = arith.index_cast %scan3A_260 : i32 to index
        %get3A_317 = arith.constant 160 : index
        %get3A_318 = tpu.vector_load %arg8[%get3A_316, %get3A_317] {strides = array<i32>} : memref<16x768xf32, #tpu.memory_space<vmem>>, vector<1x16xf32>,
        %get3A_319 = vector.shape_cast %get3A_318 : vector<1x16xf32> to vector<16xf32>
        %mul3A_320 = arith.mulf %get3A_319, %get3A_53 : vector<16xf32>
        %add3A_321 = arith.addf %mul3A_286, %mul3A_320 : vector<16xf32>
        %get3A_322 = arith.index_cast %scan3A_260 : i32 to index
        %get3A_323 = arith.constant 176 : index
        %get3A_324 = tpu.vector_load %arg8[%get3A_322, %get3A_323] {strides = array<i32>} : memref<16x768xf32, #tpu.memory_space<vmem>>, vector<1x16xf32>,
        %get3A_325 = vector.shape_cast %get3A_324 : vector<1x16xf32> to vector<16xf32>
        %mul3A_326 = arith.mulf %get3A_325, %get3A_56 : vector<16xf32>
        %add3A_327 = arith.addf %mul3A_291, %mul3A_326 : vector<16xf32>
        %get3A_328 = arith.index_cast %scan3A_260 : i32 to index
        %get3A_329 = arith.constant 192 : index
        %get3A_330 = tpu.vector_load %arg8[%get3A_328, %get3A_329] {strides = array<i32>} : memref<16x768xf32, #tpu.memory_space<vmem>>, vector<1x16xf32>,
        %get3A_331 = vector.shape_cast %get3A_330 : vector<1x16xf32> to vector<16xf32>
        %mul3A_332 = arith.mulf %get3A_331, %get3A_59 : vector<16xf32>
        %add3A_333 = arith.addf %add3A_297, %mul3A_332 : vector<16xf32>
        %get3A_334 = arith.index_cast %scan3A_260 : i32 to index
        %get3A_335 = arith.constant 208 : index
        %get3A_336 = tpu.vector_load %arg8[%get3A_334, %get3A_335] {strides = array<i32>} : memref<16x768xf32, #tpu.memory_space<vmem>>, vector<1x16xf32>,
        %get3A_337 = vector.shape_cast %get3A_336 : vector<1x16xf32> to vector<16xf32>
        %mul3A_338 = arith.mulf %get3A_337, %get3A_62 : vector<16xf32>
        %add3A_339 = arith.addf %add3A_303, %mul3A_338 : vector<16xf32>
        %get3A_340 = arith.index_cast %scan3A_260 : i32 to index
        %get3A_341 = arith.constant 224 : index
        %get3A_342 = tpu.vector_load %arg8[%get3A_340, %get3A_341] {strides = array<i32>} : memref<16x768xf32, #tpu.memory_space<vmem>>, vector<1x16xf32>,
        %get3A_343 = vector.shape_cast %get3A_342 : vector<1x16xf32> to vector<16xf32>
        %mul3A_344 = arith.mulf %get3A_343, %get3A_65 : vector<16xf32>
        %add3A_345 = arith.addf %add3A_309, %mul3A_344 : vector<16xf32>
        %get3A_346 = arith.index_cast %scan3A_260 : i32 to index
        %get3A_347 = arith.constant 240 : index
        %get3A_348 = tpu.vector_load %arg8[%get3A_346, %get3A_347] {strides = array<i32>} : memref<16x768xf32, #tpu.memory_space<vmem>>, vector<1x16xf32>,
        %get3A_349 = vector.shape_cast %get3A_348 : vector<1x16xf32> to vector<16xf32>
        %mul3A_350 = arith.mulf %get3A_349, %get3A_68 : vector<16xf32>
        %add3A_351 = arith.addf %add3A_315, %mul3A_350 : vector<16xf32>
        %get3A_352 = arith.index_cast %scan3A_260 : i32 to index
        %get3A_353 = arith.constant 256 : index
        %get3A_354 = tpu.vector_load %arg8[%get3A_352, %get3A_353] {strides = array<i32>} : memref<16x768xf32, #tpu.memory_space<vmem>>, vector<1x16xf32>,
        %get3A_355 = vector.shape_cast %get3A_354 : vector<1x16xf32> to vector<16xf32>
        %mul3A_356 = arith.mulf %get3A_355, %get3A_71 : vector<16xf32>
        %add3A_357 = arith.addf %add3A_321, %mul3A_356 : vector<16xf32>
        %get3A_358 = arith.index_cast %scan3A_260 : i32 to index
        %get3A_359 = arith.constant 272 : index
        %get3A_360 = tpu.vector_load %arg8[%get3A_358, %get3A_359] {strides = array<i32>} : memref<16x768xf32, #tpu.memory_space<vmem>>, vector<1x16xf32>,
        %get3A_361 = vector.shape_cast %get3A_360 : vector<1x16xf32> to vector<16xf32>
        %mul3A_362 = arith.mulf %get3A_361, %get3A_74 : vector<16xf32>
        %add3A_363 = arith.addf %add3A_327, %mul3A_362 : vector<16xf32>
        %get3A_364 = arith.index_cast %scan3A_260 : i32 to index
        %get3A_365 = arith.constant 288 : index
        %get3A_366 = tpu.vector_load %arg8[%get3A_364, %get3A_365] {strides = array<i32>} : memref<16x768xf32, #tpu.memory_space<vmem>>, vector<1x16xf32>,
        %get3A_367 = vector.shape_cast %get3A_366 : vector<1x16xf32> to vector<16xf32>
        %mul3A_368 = arith.mulf %get3A_367, %get3A_77 : vector<16xf32>
        %add3A_369 = arith.addf %add3A_333, %mul3A_368 : vector<16xf32>
        %get3A_370 = arith.index_cast %scan3A_260 : i32 to index
        %get3A_371 = arith.constant 304 : index
        %get3A_372 = tpu.vector_load %arg8[%get3A_370, %get3A_371] {strides = array<i32>} : memref<16x768xf32, #tpu.memory_space<vmem>>, vector<1x16xf32>,
        %get3A_373 = vector.shape_cast %get3A_372 : vector<1x16xf32> to vector<16xf32>
        %mul3A_374 = arith.mulf %get3A_373, %get3A_80 : vector<16xf32>
        %add3A_375 = arith.addf %add3A_339, %mul3A_374 : vector<16xf32>
        %get3A_376 = arith.index_cast %scan3A_260 : i32 to index
        %get3A_377 = arith.constant 320 : index
        %get3A_378 = tpu.vector_load %arg8[%get3A_376, %get3A_377] {strides = array<i32>} : memref<16x768xf32, #tpu.memory_space<vmem>>, vector<1x16xf32>,
        %get3A_379 = vector.shape_cast %get3A_378 : vector<1x16xf32> to vector<16xf32>
        %mul3A_380 = arith.mulf %get3A_379, %get3A_83 : vector<16xf32>
        %add3A_381 = arith.addf %add3A_345, %mul3A_380 : vector<16xf32>
        %get3A_382 = arith.index_cast %scan3A_260 : i32 to index
        %get3A_383 = arith.constant 336 : index
        %get3A_384 = tpu.vector_load %arg8[%get3A_382, %get3A_383] {strides = array<i32>} : memref<16x768xf32, #tpu.memory_space<vmem>>, vector<1x16xf32>,
        %get3A_385 = vector.shape_cast %get3A_384 : vector<1x16xf32> to vector<16xf32>
        %mul3A_386 = arith.mulf %get3A_385, %get3A_86 : vector<16xf32>
        %add3A_387 = arith.addf %add3A_351, %mul3A_386 : vector<16xf32>
        %get3A_388 = arith.index_cast %scan3A_260 : i32 to index
        %get3A_389 = arith.constant 352 : index
        %get3A_390 = tpu.vector_load %arg8[%get3A_388, %get3A_389] {strides = array<i32>} : memref<16x768xf32, #tpu.memory_space<vmem>>, vector<1x16xf32>,
        %get3A_391 = vector.shape_cast %get3A_390 : vector<1x16xf32> to vector<16xf32>
        %mul3A_392 = arith.mulf %get3A_391, %get3A_89 : vector<16xf32>
        %add3A_393 = arith.addf %add3A_357, %mul3A_392 : vector<16xf32>
        %get3A_394 = arith.index_cast %scan3A_260 : i32 to index
        %get3A_395 = arith.constant 368 : index
        %get3A_396 = tpu.vector_load %arg8[%get3A_394, %get3A_395] {strides = array<i32>} : memref<16x768xf32, #tpu.memory_space<vmem>>, vector<1x16xf32>,
        %get3A_397 = vector.shape_cast %get3A_396 : vector<1x16xf32> to vector<16xf32>
        %mul3A_398 = arith.mulf %get3A_397, %get3A_92 : vector<16xf32>
        %add3A_399 = arith.addf %add3A_363, %mul3A_398 : vector<16xf32>
        %get3A_400 = arith.index_cast %scan3A_260 : i32 to index
        %get3A_401 = arith.constant 384 : index
        %get3A_402 = tpu.vector_load %arg8[%get3A_400, %get3A_401] {strides = array<i32>} : memref<16x768xf32, #tpu.memory_space<vmem>>, vector<1x16xf32>,
        %get3A_403 = vector.shape_cast %get3A_402 : vector<1x16xf32> to vector<16xf32>
        %mul3A_404 = arith.mulf %get3A_403, %get3A_95 : vector<16xf32>
        %add3A_405 = arith.addf %add3A_369, %mul3A_404 : vector<16xf32>
        %get3A_406 = arith.index_cast %scan3A_260 : i32 to index
        %get3A_407 = arith.constant 400 : index
        %get3A_408 = tpu.vector_load %arg8[%get3A_406, %get3A_407] {strides = array<i32>} : memref<16x768xf32, #tpu.memory_space<vmem>>, vector<1x16xf32>,
        %get3A_409 = vector.shape_cast %get3A_408 : vector<1x16xf32> to vector<16xf32>
        %mul3A_410 = arith.mulf %get3A_409, %get3A_98 : vector<16xf32>
        %add3A_411 = arith.addf %add3A_375, %mul3A_410 : vector<16xf32>
        %get3A_412 = arith.index_cast %scan3A_260 : i32 to index
        %get3A_413 = arith.constant 416 : index
        %get3A_414 = tpu.vector_load %arg8[%get3A_412, %get3A_413] {strides = array<i32>} : memref<16x768xf32, #tpu.memory_space<vmem>>, vector<1x16xf32>,
        %get3A_415 = vector.shape_cast %get3A_414 : vector<1x16xf32> to vector<16xf32>
        %mul3A_416 = arith.mulf %get3A_415, %get3A_101 : vector<16xf32>
        %add3A_417 = arith.addf %add3A_381, %mul3A_416 : vector<16xf32>
        %get3A_418 = arith.index_cast %scan3A_260 : i32 to index
        %get3A_419 = arith.constant 432 : index
        %get3A_420 = tpu.vector_load %arg8[%get3A_418, %get3A_419] {strides = array<i32>} : memref<16x768xf32, #tpu.memory_space<vmem>>, vector<1x16xf32>,
        %get3A_421 = vector.shape_cast %get3A_420 : vector<1x16xf32> to vector<16xf32>
        %mul3A_422 = arith.mulf %get3A_421, %get3A_104 : vector<16xf32>
        %add3A_423 = arith.addf %add3A_387, %mul3A_422 : vector<16xf32>
        %get3A_424 = arith.index_cast %scan3A_260 : i32 to index
        %get3A_425 = arith.constant 448 : index
        %get3A_426 = tpu.vector_load %arg8[%get3A_424, %get3A_425] {strides = array<i32>} : memref<16x768xf32, #tpu.memory_space<vmem>>, vector<1x16xf32>,
        %get3A_427 = vector.shape_cast %get3A_426 : vector<1x16xf32> to vector<16xf32>
        %mul3A_428 = arith.mulf %get3A_427, %get3A_107 : vector<16xf32>
        %add3A_429 = arith.addf %add3A_393, %mul3A_428 : vector<16xf32>
        %get3A_430 = arith.index_cast %scan3A_260 : i32 to index
        %get3A_431 = arith.constant 464 : index
        %get3A_432 = tpu.vector_load %arg8[%get3A_430, %get3A_431] {strides = array<i32>} : memref<16x768xf32, #tpu.memory_space<vmem>>, vector<1x16xf32>,
        %get3A_433 = vector.shape_cast %get3A_432 : vector<1x16xf32> to vector<16xf32>
        %mul3A_434 = arith.mulf %get3A_433, %get3A_110 : vector<16xf32>
        %add3A_435 = arith.addf %add3A_399, %mul3A_434 : vector<16xf32>
        %get3A_436 = arith.index_cast %scan3A_260 : i32 to index
        %get3A_437 = arith.constant 480 : index
        %get3A_438 = tpu.vector_load %arg8[%get3A_436, %get3A_437] {strides = array<i32>} : memref<16x768xf32, #tpu.memory_space<vmem>>, vector<1x16xf32>,
        %get3A_439 = vector.shape_cast %get3A_438 : vector<1x16xf32> to vector<16xf32>
        %mul3A_440 = arith.mulf %get3A_439, %get3A_113 : vector<16xf32>
        %add3A_441 = arith.addf %add3A_405, %mul3A_440 : vector<16xf32>
        %get3A_442 = arith.index_cast %scan3A_260 : i32 to index
        %get3A_443 = arith.constant 496 : index
        %get3A_444 = tpu.vector_load %arg8[%get3A_442, %get3A_443] {strides = array<i32>} : memref<16x768xf32, #tpu.memory_space<vmem>>, vector<1x16xf32>,
        %get3A_445 = vector.shape_cast %get3A_444 : vector<1x16xf32> to vector<16xf32>
        %mul3A_446 = arith.mulf %get3A_445, %get3A_116 : vector<16xf32>
        %add3A_447 = arith.addf %add3A_411, %mul3A_446 : vector<16xf32>
        %get3A_448 = arith.index_cast %scan3A_260 : i32 to index
        %get3A_449 = arith.constant 512 : index
        %get3A_450 = tpu.vector_load %arg8[%get3A_448, %get3A_449] {strides = array<i32>} : memref<16x768xf32, #tpu.memory_space<vmem>>, vector<1x16xf32>,
        %get3A_451 = vector.shape_cast %get3A_450 : vector<1x16xf32> to vector<16xf32>
        %mul3A_452 = arith.mulf %get3A_451, %get3A_119 : vector<16xf32>
        %add3A_453 = arith.addf %add3A_417, %mul3A_452 : vector<16xf32>
        %get3A_454 = arith.index_cast %scan3A_260 : i32 to index
        %get3A_455 = arith.constant 528 : index
        %get3A_456 = tpu.vector_load %arg8[%get3A_454, %get3A_455] {strides = array<i32>} : memref<16x768xf32, #tpu.memory_space<vmem>>, vector<1x16xf32>,
        %get3A_457 = vector.shape_cast %get3A_456 : vector<1x16xf32> to vector<16xf32>
        %mul3A_458 = arith.mulf %get3A_457, %get3A_122 : vector<16xf32>
        %add3A_459 = arith.addf %add3A_423, %mul3A_458 : vector<16xf32>
        %get3A_460 = arith.index_cast %scan3A_260 : i32 to index
        %get3A_461 = arith.constant 544 : index
        %get3A_462 = tpu.vector_load %arg8[%get3A_460, %get3A_461] {strides = array<i32>} : memref<16x768xf32, #tpu.memory_space<vmem>>, vector<1x16xf32>,
        %get3A_463 = vector.shape_cast %get3A_462 : vector<1x16xf32> to vector<16xf32>
        %mul3A_464 = arith.mulf %get3A_463, %get3A_125 : vector<16xf32>
        %add3A_465 = arith.addf %add3A_429, %mul3A_464 : vector<16xf32>
        %get3A_466 = arith.index_cast %scan3A_260 : i32 to index
        %get3A_467 = arith.constant 560 : index
        %get3A_468 = tpu.vector_load %arg8[%get3A_466, %get3A_467] {strides = array<i32>} : memref<16x768xf32, #tpu.memory_space<vmem>>, vector<1x16xf32>,
        %get3A_469 = vector.shape_cast %get3A_468 : vector<1x16xf32> to vector<16xf32>
        %mul3A_470 = arith.mulf %get3A_469, %get3A_128 : vector<16xf32>
        %add3A_471 = arith.addf %add3A_435, %mul3A_470 : vector<16xf32>
        %get3A_472 = arith.index_cast %scan3A_260 : i32 to index
        %get3A_473 = arith.constant 576 : index
        %get3A_474 = tpu.vector_load %arg8[%get3A_472, %get3A_473] {strides = array<i32>} : memref<16x768xf32, #tpu.memory_space<vmem>>, vector<1x16xf32>,
        %get3A_475 = vector.shape_cast %get3A_474 : vector<1x16xf32> to vector<16xf32>
        %mul3A_476 = arith.mulf %get3A_475, %get3A_131 : vector<16xf32>
        %add3A_477 = arith.addf %add3A_441, %mul3A_476 : vector<16xf32>
        %get3A_478 = arith.index_cast %scan3A_260 : i32 to index
        %get3A_479 = arith.constant 592 : index
        %get3A_480 = tpu.vector_load %arg8[%get3A_478, %get3A_479] {strides = array<i32>} : memref<16x768xf32, #tpu.memory_space<vmem>>, vector<1x16xf32>,
        %get3A_481 = vector.shape_cast %get3A_480 : vector<1x16xf32> to vector<16xf32>
        %mul3A_482 = arith.mulf %get3A_481, %get3A_134 : vector<16xf32>
        %add3A_483 = arith.addf %add3A_447, %mul3A_482 : vector<16xf32>
        %get3A_484 = arith.index_cast %scan3A_260 : i32 to index
        %get3A_485 = arith.constant 608 : index
        %get3A_486 = tpu.vector_load %arg8[%get3A_484, %get3A_485] {strides = array<i32>} : memref<16x768xf32, #tpu.memory_space<vmem>>, vector<1x16xf32>,
        %get3A_487 = vector.shape_cast %get3A_486 : vector<1x16xf32> to vector<16xf32>
        %mul3A_488 = arith.mulf %get3A_487, %get3A_137 : vector<16xf32>
        %add3A_489 = arith.addf %add3A_453, %mul3A_488 : vector<16xf32>
        %get3A_490 = arith.index_cast %scan3A_260 : i32 to index
        %get3A_491 = arith.constant 624 : index
        %get3A_492 = tpu.vector_load %arg8[%get3A_490, %get3A_491] {strides = array<i32>} : memref<16x768xf32, #tpu.memory_space<vmem>>, vector<1x16xf32>,
        %get3A_493 = vector.shape_cast %get3A_492 : vector<1x16xf32> to vector<16xf32>
        %mul3A_494 = arith.mulf %get3A_493, %get3A_140 : vector<16xf32>
        %add3A_495 = arith.addf %add3A_459, %mul3A_494 : vector<16xf32>
        %get3A_496 = arith.index_cast %scan3A_260 : i32 to index
        %get3A_497 = arith.constant 640 : index
        %get3A_498 = tpu.vector_load %arg8[%get3A_496, %get3A_497] {strides = array<i32>} : memref<16x768xf32, #tpu.memory_space<vmem>>, vector<1x16xf32>,
        %get3A_499 = vector.shape_cast %get3A_498 : vector<1x16xf32> to vector<16xf32>
        %mul3A_500 = arith.mulf %get3A_499, %get3A_143 : vector<16xf32>
        %add3A_501 = arith.addf %add3A_465, %mul3A_500 : vector<16xf32>
        %get3A_502 = arith.index_cast %scan3A_260 : i32 to index
        %get3A_503 = arith.constant 656 : index
        %get3A_504 = tpu.vector_load %arg8[%get3A_502, %get3A_503] {strides = array<i32>} : memref<16x768xf32, #tpu.memory_space<vmem>>, vector<1x16xf32>,
        %get3A_505 = vector.shape_cast %get3A_504 : vector<1x16xf32> to vector<16xf32>
        %mul3A_506 = arith.mulf %get3A_505, %get3A_146 : vector<16xf32>
        %add3A_507 = arith.addf %add3A_471, %mul3A_506 : vector<16xf32>
        %get3A_508 = arith.index_cast %scan3A_260 : i32 to index
        %get3A_509 = arith.constant 672 : index
        %get3A_510 = tpu.vector_load %arg8[%get3A_508, %get3A_509] {strides = array<i32>} : memref<16x768xf32, #tpu.memory_space<vmem>>, vector<1x16xf32>,
        %get3A_511 = vector.shape_cast %get3A_510 : vector<1x16xf32> to vector<16xf32>
        %mul3A_512 = arith.mulf %get3A_511, %get3A_149 : vector<16xf32>
        %add3A_513 = arith.addf %add3A_477, %mul3A_512 : vector<16xf32>
        %get3A_514 = arith.index_cast %scan3A_260 : i32 to index
        %get3A_515 = arith.constant 688 : index
        %get3A_516 = tpu.vector_load %arg8[%get3A_514, %get3A_515] {strides = array<i32>} : memref<16x768xf32, #tpu.memory_space<vmem>>, vector<1x16xf32>,
        %get3A_517 = vector.shape_cast %get3A_516 : vector<1x16xf32> to vector<16xf32>
        %mul3A_518 = arith.mulf %get3A_517, %get3A_152 : vector<16xf32>
        %add3A_519 = arith.addf %add3A_483, %mul3A_518 : vector<16xf32>
        %get3A_520 = arith.index_cast %scan3A_260 : i32 to index
        %get3A_521 = arith.constant 704 : index
        %get3A_522 = tpu.vector_load %arg8[%get3A_520, %get3A_521] {strides = array<i32>} : memref<16x768xf32, #tpu.memory_space<vmem>>, vector<1x16xf32>,
        %get3A_523 = vector.shape_cast %get3A_522 : vector<1x16xf32> to vector<16xf32>
        %mul3A_524 = arith.mulf %get3A_523, %get3A_155 : vector<16xf32>
        %add3A_525 = arith.addf %add3A_489, %mul3A_524 : vector<16xf32>
        %get3A_526 = arith.index_cast %scan3A_260 : i32 to index
        %get3A_527 = arith.constant 720 : index
        %get3A_528 = tpu.vector_load %arg8[%get3A_526, %get3A_527] {strides = array<i32>} : memref<16x768xf32, #tpu.memory_space<vmem>>, vector<1x16xf32>,
        %get3A_529 = vector.shape_cast %get3A_528 : vector<1x16xf32> to vector<16xf32>
        %mul3A_530 = arith.mulf %get3A_529, %get3A_158 : vector<16xf32>
        %add3A_531 = arith.addf %add3A_495, %mul3A_530 : vector<16xf32>
        %get3A_532 = arith.index_cast %scan3A_260 : i32 to index
        %get3A_533 = arith.constant 736 : index
        %get3A_534 = tpu.vector_load %arg8[%get3A_532, %get3A_533] {strides = array<i32>} : memref<16x768xf32, #tpu.memory_space<vmem>>, vector<1x16xf32>,
        %get3A_535 = vector.shape_cast %get3A_534 : vector<1x16xf32> to vector<16xf32>
        %mul3A_536 = arith.mulf %get3A_535, %get3A_161 : vector<16xf32>
        %add3A_537 = arith.addf %add3A_501, %mul3A_536 : vector<16xf32>
        %get3A_538 = arith.index_cast %scan3A_260 : i32 to index
        %get3A_539 = arith.constant 752 : index
        %get3A_540 = tpu.vector_load %arg8[%get3A_538, %get3A_539] {strides = array<i32>} : memref<16x768xf32, #tpu.memory_space<vmem>>, vector<1x16xf32>,
        %get3A_541 = vector.shape_cast %get3A_540 : vector<1x16xf32> to vector<16xf32>
        %mul3A_542 = arith.mulf %get3A_541, %get3A_164 : vector<16xf32>
        %add3A_543 = arith.addf %add3A_507, %mul3A_542 : vector<16xf32>
        %add3A_544 = arith.addf %add3A_513, %add3A_519 : vector<16xf32>
        %add3A_545 = arith.addf %add3A_525, %add3A_531 : vector<16xf32>
        %add3A_546 = arith.addf %add3A_544, %add3A_545 : vector<16xf32>
        %add3A_547 = arith.addf %add3A_537, %add3A_543 : vector<16xf32>
        %add3A_548 = arith.addf %add3A_546, %add3A_547 : vector<16xf32>
        %mul3A_549 = arith.constant 16 : i32
        %mul3A_550 = arith.muli %add3A_178, %mul3A_549 : i32
        %add3A_551 = arith.addi %mul3A_550, %scan3A_260 : i32
        %shift_right_arithmetic3A = arith.constant 3 : i32
        %shift_right_arithmetic3A_552 = arith.shrsi %add3A_551, %shift_right_arithmetic3A : i32
        %and3A = arith.constant 7 : i32
        %and3A_553 = arith.andi %add3A_551, %and3A : i32
        %mul3A_554 = arith.constant 16 : i32
        %mul3A_555 = arith.muli %and3A_553, %mul3A_554 : i32
        %swap3A = arith.index_cast %shift_right_arithmetic3A_552 : i32 to index
        %swap3A_556 = arith.index_cast %mul3A_555 : i32 to index
        %swap3A_557 = tpu.vector_load %arg12[%swap3A, %swap3A_556] {strides = array<i32>} : memref<64x128xf32, #tpu.memory_space<vmem>>, vector<1x16xf32>,
        %swap3A_558 = vector.shape_cast %swap3A_557 : vector<1x16xf32> to vector<16xf32>
        %swap3A_559 = vector.shape_cast %add3A_548 : vector<16xf32> to vector<1x16xf32>
        tpu.vector_store %arg12[%swap3A, %swap3A_556], %swap3A_559 {strides = array<i32>} : memref<64x128xf32, #tpu.memory_space<vmem>>, vector<1x16xf32>,
        %scan3A_560 = arith.constant 0 : i32
        scf.yield %scan3A_560 : i32
      }
      %scan3A_190 = arith.constant 16 : i32
      %lt3A = arith.constant 7 : i32
      %lt3A_191 = arith.cmpi slt, %scan3A_173, %lt3A : i32
      %convert_element_type3A = arith.extui %lt3A_191 : i1 to i32
      %cond3A = arith.constant 0 : i32
      %cond3A_192 = arith.cmpi ne, %convert_element_type3A, %cond3A : i32
      scf.if %cond3A_192 {
        %add3A_260 = arith.constant 4 : i32
        %add3A_261 = arith.addi %add3A_178, %add3A_260 : i32
        %mul3A_262 = arith.constant 16 : i32
        %mul3A_263 = arith.muli %add3A_261, %mul3A_262 : i32
        %dma_start3A_264 = tpu.memref_slice %arg6[%mul3A_263] : memref<512xi32, #tpu.memory_space<vmem>> -> memref<16xi32, #tpu.memory_space<vmem>>
        %dma_start3A_265 = arith.constant 0 : i32
        %dma_start3A_266 = arith.constant 0 : i32
        %dma_start3A_267 = tpu.memref_slice %arg4[%dma_start3A_265, %dma_start3A_266] : memref<100000x768xf32, #tpu.memory_space<hbm>> -> memref<100000x768xf32, #tpu.memory_space<hbm>>
        tpu.enqueue_indirect_dma source(%dma_start3A_267 : memref<100000x768xf32, #tpu.memory_space<hbm>>) target(%arg8 : memref<16x768xf32, #tpu.memory_space<vmem>>) offsets(%dma_start3A_264 : memref<16xi32, #tpu.memory_space<vmem>>) semaphore(%arg13 : memref<!tpu.dma_semaphore, #tpu.memory_space<semaphore_mem>>)
      } else {
      }
      %mul3A_193 = arith.constant 4 : i32
      %mul3A_194 = arith.muli %scan3A_173, %mul3A_193 : i32
      %add3A_195 = arith.constant 1 : i32
      %add3A_196 = arith.addi %mul3A_194, %add3A_195 : i32
      %mul3A_197 = arith.constant 16 : i32
      %mul3A_198 = arith.muli %add3A_196, %mul3A_197 : i32
      %dma_wait3A_199 = tpu.memref_slice %arg6[%mul3A_198] : memref<512xi32, #tpu.memory_space<vmem>> -> memref<16xi32, #tpu.memory_space<vmem>>
      %dma_wait3A_200 = arith.constant 0 : i32
      %dma_wait3A_201 = arith.constant 0 : i32
      %dma_wait3A_202 = tpu.memref_slice %arg4[%dma_wait3A_200, %dma_wait3A_201] : memref<100000x768xf32, #tpu.memory_space<hbm>> -> memref<100000x768xf32, #tpu.memory_space<hbm>>
      tpu.wait_indirect_dma semaphore(%arg14 : memref<!tpu.dma_semaphore, #tpu.memory_space<semaphore_mem>>) src(%dma_wait3A_202 : memref<100000x768xf32, #tpu.memory_space<hbm>>) dst(%arg9 : memref<16x768xf32, #tpu.memory_space<vmem>>)
      %scan3A_203 = arith.constant 0 : i32
      %scan3A_204 = arith.constant 0 : i32
      %scan3A_205 = arith.constant 16 : i32
      %scan3A_206 = arith.addi %scan3A_204, %scan3A_205 : i32
      %scan3A_207 = arith.constant 1 : i32
      %scan3A_208 = scf.for %scan3A_260 = %scan3A_204 to %scan3A_206 step %scan3A_207 iter_args(%scan3A_261 = %scan3A_203) -> (i32)  : i32 {
        %get3A_262 = arith.index_cast %scan3A_260 : i32 to index
        %get3A_263 = arith.constant 0 : index
        %get3A_264 = tpu.vector_load %arg9[%get3A_262, %get3A_263] {strides = array<i32>} : memref<16x768xf32, #tpu.memory_space<vmem>>, vector<1x16xf32>,
        %get3A_265 = vector.shape_cast %get3A_264 : vector<1x16xf32> to vector<16xf32>
        %mul3A_266 = arith.mulf %get3A_265, %get3A_23 : vector<16xf32>
        %get3A_267 = arith.index_cast %scan3A_260 : i32 to index
        %get3A_268 = arith.constant 16 : index
        %get3A_269 = tpu.vector_load %arg9[%get3A_267, %get3A_268] {strides = array<i32>} : memref<16x768xf32, #tpu.memory_space<vmem>>, vector<1x16xf32>,
        %get3A_270 = vector.shape_cast %get3A_269 : vector<1x16xf32> to vector<16xf32>
        %mul3A_271 = arith.mulf %get3A_270, %get3A_26 : vector<16xf32>
        %get3A_272 = arith.index_cast %scan3A_260 : i32 to index
        %get3A_273 = arith.constant 32 : index
        %get3A_274 = tpu.vector_load %arg9[%get3A_272, %get3A_273] {strides = array<i32>} : memref<16x768xf32, #tpu.memory_space<vmem>>, vector<1x16xf32>,
        %get3A_275 = vector.shape_cast %get3A_274 : vector<1x16xf32> to vector<16xf32>
        %mul3A_276 = arith.mulf %get3A_275, %get3A_29 : vector<16xf32>
        %get3A_277 = arith.index_cast %scan3A_260 : i32 to index
        %get3A_278 = arith.constant 48 : index
        %get3A_279 = tpu.vector_load %arg9[%get3A_277, %get3A_278] {strides = array<i32>} : memref<16x768xf32, #tpu.memory_space<vmem>>, vector<1x16xf32>,
        %get3A_280 = vector.shape_cast %get3A_279 : vector<1x16xf32> to vector<16xf32>
        %mul3A_281 = arith.mulf %get3A_280, %get3A_32 : vector<16xf32>
        %get3A_282 = arith.index_cast %scan3A_260 : i32 to index
        %get3A_283 = arith.constant 64 : index
        %get3A_284 = tpu.vector_load %arg9[%get3A_282, %get3A_283] {strides = array<i32>} : memref<16x768xf32, #tpu.memory_space<vmem>>, vector<1x16xf32>,
        %get3A_285 = vector.shape_cast %get3A_284 : vector<1x16xf32> to vector<16xf32>
        %mul3A_286 = arith.mulf %get3A_285, %get3A_35 : vector<16xf32>
        %get3A_287 = arith.index_cast %scan3A_260 : i32 to index
        %get3A_288 = arith.constant 80 : index
        %get3A_289 = tpu.vector_load %arg9[%get3A_287, %get3A_288] {strides = array<i32>} : memref<16x768xf32, #tpu.memory_space<vmem>>, vector<1x16xf32>,
        %get3A_290 = vector.shape_cast %get3A_289 : vector<1x16xf32> to vector<16xf32>
        %mul3A_291 = arith.mulf %get3A_290, %get3A_38 : vector<16xf32>
        %get3A_292 = arith.index_cast %scan3A_260 : i32 to index
        %get3A_293 = arith.constant 96 : index
        %get3A_294 = tpu.vector_load %arg9[%get3A_292, %get3A_293] {strides = array<i32>} : memref<16x768xf32, #tpu.memory_space<vmem>>, vector<1x16xf32>,
        %get3A_295 = vector.shape_cast %get3A_294 : vector<1x16xf32> to vector<16xf32>
        %mul3A_296 = arith.mulf %get3A_295, %get3A_41 : vector<16xf32>
        %add3A_297 = arith.addf %mul3A_266, %mul3A_296 : vector<16xf32>
        %get3A_298 = arith.index_cast %scan3A_260 : i32 to index
        %get3A_299 = arith.constant 112 : index
        %get3A_300 = tpu.vector_load %arg9[%get3A_298, %get3A_299] {strides = array<i32>} : memref<16x768xf32, #tpu.memory_space<vmem>>, vector<1x16xf32>,
        %get3A_301 = vector.shape_cast %get3A_300 : vector<1x16xf32> to vector<16xf32>
        %mul3A_302 = arith.mulf %get3A_301, %get3A_44 : vector<16xf32>
        %add3A_303 = arith.addf %mul3A_271, %mul3A_302 : vector<16xf32>
        %get3A_304 = arith.index_cast %scan3A_260 : i32 to index
        %get3A_305 = arith.constant 128 : index
        %get3A_306 = tpu.vector_load %arg9[%get3A_304, %get3A_305] {strides = array<i32>} : memref<16x768xf32, #tpu.memory_space<vmem>>, vector<1x16xf32>,
        %get3A_307 = vector.shape_cast %get3A_306 : vector<1x16xf32> to vector<16xf32>
        %mul3A_308 = arith.mulf %get3A_307, %get3A_47 : vector<16xf32>
        %add3A_309 = arith.addf %mul3A_276, %mul3A_308 : vector<16xf32>
        %get3A_310 = arith.index_cast %scan3A_260 : i32 to index
        %get3A_311 = arith.constant 144 : index
        %get3A_312 = tpu.vector_load %arg9[%get3A_310, %get3A_311] {strides = array<i32>} : memref<16x768xf32, #tpu.memory_space<vmem>>, vector<1x16xf32>,
        %get3A_313 = vector.shape_cast %get3A_312 : vector<1x16xf32> to vector<16xf32>
        %mul3A_314 = arith.mulf %get3A_313, %get3A_50 : vector<16xf32>
        %add3A_315 = arith.addf %mul3A_281, %mul3A_314 : vector<16xf32>
        %get3A_316 = arith.index_cast %scan3A_260 : i32 to index
        %get3A_317 = arith.constant 160 : index
        %get3A_318 = tpu.vector_load %arg9[%get3A_316, %get3A_317] {strides = array<i32>} : memref<16x768xf32, #tpu.memory_space<vmem>>, vector<1x16xf32>,
        %get3A_319 = vector.shape_cast %get3A_318 : vector<1x16xf32> to vector<16xf32>
        %mul3A_320 = arith.mulf %get3A_319, %get3A_53 : vector<16xf32>
        %add3A_321 = arith.addf %mul3A_286, %mul3A_320 : vector<16xf32>
        %get3A_322 = arith.index_cast %scan3A_260 : i32 to index
        %get3A_323 = arith.constant 176 : index
        %get3A_324 = tpu.vector_load %arg9[%get3A_322, %get3A_323] {strides = array<i32>} : memref<16x768xf32, #tpu.memory_space<vmem>>, vector<1x16xf32>,
        %get3A_325 = vector.shape_cast %get3A_324 : vector<1x16xf32> to vector<16xf32>
        %mul3A_326 = arith.mulf %get3A_325, %get3A_56 : vector<16xf32>
        %add3A_327 = arith.addf %mul3A_291, %mul3A_326 : vector<16xf32>
        %get3A_328 = arith.index_cast %scan3A_260 : i32 to index
        %get3A_329 = arith.constant 192 : index
        %get3A_330 = tpu.vector_load %arg9[%get3A_328, %get3A_329] {strides = array<i32>} : memref<16x768xf32, #tpu.memory_space<vmem>>, vector<1x16xf32>,
        %get3A_331 = vector.shape_cast %get3A_330 : vector<1x16xf32> to vector<16xf32>
        %mul3A_332 = arith.mulf %get3A_331, %get3A_59 : vector<16xf32>
        %add3A_333 = arith.addf %add3A_297, %mul3A_332 : vector<16xf32>
        %get3A_334 = arith.index_cast %scan3A_260 : i32 to index
        %get3A_335 = arith.constant 208 : index
        %get3A_336 = tpu.vector_load %arg9[%get3A_334, %get3A_335] {strides = array<i32>} : memref<16x768xf32, #tpu.memory_space<vmem>>, vector<1x16xf32>,
        %get3A_337 = vector.shape_cast %get3A_336 : vector<1x16xf32> to vector<16xf32>
        %mul3A_338 = arith.mulf %get3A_337, %get3A_62 : vector<16xf32>
        %add3A_339 = arith.addf %add3A_303, %mul3A_338 : vector<16xf32>
        %get3A_340 = arith.index_cast %scan3A_260 : i32 to index
        %get3A_341 = arith.constant 224 : index
        %get3A_342 = tpu.vector_load %arg9[%get3A_340, %get3A_341] {strides = array<i32>} : memref<16x768xf32, #tpu.memory_space<vmem>>, vector<1x16xf32>,
        %get3A_343 = vector.shape_cast %get3A_342 : vector<1x16xf32> to vector<16xf32>
        %mul3A_344 = arith.mulf %get3A_343, %get3A_65 : vector<16xf32>
        %add3A_345 = arith.addf %add3A_309, %mul3A_344 : vector<16xf32>
        %get3A_346 = arith.index_cast %scan3A_260 : i32 to index
        %get3A_347 = arith.constant 240 : index
        %get3A_348 = tpu.vector_load %arg9[%get3A_346, %get3A_347] {strides = array<i32>} : memref<16x768xf32, #tpu.memory_space<vmem>>, vector<1x16xf32>,
        %get3A_349 = vector.shape_cast %get3A_348 : vector<1x16xf32> to vector<16xf32>
        %mul3A_350 = arith.mulf %get3A_349, %get3A_68 : vector<16xf32>
        %add3A_351 = arith.addf %add3A_315, %mul3A_350 : vector<16xf32>
        %get3A_352 = arith.index_cast %scan3A_260 : i32 to index
        %get3A_353 = arith.constant 256 : index
        %get3A_354 = tpu.vector_load %arg9[%get3A_352, %get3A_353] {strides = array<i32>} : memref<16x768xf32, #tpu.memory_space<vmem>>, vector<1x16xf32>,
        %get3A_355 = vector.shape_cast %get3A_354 : vector<1x16xf32> to vector<16xf32>
        %mul3A_356 = arith.mulf %get3A_355, %get3A_71 : vector<16xf32>
        %add3A_357 = arith.addf %add3A_321, %mul3A_356 : vector<16xf32>
        %get3A_358 = arith.index_cast %scan3A_260 : i32 to index
        %get3A_359 = arith.constant 272 : index
        %get3A_360 = tpu.vector_load %arg9[%get3A_358, %get3A_359] {strides = array<i32>} : memref<16x768xf32, #tpu.memory_space<vmem>>, vector<1x16xf32>,
        %get3A_361 = vector.shape_cast %get3A_360 : vector<1x16xf32> to vector<16xf32>
        %mul3A_362 = arith.mulf %get3A_361, %get3A_74 : vector<16xf32>
        %add3A_363 = arith.addf %add3A_327, %mul3A_362 : vector<16xf32>
        %get3A_364 = arith.index_cast %scan3A_260 : i32 to index
        %get3A_365 = arith.constant 288 : index
        %get3A_366 = tpu.vector_load %arg9[%get3A_364, %get3A_365] {strides = array<i32>} : memref<16x768xf32, #tpu.memory_space<vmem>>, vector<1x16xf32>,
        %get3A_367 = vector.shape_cast %get3A_366 : vector<1x16xf32> to vector<16xf32>
        %mul3A_368 = arith.mulf %get3A_367, %get3A_77 : vector<16xf32>
        %add3A_369 = arith.addf %add3A_333, %mul3A_368 : vector<16xf32>
        %get3A_370 = arith.index_cast %scan3A_260 : i32 to index
        %get3A_371 = arith.constant 304 : index
        %get3A_372 = tpu.vector_load %arg9[%get3A_370, %get3A_371] {strides = array<i32>} : memref<16x768xf32, #tpu.memory_space<vmem>>, vector<1x16xf32>,
        %get3A_373 = vector.shape_cast %get3A_372 : vector<1x16xf32> to vector<16xf32>
        %mul3A_374 = arith.mulf %get3A_373, %get3A_80 : vector<16xf32>
        %add3A_375 = arith.addf %add3A_339, %mul3A_374 : vector<16xf32>
        %get3A_376 = arith.index_cast %scan3A_260 : i32 to index
        %get3A_377 = arith.constant 320 : index
        %get3A_378 = tpu.vector_load %arg9[%get3A_376, %get3A_377] {strides = array<i32>} : memref<16x768xf32, #tpu.memory_space<vmem>>, vector<1x16xf32>,
        %get3A_379 = vector.shape_cast %get3A_378 : vector<1x16xf32> to vector<16xf32>
        %mul3A_380 = arith.mulf %get3A_379, %get3A_83 : vector<16xf32>
        %add3A_381 = arith.addf %add3A_345, %mul3A_380 : vector<16xf32>
        %get3A_382 = arith.index_cast %scan3A_260 : i32 to index
        %get3A_383 = arith.constant 336 : index
        %get3A_384 = tpu.vector_load %arg9[%get3A_382, %get3A_383] {strides = array<i32>} : memref<16x768xf32, #tpu.memory_space<vmem>>, vector<1x16xf32>,
        %get3A_385 = vector.shape_cast %get3A_384 : vector<1x16xf32> to vector<16xf32>
        %mul3A_386 = arith.mulf %get3A_385, %get3A_86 : vector<16xf32>
        %add3A_387 = arith.addf %add3A_351, %mul3A_386 : vector<16xf32>
        %get3A_388 = arith.index_cast %scan3A_260 : i32 to index
        %get3A_389 = arith.constant 352 : index
        %get3A_390 = tpu.vector_load %arg9[%get3A_388, %get3A_389] {strides = array<i32>} : memref<16x768xf32, #tpu.memory_space<vmem>>, vector<1x16xf32>,
        %get3A_391 = vector.shape_cast %get3A_390 : vector<1x16xf32> to vector<16xf32>
        %mul3A_392 = arith.mulf %get3A_391, %get3A_89 : vector<16xf32>
        %add3A_393 = arith.addf %add3A_357, %mul3A_392 : vector<16xf32>
        %get3A_394 = arith.index_cast %scan3A_260 : i32 to index
        %get3A_395 = arith.constant 368 : index
        %get3A_396 = tpu.vector_load %arg9[%get3A_394, %get3A_395] {strides = array<i32>} : memref<16x768xf32, #tpu.memory_space<vmem>>, vector<1x16xf32>,
        %get3A_397 = vector.shape_cast %get3A_396 : vector<1x16xf32> to vector<16xf32>
        %mul3A_398 = arith.mulf %get3A_397, %get3A_92 : vector<16xf32>
        %add3A_399 = arith.addf %add3A_363, %mul3A_398 : vector<16xf32>
        %get3A_400 = arith.index_cast %scan3A_260 : i32 to index
        %get3A_401 = arith.constant 384 : index
        %get3A_402 = tpu.vector_load %arg9[%get3A_400, %get3A_401] {strides = array<i32>} : memref<16x768xf32, #tpu.memory_space<vmem>>, vector<1x16xf32>,
        %get3A_403 = vector.shape_cast %get3A_402 : vector<1x16xf32> to vector<16xf32>
        %mul3A_404 = arith.mulf %get3A_403, %get3A_95 : vector<16xf32>
        %add3A_405 = arith.addf %add3A_369, %mul3A_404 : vector<16xf32>
        %get3A_406 = arith.index_cast %scan3A_260 : i32 to index
        %get3A_407 = arith.constant 400 : index
        %get3A_408 = tpu.vector_load %arg9[%get3A_406, %get3A_407] {strides = array<i32>} : memref<16x768xf32, #tpu.memory_space<vmem>>, vector<1x16xf32>,
        %get3A_409 = vector.shape_cast %get3A_408 : vector<1x16xf32> to vector<16xf32>
        %mul3A_410 = arith.mulf %get3A_409, %get3A_98 : vector<16xf32>
        %add3A_411 = arith.addf %add3A_375, %mul3A_410 : vector<16xf32>
        %get3A_412 = arith.index_cast %scan3A_260 : i32 to index
        %get3A_413 = arith.constant 416 : index
        %get3A_414 = tpu.vector_load %arg9[%get3A_412, %get3A_413] {strides = array<i32>} : memref<16x768xf32, #tpu.memory_space<vmem>>, vector<1x16xf32>,
        %get3A_415 = vector.shape_cast %get3A_414 : vector<1x16xf32> to vector<16xf32>
        %mul3A_416 = arith.mulf %get3A_415, %get3A_101 : vector<16xf32>
        %add3A_417 = arith.addf %add3A_381, %mul3A_416 : vector<16xf32>
        %get3A_418 = arith.index_cast %scan3A_260 : i32 to index
        %get3A_419 = arith.constant 432 : index
        %get3A_420 = tpu.vector_load %arg9[%get3A_418, %get3A_419] {strides = array<i32>} : memref<16x768xf32, #tpu.memory_space<vmem>>, vector<1x16xf32>,
        %get3A_421 = vector.shape_cast %get3A_420 : vector<1x16xf32> to vector<16xf32>
        %mul3A_422 = arith.mulf %get3A_421, %get3A_104 : vector<16xf32>
        %add3A_423 = arith.addf %add3A_387, %mul3A_422 : vector<16xf32>
        %get3A_424 = arith.index_cast %scan3A_260 : i32 to index
        %get3A_425 = arith.constant 448 : index
        %get3A_426 = tpu.vector_load %arg9[%get3A_424, %get3A_425] {strides = array<i32>} : memref<16x768xf32, #tpu.memory_space<vmem>>, vector<1x16xf32>,
        %get3A_427 = vector.shape_cast %get3A_426 : vector<1x16xf32> to vector<16xf32>
        %mul3A_428 = arith.mulf %get3A_427, %get3A_107 : vector<16xf32>
        %add3A_429 = arith.addf %add3A_393, %mul3A_428 : vector<16xf32>
        %get3A_430 = arith.index_cast %scan3A_260 : i32 to index
        %get3A_431 = arith.constant 464 : index
        %get3A_432 = tpu.vector_load %arg9[%get3A_430, %get3A_431] {strides = array<i32>} : memref<16x768xf32, #tpu.memory_space<vmem>>, vector<1x16xf32>,
        %get3A_433 = vector.shape_cast %get3A_432 : vector<1x16xf32> to vector<16xf32>
        %mul3A_434 = arith.mulf %get3A_433, %get3A_110 : vector<16xf32>
        %add3A_435 = arith.addf %add3A_399, %mul3A_434 : vector<16xf32>
        %get3A_436 = arith.index_cast %scan3A_260 : i32 to index
        %get3A_437 = arith.constant 480 : index
        %get3A_438 = tpu.vector_load %arg9[%get3A_436, %get3A_437] {strides = array<i32>} : memref<16x768xf32, #tpu.memory_space<vmem>>, vector<1x16xf32>,
        %get3A_439 = vector.shape_cast %get3A_438 : vector<1x16xf32> to vector<16xf32>
        %mul3A_440 = arith.mulf %get3A_439, %get3A_113 : vector<16xf32>
        %add3A_441 = arith.addf %add3A_405, %mul3A_440 : vector<16xf32>
        %get3A_442 = arith.index_cast %scan3A_260 : i32 to index
        %get3A_443 = arith.constant 496 : index
        %get3A_444 = tpu.vector_load %arg9[%get3A_442, %get3A_443] {strides = array<i32>} : memref<16x768xf32, #tpu.memory_space<vmem>>, vector<1x16xf32>,
        %get3A_445 = vector.shape_cast %get3A_444 : vector<1x16xf32> to vector<16xf32>
        %mul3A_446 = arith.mulf %get3A_445, %get3A_116 : vector<16xf32>
        %add3A_447 = arith.addf %add3A_411, %mul3A_446 : vector<16xf32>
        %get3A_448 = arith.index_cast %scan3A_260 : i32 to index
        %get3A_449 = arith.constant 512 : index
        %get3A_450 = tpu.vector_load %arg9[%get3A_448, %get3A_449] {strides = array<i32>} : memref<16x768xf32, #tpu.memory_space<vmem>>, vector<1x16xf32>,
        %get3A_451 = vector.shape_cast %get3A_450 : vector<1x16xf32> to vector<16xf32>
        %mul3A_452 = arith.mulf %get3A_451, %get3A_119 : vector<16xf32>
        %add3A_453 = arith.addf %add3A_417, %mul3A_452 : vector<16xf32>
        %get3A_454 = arith.index_cast %scan3A_260 : i32 to index
        %get3A_455 = arith.constant 528 : index
        %get3A_456 = tpu.vector_load %arg9[%get3A_454, %get3A_455] {strides = array<i32>} : memref<16x768xf32, #tpu.memory_space<vmem>>, vector<1x16xf32>,
        %get3A_457 = vector.shape_cast %get3A_456 : vector<1x16xf32> to vector<16xf32>
        %mul3A_458 = arith.mulf %get3A_457, %get3A_122 : vector<16xf32>
        %add3A_459 = arith.addf %add3A_423, %mul3A_458 : vector<16xf32>
        %get3A_460 = arith.index_cast %scan3A_260 : i32 to index
        %get3A_461 = arith.constant 544 : index
        %get3A_462 = tpu.vector_load %arg9[%get3A_460, %get3A_461] {strides = array<i32>} : memref<16x768xf32, #tpu.memory_space<vmem>>, vector<1x16xf32>,
        %get3A_463 = vector.shape_cast %get3A_462 : vector<1x16xf32> to vector<16xf32>
        %mul3A_464 = arith.mulf %get3A_463, %get3A_125 : vector<16xf32>
        %add3A_465 = arith.addf %add3A_429, %mul3A_464 : vector<16xf32>
        %get3A_466 = arith.index_cast %scan3A_260 : i32 to index
        %get3A_467 = arith.constant 560 : index
        %get3A_468 = tpu.vector_load %arg9[%get3A_466, %get3A_467] {strides = array<i32>} : memref<16x768xf32, #tpu.memory_space<vmem>>, vector<1x16xf32>,
        %get3A_469 = vector.shape_cast %get3A_468 : vector<1x16xf32> to vector<16xf32>
        %mul3A_470 = arith.mulf %get3A_469, %get3A_128 : vector<16xf32>
        %add3A_471 = arith.addf %add3A_435, %mul3A_470 : vector<16xf32>
        %get3A_472 = arith.index_cast %scan3A_260 : i32 to index
        %get3A_473 = arith.constant 576 : index
        %get3A_474 = tpu.vector_load %arg9[%get3A_472, %get3A_473] {strides = array<i32>} : memref<16x768xf32, #tpu.memory_space<vmem>>, vector<1x16xf32>,
        %get3A_475 = vector.shape_cast %get3A_474 : vector<1x16xf32> to vector<16xf32>
        %mul3A_476 = arith.mulf %get3A_475, %get3A_131 : vector<16xf32>
        %add3A_477 = arith.addf %add3A_441, %mul3A_476 : vector<16xf32>
        %get3A_478 = arith.index_cast %scan3A_260 : i32 to index
        %get3A_479 = arith.constant 592 : index
        %get3A_480 = tpu.vector_load %arg9[%get3A_478, %get3A_479] {strides = array<i32>} : memref<16x768xf32, #tpu.memory_space<vmem>>, vector<1x16xf32>,
        %get3A_481 = vector.shape_cast %get3A_480 : vector<1x16xf32> to vector<16xf32>
        %mul3A_482 = arith.mulf %get3A_481, %get3A_134 : vector<16xf32>
        %add3A_483 = arith.addf %add3A_447, %mul3A_482 : vector<16xf32>
        %get3A_484 = arith.index_cast %scan3A_260 : i32 to index
        %get3A_485 = arith.constant 608 : index
        %get3A_486 = tpu.vector_load %arg9[%get3A_484, %get3A_485] {strides = array<i32>} : memref<16x768xf32, #tpu.memory_space<vmem>>, vector<1x16xf32>,
        %get3A_487 = vector.shape_cast %get3A_486 : vector<1x16xf32> to vector<16xf32>
        %mul3A_488 = arith.mulf %get3A_487, %get3A_137 : vector<16xf32>
        %add3A_489 = arith.addf %add3A_453, %mul3A_488 : vector<16xf32>
        %get3A_490 = arith.index_cast %scan3A_260 : i32 to index
        %get3A_491 = arith.constant 624 : index
        %get3A_492 = tpu.vector_load %arg9[%get3A_490, %get3A_491] {strides = array<i32>} : memref<16x768xf32, #tpu.memory_space<vmem>>, vector<1x16xf32>,
        %get3A_493 = vector.shape_cast %get3A_492 : vector<1x16xf32> to vector<16xf32>
        %mul3A_494 = arith.mulf %get3A_493, %get3A_140 : vector<16xf32>
        %add3A_495 = arith.addf %add3A_459, %mul3A_494 : vector<16xf32>
        %get3A_496 = arith.index_cast %scan3A_260 : i32 to index
        %get3A_497 = arith.constant 640 : index
        %get3A_498 = tpu.vector_load %arg9[%get3A_496, %get3A_497] {strides = array<i32>} : memref<16x768xf32, #tpu.memory_space<vmem>>, vector<1x16xf32>,
        %get3A_499 = vector.shape_cast %get3A_498 : vector<1x16xf32> to vector<16xf32>
        %mul3A_500 = arith.mulf %get3A_499, %get3A_143 : vector<16xf32>
        %add3A_501 = arith.addf %add3A_465, %mul3A_500 : vector<16xf32>
        %get3A_502 = arith.index_cast %scan3A_260 : i32 to index
        %get3A_503 = arith.constant 656 : index
        %get3A_504 = tpu.vector_load %arg9[%get3A_502, %get3A_503] {strides = array<i32>} : memref<16x768xf32, #tpu.memory_space<vmem>>, vector<1x16xf32>,
        %get3A_505 = vector.shape_cast %get3A_504 : vector<1x16xf32> to vector<16xf32>
        %mul3A_506 = arith.mulf %get3A_505, %get3A_146 : vector<16xf32>
        %add3A_507 = arith.addf %add3A_471, %mul3A_506 : vector<16xf32>
        %get3A_508 = arith.index_cast %scan3A_260 : i32 to index
        %get3A_509 = arith.constant 672 : index
        %get3A_510 = tpu.vector_load %arg9[%get3A_508, %get3A_509] {strides = array<i32>} : memref<16x768xf32, #tpu.memory_space<vmem>>, vector<1x16xf32>,
        %get3A_511 = vector.shape_cast %get3A_510 : vector<1x16xf32> to vector<16xf32>
        %mul3A_512 = arith.mulf %get3A_511, %get3A_149 : vector<16xf32>
        %add3A_513 = arith.addf %add3A_477, %mul3A_512 : vector<16xf32>
        %get3A_514 = arith.index_cast %scan3A_260 : i32 to index
        %get3A_515 = arith.constant 688 : index
        %get3A_516 = tpu.vector_load %arg9[%get3A_514, %get3A_515] {strides = array<i32>} : memref<16x768xf32, #tpu.memory_space<vmem>>, vector<1x16xf32>,
        %get3A_517 = vector.shape_cast %get3A_516 : vector<1x16xf32> to vector<16xf32>
        %mul3A_518 = arith.mulf %get3A_517, %get3A_152 : vector<16xf32>
        %add3A_519 = arith.addf %add3A_483, %mul3A_518 : vector<16xf32>
        %get3A_520 = arith.index_cast %scan3A_260 : i32 to index
        %get3A_521 = arith.constant 704 : index
        %get3A_522 = tpu.vector_load %arg9[%get3A_520, %get3A_521] {strides = array<i32>} : memref<16x768xf32, #tpu.memory_space<vmem>>, vector<1x16xf32>,
        %get3A_523 = vector.shape_cast %get3A_522 : vector<1x16xf32> to vector<16xf32>
        %mul3A_524 = arith.mulf %get3A_523, %get3A_155 : vector<16xf32>
        %add3A_525 = arith.addf %add3A_489, %mul3A_524 : vector<16xf32>
        %get3A_526 = arith.index_cast %scan3A_260 : i32 to index
        %get3A_527 = arith.constant 720 : index
        %get3A_528 = tpu.vector_load %arg9[%get3A_526, %get3A_527] {strides = array<i32>} : memref<16x768xf32, #tpu.memory_space<vmem>>, vector<1x16xf32>,
        %get3A_529 = vector.shape_cast %get3A_528 : vector<1x16xf32> to vector<16xf32>
        %mul3A_530 = arith.mulf %get3A_529, %get3A_158 : vector<16xf32>
        %add3A_531 = arith.addf %add3A_495, %mul3A_530 : vector<16xf32>
        %get3A_532 = arith.index_cast %scan3A_260 : i32 to index
        %get3A_533 = arith.constant 736 : index
        %get3A_534 = tpu.vector_load %arg9[%get3A_532, %get3A_533] {strides = array<i32>} : memref<16x768xf32, #tpu.memory_space<vmem>>, vector<1x16xf32>,
        %get3A_535 = vector.shape_cast %get3A_534 : vector<1x16xf32> to vector<16xf32>
        %mul3A_536 = arith.mulf %get3A_535, %get3A_161 : vector<16xf32>
        %add3A_537 = arith.addf %add3A_501, %mul3A_536 : vector<16xf32>
        %get3A_538 = arith.index_cast %scan3A_260 : i32 to index
        %get3A_539 = arith.constant 752 : index
        %get3A_540 = tpu.vector_load %arg9[%get3A_538, %get3A_539] {strides = array<i32>} : memref<16x768xf32, #tpu.memory_space<vmem>>, vector<1x16xf32>,
        %get3A_541 = vector.shape_cast %get3A_540 : vector<1x16xf32> to vector<16xf32>
        %mul3A_542 = arith.mulf %get3A_541, %get3A_164 : vector<16xf32>
        %add3A_543 = arith.addf %add3A_507, %mul3A_542 : vector<16xf32>
        %add3A_544 = arith.addf %add3A_513, %add3A_519 : vector<16xf32>
        %add3A_545 = arith.addf %add3A_525, %add3A_531 : vector<16xf32>
        %add3A_546 = arith.addf %add3A_544, %add3A_545 : vector<16xf32>
        %add3A_547 = arith.addf %add3A_537, %add3A_543 : vector<16xf32>
        %add3A_548 = arith.addf %add3A_546, %add3A_547 : vector<16xf32>
        %mul3A_549 = arith.constant 16 : i32
        %mul3A_550 = arith.muli %add3A_196, %mul3A_549 : i32
        %add3A_551 = arith.addi %mul3A_550, %scan3A_260 : i32
        %shift_right_arithmetic3A = arith.constant 3 : i32
        %shift_right_arithmetic3A_552 = arith.shrsi %add3A_551, %shift_right_arithmetic3A : i32
        %and3A = arith.constant 7 : i32
        %and3A_553 = arith.andi %add3A_551, %and3A : i32
        %mul3A_554 = arith.constant 16 : i32
        %mul3A_555 = arith.muli %and3A_553, %mul3A_554 : i32
        %swap3A = arith.index_cast %shift_right_arithmetic3A_552 : i32 to index
        %swap3A_556 = arith.index_cast %mul3A_555 : i32 to index
        %swap3A_557 = tpu.vector_load %arg12[%swap3A, %swap3A_556] {strides = array<i32>} : memref<64x128xf32, #tpu.memory_space<vmem>>, vector<1x16xf32>,
        %swap3A_558 = vector.shape_cast %swap3A_557 : vector<1x16xf32> to vector<16xf32>
        %swap3A_559 = vector.shape_cast %add3A_548 : vector<16xf32> to vector<1x16xf32>
        tpu.vector_store %arg12[%swap3A, %swap3A_556], %swap3A_559 {strides = array<i32>} : memref<64x128xf32, #tpu.memory_space<vmem>>, vector<1x16xf32>,
        %scan3A_560 = arith.constant 0 : i32
        scf.yield %scan3A_560 : i32
      }
      %scan3A_209 = arith.constant 16 : i32
      %lt3A_210 = arith.constant 7 : i32
      %lt3A_211 = arith.cmpi slt, %scan3A_173, %lt3A_210 : i32
      %convert_element_type3A_212 = arith.extui %lt3A_211 : i1 to i32
      %cond3A_213 = arith.constant 0 : i32
      %cond3A_214 = arith.cmpi ne, %convert_element_type3A_212, %cond3A_213 : i32
      scf.if %cond3A_214 {
        %add3A_260 = arith.constant 4 : i32
        %add3A_261 = arith.addi %add3A_196, %add3A_260 : i32
        %mul3A_262 = arith.constant 16 : i32
        %mul3A_263 = arith.muli %add3A_261, %mul3A_262 : i32
        %dma_start3A_264 = tpu.memref_slice %arg6[%mul3A_263] : memref<512xi32, #tpu.memory_space<vmem>> -> memref<16xi32, #tpu.memory_space<vmem>>
        %dma_start3A_265 = arith.constant 0 : i32
        %dma_start3A_266 = arith.constant 0 : i32
        %dma_start3A_267 = tpu.memref_slice %arg4[%dma_start3A_265, %dma_start3A_266] : memref<100000x768xf32, #tpu.memory_space<hbm>> -> memref<100000x768xf32, #tpu.memory_space<hbm>>
        tpu.enqueue_indirect_dma source(%dma_start3A_267 : memref<100000x768xf32, #tpu.memory_space<hbm>>) target(%arg9 : memref<16x768xf32, #tpu.memory_space<vmem>>) offsets(%dma_start3A_264 : memref<16xi32, #tpu.memory_space<vmem>>) semaphore(%arg14 : memref<!tpu.dma_semaphore, #tpu.memory_space<semaphore_mem>>)
      } else {
      }
      %mul3A_215 = arith.constant 4 : i32
      %mul3A_216 = arith.muli %scan3A_173, %mul3A_215 : i32
      %add3A_217 = arith.constant 2 : i32
      %add3A_218 = arith.addi %mul3A_216, %add3A_217 : i32
      %mul3A_219 = arith.constant 16 : i32
      %mul3A_220 = arith.muli %add3A_218, %mul3A_219 : i32
      %dma_wait3A_221 = tpu.memref_slice %arg6[%mul3A_220] : memref<512xi32, #tpu.memory_space<vmem>> -> memref<16xi32, #tpu.memory_space<vmem>>
      %dma_wait3A_222 = arith.constant 0 : i32
      %dma_wait3A_223 = arith.constant 0 : i32
      %dma_wait3A_224 = tpu.memref_slice %arg4[%dma_wait3A_222, %dma_wait3A_223] : memref<100000x768xf32, #tpu.memory_space<hbm>> -> memref<100000x768xf32, #tpu.memory_space<hbm>>
      tpu.wait_indirect_dma semaphore(%arg15 : memref<!tpu.dma_semaphore, #tpu.memory_space<semaphore_mem>>) src(%dma_wait3A_224 : memref<100000x768xf32, #tpu.memory_space<hbm>>) dst(%arg10 : memref<16x768xf32, #tpu.memory_space<vmem>>)
      %scan3A_225 = arith.constant 0 : i32
      %scan3A_226 = arith.constant 0 : i32
      %scan3A_227 = arith.constant 16 : i32
      %scan3A_228 = arith.addi %scan3A_226, %scan3A_227 : i32
      %scan3A_229 = arith.constant 1 : i32
      %scan3A_230 = scf.for %scan3A_260 = %scan3A_226 to %scan3A_228 step %scan3A_229 iter_args(%scan3A_261 = %scan3A_225) -> (i32)  : i32 {
        %get3A_262 = arith.index_cast %scan3A_260 : i32 to index
        %get3A_263 = arith.constant 0 : index
        %get3A_264 = tpu.vector_load %arg10[%get3A_262, %get3A_263] {strides = array<i32>} : memref<16x768xf32, #tpu.memory_space<vmem>>, vector<1x16xf32>,
        %get3A_265 = vector.shape_cast %get3A_264 : vector<1x16xf32> to vector<16xf32>
        %mul3A_266 = arith.mulf %get3A_265, %get3A_23 : vector<16xf32>
        %get3A_267 = arith.index_cast %scan3A_260 : i32 to index
        %get3A_268 = arith.constant 16 : index
        %get3A_269 = tpu.vector_load %arg10[%get3A_267, %get3A_268] {strides = array<i32>} : memref<16x768xf32, #tpu.memory_space<vmem>>, vector<1x16xf32>,
        %get3A_270 = vector.shape_cast %get3A_269 : vector<1x16xf32> to vector<16xf32>
        %mul3A_271 = arith.mulf %get3A_270, %get3A_26 : vector<16xf32>
        %get3A_272 = arith.index_cast %scan3A_260 : i32 to index
        %get3A_273 = arith.constant 32 : index
        %get3A_274 = tpu.vector_load %arg10[%get3A_272, %get3A_273] {strides = array<i32>} : memref<16x768xf32, #tpu.memory_space<vmem>>, vector<1x16xf32>,
        %get3A_275 = vector.shape_cast %get3A_274 : vector<1x16xf32> to vector<16xf32>
        %mul3A_276 = arith.mulf %get3A_275, %get3A_29 : vector<16xf32>
        %get3A_277 = arith.index_cast %scan3A_260 : i32 to index
        %get3A_278 = arith.constant 48 : index
        %get3A_279 = tpu.vector_load %arg10[%get3A_277, %get3A_278] {strides = array<i32>} : memref<16x768xf32, #tpu.memory_space<vmem>>, vector<1x16xf32>,
        %get3A_280 = vector.shape_cast %get3A_279 : vector<1x16xf32> to vector<16xf32>
        %mul3A_281 = arith.mulf %get3A_280, %get3A_32 : vector<16xf32>
        %get3A_282 = arith.index_cast %scan3A_260 : i32 to index
        %get3A_283 = arith.constant 64 : index
        %get3A_284 = tpu.vector_load %arg10[%get3A_282, %get3A_283] {strides = array<i32>} : memref<16x768xf32, #tpu.memory_space<vmem>>, vector<1x16xf32>,
        %get3A_285 = vector.shape_cast %get3A_284 : vector<1x16xf32> to vector<16xf32>
        %mul3A_286 = arith.mulf %get3A_285, %get3A_35 : vector<16xf32>
        %get3A_287 = arith.index_cast %scan3A_260 : i32 to index
        %get3A_288 = arith.constant 80 : index
        %get3A_289 = tpu.vector_load %arg10[%get3A_287, %get3A_288] {strides = array<i32>} : memref<16x768xf32, #tpu.memory_space<vmem>>, vector<1x16xf32>,
        %get3A_290 = vector.shape_cast %get3A_289 : vector<1x16xf32> to vector<16xf32>
        %mul3A_291 = arith.mulf %get3A_290, %get3A_38 : vector<16xf32>
        %get3A_292 = arith.index_cast %scan3A_260 : i32 to index
        %get3A_293 = arith.constant 96 : index
        %get3A_294 = tpu.vector_load %arg10[%get3A_292, %get3A_293] {strides = array<i32>} : memref<16x768xf32, #tpu.memory_space<vmem>>, vector<1x16xf32>,
        %get3A_295 = vector.shape_cast %get3A_294 : vector<1x16xf32> to vector<16xf32>
        %mul3A_296 = arith.mulf %get3A_295, %get3A_41 : vector<16xf32>
        %add3A_297 = arith.addf %mul3A_266, %mul3A_296 : vector<16xf32>
        %get3A_298 = arith.index_cast %scan3A_260 : i32 to index
        %get3A_299 = arith.constant 112 : index
        %get3A_300 = tpu.vector_load %arg10[%get3A_298, %get3A_299] {strides = array<i32>} : memref<16x768xf32, #tpu.memory_space<vmem>>, vector<1x16xf32>,
        %get3A_301 = vector.shape_cast %get3A_300 : vector<1x16xf32> to vector<16xf32>
        %mul3A_302 = arith.mulf %get3A_301, %get3A_44 : vector<16xf32>
        %add3A_303 = arith.addf %mul3A_271, %mul3A_302 : vector<16xf32>
        %get3A_304 = arith.index_cast %scan3A_260 : i32 to index
        %get3A_305 = arith.constant 128 : index
        %get3A_306 = tpu.vector_load %arg10[%get3A_304, %get3A_305] {strides = array<i32>} : memref<16x768xf32, #tpu.memory_space<vmem>>, vector<1x16xf32>,
        %get3A_307 = vector.shape_cast %get3A_306 : vector<1x16xf32> to vector<16xf32>
        %mul3A_308 = arith.mulf %get3A_307, %get3A_47 : vector<16xf32>
        %add3A_309 = arith.addf %mul3A_276, %mul3A_308 : vector<16xf32>
        %get3A_310 = arith.index_cast %scan3A_260 : i32 to index
        %get3A_311 = arith.constant 144 : index
        %get3A_312 = tpu.vector_load %arg10[%get3A_310, %get3A_311] {strides = array<i32>} : memref<16x768xf32, #tpu.memory_space<vmem>>, vector<1x16xf32>,
        %get3A_313 = vector.shape_cast %get3A_312 : vector<1x16xf32> to vector<16xf32>
        %mul3A_314 = arith.mulf %get3A_313, %get3A_50 : vector<16xf32>
        %add3A_315 = arith.addf %mul3A_281, %mul3A_314 : vector<16xf32>
        %get3A_316 = arith.index_cast %scan3A_260 : i32 to index
        %get3A_317 = arith.constant 160 : index
        %get3A_318 = tpu.vector_load %arg10[%get3A_316, %get3A_317] {strides = array<i32>} : memref<16x768xf32, #tpu.memory_space<vmem>>, vector<1x16xf32>,
        %get3A_319 = vector.shape_cast %get3A_318 : vector<1x16xf32> to vector<16xf32>
        %mul3A_320 = arith.mulf %get3A_319, %get3A_53 : vector<16xf32>
        %add3A_321 = arith.addf %mul3A_286, %mul3A_320 : vector<16xf32>
        %get3A_322 = arith.index_cast %scan3A_260 : i32 to index
        %get3A_323 = arith.constant 176 : index
        %get3A_324 = tpu.vector_load %arg10[%get3A_322, %get3A_323] {strides = array<i32>} : memref<16x768xf32, #tpu.memory_space<vmem>>, vector<1x16xf32>,
        %get3A_325 = vector.shape_cast %get3A_324 : vector<1x16xf32> to vector<16xf32>
        %mul3A_326 = arith.mulf %get3A_325, %get3A_56 : vector<16xf32>
        %add3A_327 = arith.addf %mul3A_291, %mul3A_326 : vector<16xf32>
        %get3A_328 = arith.index_cast %scan3A_260 : i32 to index
        %get3A_329 = arith.constant 192 : index
        %get3A_330 = tpu.vector_load %arg10[%get3A_328, %get3A_329] {strides = array<i32>} : memref<16x768xf32, #tpu.memory_space<vmem>>, vector<1x16xf32>,
        %get3A_331 = vector.shape_cast %get3A_330 : vector<1x16xf32> to vector<16xf32>
        %mul3A_332 = arith.mulf %get3A_331, %get3A_59 : vector<16xf32>
        %add3A_333 = arith.addf %add3A_297, %mul3A_332 : vector<16xf32>
        %get3A_334 = arith.index_cast %scan3A_260 : i32 to index
        %get3A_335 = arith.constant 208 : index
        %get3A_336 = tpu.vector_load %arg10[%get3A_334, %get3A_335] {strides = array<i32>} : memref<16x768xf32, #tpu.memory_space<vmem>>, vector<1x16xf32>,
        %get3A_337 = vector.shape_cast %get3A_336 : vector<1x16xf32> to vector<16xf32>
        %mul3A_338 = arith.mulf %get3A_337, %get3A_62 : vector<16xf32>
        %add3A_339 = arith.addf %add3A_303, %mul3A_338 : vector<16xf32>
        %get3A_340 = arith.index_cast %scan3A_260 : i32 to index
        %get3A_341 = arith.constant 224 : index
        %get3A_342 = tpu.vector_load %arg10[%get3A_340, %get3A_341] {strides = array<i32>} : memref<16x768xf32, #tpu.memory_space<vmem>>, vector<1x16xf32>,
        %get3A_343 = vector.shape_cast %get3A_342 : vector<1x16xf32> to vector<16xf32>
        %mul3A_344 = arith.mulf %get3A_343, %get3A_65 : vector<16xf32>
        %add3A_345 = arith.addf %add3A_309, %mul3A_344 : vector<16xf32>
        %get3A_346 = arith.index_cast %scan3A_260 : i32 to index
        %get3A_347 = arith.constant 240 : index
        %get3A_348 = tpu.vector_load %arg10[%get3A_346, %get3A_347] {strides = array<i32>} : memref<16x768xf32, #tpu.memory_space<vmem>>, vector<1x16xf32>,
        %get3A_349 = vector.shape_cast %get3A_348 : vector<1x16xf32> to vector<16xf32>
        %mul3A_350 = arith.mulf %get3A_349, %get3A_68 : vector<16xf32>
        %add3A_351 = arith.addf %add3A_315, %mul3A_350 : vector<16xf32>
        %get3A_352 = arith.index_cast %scan3A_260 : i32 to index
        %get3A_353 = arith.constant 256 : index
        %get3A_354 = tpu.vector_load %arg10[%get3A_352, %get3A_353] {strides = array<i32>} : memref<16x768xf32, #tpu.memory_space<vmem>>, vector<1x16xf32>,
        %get3A_355 = vector.shape_cast %get3A_354 : vector<1x16xf32> to vector<16xf32>
        %mul3A_356 = arith.mulf %get3A_355, %get3A_71 : vector<16xf32>
        %add3A_357 = arith.addf %add3A_321, %mul3A_356 : vector<16xf32>
        %get3A_358 = arith.index_cast %scan3A_260 : i32 to index
        %get3A_359 = arith.constant 272 : index
        %get3A_360 = tpu.vector_load %arg10[%get3A_358, %get3A_359] {strides = array<i32>} : memref<16x768xf32, #tpu.memory_space<vmem>>, vector<1x16xf32>,
        %get3A_361 = vector.shape_cast %get3A_360 : vector<1x16xf32> to vector<16xf32>
        %mul3A_362 = arith.mulf %get3A_361, %get3A_74 : vector<16xf32>
        %add3A_363 = arith.addf %add3A_327, %mul3A_362 : vector<16xf32>
        %get3A_364 = arith.index_cast %scan3A_260 : i32 to index
        %get3A_365 = arith.constant 288 : index
        %get3A_366 = tpu.vector_load %arg10[%get3A_364, %get3A_365] {strides = array<i32>} : memref<16x768xf32, #tpu.memory_space<vmem>>, vector<1x16xf32>,
        %get3A_367 = vector.shape_cast %get3A_366 : vector<1x16xf32> to vector<16xf32>
        %mul3A_368 = arith.mulf %get3A_367, %get3A_77 : vector<16xf32>
        %add3A_369 = arith.addf %add3A_333, %mul3A_368 : vector<16xf32>
        %get3A_370 = arith.index_cast %scan3A_260 : i32 to index
        %get3A_371 = arith.constant 304 : index
        %get3A_372 = tpu.vector_load %arg10[%get3A_370, %get3A_371] {strides = array<i32>} : memref<16x768xf32, #tpu.memory_space<vmem>>, vector<1x16xf32>,
        %get3A_373 = vector.shape_cast %get3A_372 : vector<1x16xf32> to vector<16xf32>
        %mul3A_374 = arith.mulf %get3A_373, %get3A_80 : vector<16xf32>
        %add3A_375 = arith.addf %add3A_339, %mul3A_374 : vector<16xf32>
        %get3A_376 = arith.index_cast %scan3A_260 : i32 to index
        %get3A_377 = arith.constant 320 : index
        %get3A_378 = tpu.vector_load %arg10[%get3A_376, %get3A_377] {strides = array<i32>} : memref<16x768xf32, #tpu.memory_space<vmem>>, vector<1x16xf32>,
        %get3A_379 = vector.shape_cast %get3A_378 : vector<1x16xf32> to vector<16xf32>
        %mul3A_380 = arith.mulf %get3A_379, %get3A_83 : vector<16xf32>
        %add3A_381 = arith.addf %add3A_345, %mul3A_380 : vector<16xf32>
        %get3A_382 = arith.index_cast %scan3A_260 : i32 to index
        %get3A_383 = arith.constant 336 : index
        %get3A_384 = tpu.vector_load %arg10[%get3A_382, %get3A_383] {strides = array<i32>} : memref<16x768xf32, #tpu.memory_space<vmem>>, vector<1x16xf32>,
        %get3A_385 = vector.shape_cast %get3A_384 : vector<1x16xf32> to vector<16xf32>
        %mul3A_386 = arith.mulf %get3A_385, %get3A_86 : vector<16xf32>
        %add3A_387 = arith.addf %add3A_351, %mul3A_386 : vector<16xf32>
        %get3A_388 = arith.index_cast %scan3A_260 : i32 to index
        %get3A_389 = arith.constant 352 : index
        %get3A_390 = tpu.vector_load %arg10[%get3A_388, %get3A_389] {strides = array<i32>} : memref<16x768xf32, #tpu.memory_space<vmem>>, vector<1x16xf32>,
        %get3A_391 = vector.shape_cast %get3A_390 : vector<1x16xf32> to vector<16xf32>
        %mul3A_392 = arith.mulf %get3A_391, %get3A_89 : vector<16xf32>
        %add3A_393 = arith.addf %add3A_357, %mul3A_392 : vector<16xf32>
        %get3A_394 = arith.index_cast %scan3A_260 : i32 to index
        %get3A_395 = arith.constant 368 : index
        %get3A_396 = tpu.vector_load %arg10[%get3A_394, %get3A_395] {strides = array<i32>} : memref<16x768xf32, #tpu.memory_space<vmem>>, vector<1x16xf32>,
        %get3A_397 = vector.shape_cast %get3A_396 : vector<1x16xf32> to vector<16xf32>
        %mul3A_398 = arith.mulf %get3A_397, %get3A_92 : vector<16xf32>
        %add3A_399 = arith.addf %add3A_363, %mul3A_398 : vector<16xf32>
        %get3A_400 = arith.index_cast %scan3A_260 : i32 to index
        %get3A_401 = arith.constant 384 : index
        %get3A_402 = tpu.vector_load %arg10[%get3A_400, %get3A_401] {strides = array<i32>} : memref<16x768xf32, #tpu.memory_space<vmem>>, vector<1x16xf32>,
        %get3A_403 = vector.shape_cast %get3A_402 : vector<1x16xf32> to vector<16xf32>
        %mul3A_404 = arith.mulf %get3A_403, %get3A_95 : vector<16xf32>
        %add3A_405 = arith.addf %add3A_369, %mul3A_404 : vector<16xf32>
        %get3A_406 = arith.index_cast %scan3A_260 : i32 to index
        %get3A_407 = arith.constant 400 : index
        %get3A_408 = tpu.vector_load %arg10[%get3A_406, %get3A_407] {strides = array<i32>} : memref<16x768xf32, #tpu.memory_space<vmem>>, vector<1x16xf32>,
        %get3A_409 = vector.shape_cast %get3A_408 : vector<1x16xf32> to vector<16xf32>
        %mul3A_410 = arith.mulf %get3A_409, %get3A_98 : vector<16xf32>
        %add3A_411 = arith.addf %add3A_375, %mul3A_410 : vector<16xf32>
        %get3A_412 = arith.index_cast %scan3A_260 : i32 to index
        %get3A_413 = arith.constant 416 : index
        %get3A_414 = tpu.vector_load %arg10[%get3A_412, %get3A_413] {strides = array<i32>} : memref<16x768xf32, #tpu.memory_space<vmem>>, vector<1x16xf32>,
        %get3A_415 = vector.shape_cast %get3A_414 : vector<1x16xf32> to vector<16xf32>
        %mul3A_416 = arith.mulf %get3A_415, %get3A_101 : vector<16xf32>
        %add3A_417 = arith.addf %add3A_381, %mul3A_416 : vector<16xf32>
        %get3A_418 = arith.index_cast %scan3A_260 : i32 to index
        %get3A_419 = arith.constant 432 : index
        %get3A_420 = tpu.vector_load %arg10[%get3A_418, %get3A_419] {strides = array<i32>} : memref<16x768xf32, #tpu.memory_space<vmem>>, vector<1x16xf32>,
        %get3A_421 = vector.shape_cast %get3A_420 : vector<1x16xf32> to vector<16xf32>
        %mul3A_422 = arith.mulf %get3A_421, %get3A_104 : vector<16xf32>
        %add3A_423 = arith.addf %add3A_387, %mul3A_422 : vector<16xf32>
        %get3A_424 = arith.index_cast %scan3A_260 : i32 to index
        %get3A_425 = arith.constant 448 : index
        %get3A_426 = tpu.vector_load %arg10[%get3A_424, %get3A_425] {strides = array<i32>} : memref<16x768xf32, #tpu.memory_space<vmem>>, vector<1x16xf32>,
        %get3A_427 = vector.shape_cast %get3A_426 : vector<1x16xf32> to vector<16xf32>
        %mul3A_428 = arith.mulf %get3A_427, %get3A_107 : vector<16xf32>
        %add3A_429 = arith.addf %add3A_393, %mul3A_428 : vector<16xf32>
        %get3A_430 = arith.index_cast %scan3A_260 : i32 to index
        %get3A_431 = arith.constant 464 : index
        %get3A_432 = tpu.vector_load %arg10[%get3A_430, %get3A_431] {strides = array<i32>} : memref<16x768xf32, #tpu.memory_space<vmem>>, vector<1x16xf32>,
        %get3A_433 = vector.shape_cast %get3A_432 : vector<1x16xf32> to vector<16xf32>
        %mul3A_434 = arith.mulf %get3A_433, %get3A_110 : vector<16xf32>
        %add3A_435 = arith.addf %add3A_399, %mul3A_434 : vector<16xf32>
        %get3A_436 = arith.index_cast %scan3A_260 : i32 to index
        %get3A_437 = arith.constant 480 : index
        %get3A_438 = tpu.vector_load %arg10[%get3A_436, %get3A_437] {strides = array<i32>} : memref<16x768xf32, #tpu.memory_space<vmem>>, vector<1x16xf32>,
        %get3A_439 = vector.shape_cast %get3A_438 : vector<1x16xf32> to vector<16xf32>
        %mul3A_440 = arith.mulf %get3A_439, %get3A_113 : vector<16xf32>
        %add3A_441 = arith.addf %add3A_405, %mul3A_440 : vector<16xf32>
        %get3A_442 = arith.index_cast %scan3A_260 : i32 to index
        %get3A_443 = arith.constant 496 : index
        %get3A_444 = tpu.vector_load %arg10[%get3A_442, %get3A_443] {strides = array<i32>} : memref<16x768xf32, #tpu.memory_space<vmem>>, vector<1x16xf32>,
        %get3A_445 = vector.shape_cast %get3A_444 : vector<1x16xf32> to vector<16xf32>
        %mul3A_446 = arith.mulf %get3A_445, %get3A_116 : vector<16xf32>
        %add3A_447 = arith.addf %add3A_411, %mul3A_446 : vector<16xf32>
        %get3A_448 = arith.index_cast %scan3A_260 : i32 to index
        %get3A_449 = arith.constant 512 : index
        %get3A_450 = tpu.vector_load %arg10[%get3A_448, %get3A_449] {strides = array<i32>} : memref<16x768xf32, #tpu.memory_space<vmem>>, vector<1x16xf32>,
        %get3A_451 = vector.shape_cast %get3A_450 : vector<1x16xf32> to vector<16xf32>
        %mul3A_452 = arith.mulf %get3A_451, %get3A_119 : vector<16xf32>
        %add3A_453 = arith.addf %add3A_417, %mul3A_452 : vector<16xf32>
        %get3A_454 = arith.index_cast %scan3A_260 : i32 to index
        %get3A_455 = arith.constant 528 : index
        %get3A_456 = tpu.vector_load %arg10[%get3A_454, %get3A_455] {strides = array<i32>} : memref<16x768xf32, #tpu.memory_space<vmem>>, vector<1x16xf32>,
        %get3A_457 = vector.shape_cast %get3A_456 : vector<1x16xf32> to vector<16xf32>
        %mul3A_458 = arith.mulf %get3A_457, %get3A_122 : vector<16xf32>
        %add3A_459 = arith.addf %add3A_423, %mul3A_458 : vector<16xf32>
        %get3A_460 = arith.index_cast %scan3A_260 : i32 to index
        %get3A_461 = arith.constant 544 : index
        %get3A_462 = tpu.vector_load %arg10[%get3A_460, %get3A_461] {strides = array<i32>} : memref<16x768xf32, #tpu.memory_space<vmem>>, vector<1x16xf32>,
        %get3A_463 = vector.shape_cast %get3A_462 : vector<1x16xf32> to vector<16xf32>
        %mul3A_464 = arith.mulf %get3A_463, %get3A_125 : vector<16xf32>
        %add3A_465 = arith.addf %add3A_429, %mul3A_464 : vector<16xf32>
        %get3A_466 = arith.index_cast %scan3A_260 : i32 to index
        %get3A_467 = arith.constant 560 : index
        %get3A_468 = tpu.vector_load %arg10[%get3A_466, %get3A_467] {strides = array<i32>} : memref<16x768xf32, #tpu.memory_space<vmem>>, vector<1x16xf32>,
        %get3A_469 = vector.shape_cast %get3A_468 : vector<1x16xf32> to vector<16xf32>
        %mul3A_470 = arith.mulf %get3A_469, %get3A_128 : vector<16xf32>
        %add3A_471 = arith.addf %add3A_435, %mul3A_470 : vector<16xf32>
        %get3A_472 = arith.index_cast %scan3A_260 : i32 to index
        %get3A_473 = arith.constant 576 : index
        %get3A_474 = tpu.vector_load %arg10[%get3A_472, %get3A_473] {strides = array<i32>} : memref<16x768xf32, #tpu.memory_space<vmem>>, vector<1x16xf32>,
        %get3A_475 = vector.shape_cast %get3A_474 : vector<1x16xf32> to vector<16xf32>
        %mul3A_476 = arith.mulf %get3A_475, %get3A_131 : vector<16xf32>
        %add3A_477 = arith.addf %add3A_441, %mul3A_476 : vector<16xf32>
        %get3A_478 = arith.index_cast %scan3A_260 : i32 to index
        %get3A_479 = arith.constant 592 : index
        %get3A_480 = tpu.vector_load %arg10[%get3A_478, %get3A_479] {strides = array<i32>} : memref<16x768xf32, #tpu.memory_space<vmem>>, vector<1x16xf32>,
        %get3A_481 = vector.shape_cast %get3A_480 : vector<1x16xf32> to vector<16xf32>
        %mul3A_482 = arith.mulf %get3A_481, %get3A_134 : vector<16xf32>
        %add3A_483 = arith.addf %add3A_447, %mul3A_482 : vector<16xf32>
        %get3A_484 = arith.index_cast %scan3A_260 : i32 to index
        %get3A_485 = arith.constant 608 : index
        %get3A_486 = tpu.vector_load %arg10[%get3A_484, %get3A_485] {strides = array<i32>} : memref<16x768xf32, #tpu.memory_space<vmem>>, vector<1x16xf32>,
        %get3A_487 = vector.shape_cast %get3A_486 : vector<1x16xf32> to vector<16xf32>
        %mul3A_488 = arith.mulf %get3A_487, %get3A_137 : vector<16xf32>
        %add3A_489 = arith.addf %add3A_453, %mul3A_488 : vector<16xf32>
        %get3A_490 = arith.index_cast %scan3A_260 : i32 to index
        %get3A_491 = arith.constant 624 : index
        %get3A_492 = tpu.vector_load %arg10[%get3A_490, %get3A_491] {strides = array<i32>} : memref<16x768xf32, #tpu.memory_space<vmem>>, vector<1x16xf32>,
        %get3A_493 = vector.shape_cast %get3A_492 : vector<1x16xf32> to vector<16xf32>
        %mul3A_494 = arith.mulf %get3A_493, %get3A_140 : vector<16xf32>
        %add3A_495 = arith.addf %add3A_459, %mul3A_494 : vector<16xf32>
        %get3A_496 = arith.index_cast %scan3A_260 : i32 to index
        %get3A_497 = arith.constant 640 : index
        %get3A_498 = tpu.vector_load %arg10[%get3A_496, %get3A_497] {strides = array<i32>} : memref<16x768xf32, #tpu.memory_space<vmem>>, vector<1x16xf32>,
        %get3A_499 = vector.shape_cast %get3A_498 : vector<1x16xf32> to vector<16xf32>
        %mul3A_500 = arith.mulf %get3A_499, %get3A_143 : vector<16xf32>
        %add3A_501 = arith.addf %add3A_465, %mul3A_500 : vector<16xf32>
        %get3A_502 = arith.index_cast %scan3A_260 : i32 to index
        %get3A_503 = arith.constant 656 : index
        %get3A_504 = tpu.vector_load %arg10[%get3A_502, %get3A_503] {strides = array<i32>} : memref<16x768xf32, #tpu.memory_space<vmem>>, vector<1x16xf32>,
        %get3A_505 = vector.shape_cast %get3A_504 : vector<1x16xf32> to vector<16xf32>
        %mul3A_506 = arith.mulf %get3A_505, %get3A_146 : vector<16xf32>
        %add3A_507 = arith.addf %add3A_471, %mul3A_506 : vector<16xf32>
        %get3A_508 = arith.index_cast %scan3A_260 : i32 to index
        %get3A_509 = arith.constant 672 : index
        %get3A_510 = tpu.vector_load %arg10[%get3A_508, %get3A_509] {strides = array<i32>} : memref<16x768xf32, #tpu.memory_space<vmem>>, vector<1x16xf32>,
        %get3A_511 = vector.shape_cast %get3A_510 : vector<1x16xf32> to vector<16xf32>
        %mul3A_512 = arith.mulf %get3A_511, %get3A_149 : vector<16xf32>
        %add3A_513 = arith.addf %add3A_477, %mul3A_512 : vector<16xf32>
        %get3A_514 = arith.index_cast %scan3A_260 : i32 to index
        %get3A_515 = arith.constant 688 : index
        %get3A_516 = tpu.vector_load %arg10[%get3A_514, %get3A_515] {strides = array<i32>} : memref<16x768xf32, #tpu.memory_space<vmem>>, vector<1x16xf32>,
        %get3A_517 = vector.shape_cast %get3A_516 : vector<1x16xf32> to vector<16xf32>
        %mul3A_518 = arith.mulf %get3A_517, %get3A_152 : vector<16xf32>
        %add3A_519 = arith.addf %add3A_483, %mul3A_518 : vector<16xf32>
        %get3A_520 = arith.index_cast %scan3A_260 : i32 to index
        %get3A_521 = arith.constant 704 : index
        %get3A_522 = tpu.vector_load %arg10[%get3A_520, %get3A_521] {strides = array<i32>} : memref<16x768xf32, #tpu.memory_space<vmem>>, vector<1x16xf32>,
        %get3A_523 = vector.shape_cast %get3A_522 : vector<1x16xf32> to vector<16xf32>
        %mul3A_524 = arith.mulf %get3A_523, %get3A_155 : vector<16xf32>
        %add3A_525 = arith.addf %add3A_489, %mul3A_524 : vector<16xf32>
        %get3A_526 = arith.index_cast %scan3A_260 : i32 to index
        %get3A_527 = arith.constant 720 : index
        %get3A_528 = tpu.vector_load %arg10[%get3A_526, %get3A_527] {strides = array<i32>} : memref<16x768xf32, #tpu.memory_space<vmem>>, vector<1x16xf32>,
        %get3A_529 = vector.shape_cast %get3A_528 : vector<1x16xf32> to vector<16xf32>
        %mul3A_530 = arith.mulf %get3A_529, %get3A_158 : vector<16xf32>
        %add3A_531 = arith.addf %add3A_495, %mul3A_530 : vector<16xf32>
        %get3A_532 = arith.index_cast %scan3A_260 : i32 to index
        %get3A_533 = arith.constant 736 : index
        %get3A_534 = tpu.vector_load %arg10[%get3A_532, %get3A_533] {strides = array<i32>} : memref<16x768xf32, #tpu.memory_space<vmem>>, vector<1x16xf32>,
        %get3A_535 = vector.shape_cast %get3A_534 : vector<1x16xf32> to vector<16xf32>
        %mul3A_536 = arith.mulf %get3A_535, %get3A_161 : vector<16xf32>
        %add3A_537 = arith.addf %add3A_501, %mul3A_536 : vector<16xf32>
        %get3A_538 = arith.index_cast %scan3A_260 : i32 to index
        %get3A_539 = arith.constant 752 : index
        %get3A_540 = tpu.vector_load %arg10[%get3A_538, %get3A_539] {strides = array<i32>} : memref<16x768xf32, #tpu.memory_space<vmem>>, vector<1x16xf32>,
        %get3A_541 = vector.shape_cast %get3A_540 : vector<1x16xf32> to vector<16xf32>
        %mul3A_542 = arith.mulf %get3A_541, %get3A_164 : vector<16xf32>
        %add3A_543 = arith.addf %add3A_507, %mul3A_542 : vector<16xf32>
        %add3A_544 = arith.addf %add3A_513, %add3A_519 : vector<16xf32>
        %add3A_545 = arith.addf %add3A_525, %add3A_531 : vector<16xf32>
        %add3A_546 = arith.addf %add3A_544, %add3A_545 : vector<16xf32>
        %add3A_547 = arith.addf %add3A_537, %add3A_543 : vector<16xf32>
        %add3A_548 = arith.addf %add3A_546, %add3A_547 : vector<16xf32>
        %mul3A_549 = arith.constant 16 : i32
        %mul3A_550 = arith.muli %add3A_218, %mul3A_549 : i32
        %add3A_551 = arith.addi %mul3A_550, %scan3A_260 : i32
        %shift_right_arithmetic3A = arith.constant 3 : i32
        %shift_right_arithmetic3A_552 = arith.shrsi %add3A_551, %shift_right_arithmetic3A : i32
        %and3A = arith.constant 7 : i32
        %and3A_553 = arith.andi %add3A_551, %and3A : i32
        %mul3A_554 = arith.constant 16 : i32
        %mul3A_555 = arith.muli %and3A_553, %mul3A_554 : i32
        %swap3A = arith.index_cast %shift_right_arithmetic3A_552 : i32 to index
        %swap3A_556 = arith.index_cast %mul3A_555 : i32 to index
        %swap3A_557 = tpu.vector_load %arg12[%swap3A, %swap3A_556] {strides = array<i32>} : memref<64x128xf32, #tpu.memory_space<vmem>>, vector<1x16xf32>,
        %swap3A_558 = vector.shape_cast %swap3A_557 : vector<1x16xf32> to vector<16xf32>
        %swap3A_559 = vector.shape_cast %add3A_548 : vector<16xf32> to vector<1x16xf32>
        tpu.vector_store %arg12[%swap3A, %swap3A_556], %swap3A_559 {strides = array<i32>} : memref<64x128xf32, #tpu.memory_space<vmem>>, vector<1x16xf32>,
        %scan3A_560 = arith.constant 0 : i32
        scf.yield %scan3A_560 : i32
      }
      %scan3A_231 = arith.constant 16 : i32
      %lt3A_232 = arith.constant 7 : i32
      %lt3A_233 = arith.cmpi slt, %scan3A_173, %lt3A_232 : i32
      %convert_element_type3A_234 = arith.extui %lt3A_233 : i1 to i32
      %cond3A_235 = arith.constant 0 : i32
      %cond3A_236 = arith.cmpi ne, %convert_element_type3A_234, %cond3A_235 : i32
      scf.if %cond3A_236 {
        %add3A_260 = arith.constant 4 : i32
        %add3A_261 = arith.addi %add3A_218, %add3A_260 : i32
        %mul3A_262 = arith.constant 16 : i32
        %mul3A_263 = arith.muli %add3A_261, %mul3A_262 : i32
        %dma_start3A_264 = tpu.memref_slice %arg6[%mul3A_263] : memref<512xi32, #tpu.memory_space<vmem>> -> memref<16xi32, #tpu.memory_space<vmem>>
        %dma_start3A_265 = arith.constant 0 : i32
        %dma_start3A_266 = arith.constant 0 : i32
        %dma_start3A_267 = tpu.memref_slice %arg4[%dma_start3A_265, %dma_start3A_266] : memref<100000x768xf32, #tpu.memory_space<hbm>> -> memref<100000x768xf32, #tpu.memory_space<hbm>>
        tpu.enqueue_indirect_dma source(%dma_start3A_267 : memref<100000x768xf32, #tpu.memory_space<hbm>>) target(%arg10 : memref<16x768xf32, #tpu.memory_space<vmem>>) offsets(%dma_start3A_264 : memref<16xi32, #tpu.memory_space<vmem>>) semaphore(%arg15 : memref<!tpu.dma_semaphore, #tpu.memory_space<semaphore_mem>>)
      } else {
      }
      %mul3A_237 = arith.constant 4 : i32
      %mul3A_238 = arith.muli %scan3A_173, %mul3A_237 : i32
      %add3A_239 = arith.constant 3 : i32
      %add3A_240 = arith.addi %mul3A_238, %add3A_239 : i32
      %mul3A_241 = arith.constant 16 : i32
      %mul3A_242 = arith.muli %add3A_240, %mul3A_241 : i32
      %dma_wait3A_243 = tpu.memref_slice %arg6[%mul3A_242] : memref<512xi32, #tpu.memory_space<vmem>> -> memref<16xi32, #tpu.memory_space<vmem>>
      %dma_wait3A_244 = arith.constant 0 : i32
      %dma_wait3A_245 = arith.constant 0 : i32
      %dma_wait3A_246 = tpu.memref_slice %arg4[%dma_wait3A_244, %dma_wait3A_245] : memref<100000x768xf32, #tpu.memory_space<hbm>> -> memref<100000x768xf32, #tpu.memory_space<hbm>>
      tpu.wait_indirect_dma semaphore(%arg16 : memref<!tpu.dma_semaphore, #tpu.memory_space<semaphore_mem>>) src(%dma_wait3A_246 : memref<100000x768xf32, #tpu.memory_space<hbm>>) dst(%arg11 : memref<16x768xf32, #tpu.memory_space<vmem>>)
      %scan3A_247 = arith.constant 0 : i32
      %scan3A_248 = arith.constant 0 : i32
      %scan3A_249 = arith.constant 16 : i32
      %scan3A_250 = arith.addi %scan3A_248, %scan3A_249 : i32
      %scan3A_251 = arith.constant 1 : i32
      %scan3A_252 = scf.for %scan3A_260 = %scan3A_248 to %scan3A_250 step %scan3A_251 iter_args(%scan3A_261 = %scan3A_247) -> (i32)  : i32 {
        %get3A_262 = arith.index_cast %scan3A_260 : i32 to index
        %get3A_263 = arith.constant 0 : index
        %get3A_264 = tpu.vector_load %arg11[%get3A_262, %get3A_263] {strides = array<i32>} : memref<16x768xf32, #tpu.memory_space<vmem>>, vector<1x16xf32>,
        %get3A_265 = vector.shape_cast %get3A_264 : vector<1x16xf32> to vector<16xf32>
        %mul3A_266 = arith.mulf %get3A_265, %get3A_23 : vector<16xf32>
        %get3A_267 = arith.index_cast %scan3A_260 : i32 to index
        %get3A_268 = arith.constant 16 : index
        %get3A_269 = tpu.vector_load %arg11[%get3A_267, %get3A_268] {strides = array<i32>} : memref<16x768xf32, #tpu.memory_space<vmem>>, vector<1x16xf32>,
        %get3A_270 = vector.shape_cast %get3A_269 : vector<1x16xf32> to vector<16xf32>
        %mul3A_271 = arith.mulf %get3A_270, %get3A_26 : vector<16xf32>
        %get3A_272 = arith.index_cast %scan3A_260 : i32 to index
        %get3A_273 = arith.constant 32 : index
        %get3A_274 = tpu.vector_load %arg11[%get3A_272, %get3A_273] {strides = array<i32>} : memref<16x768xf32, #tpu.memory_space<vmem>>, vector<1x16xf32>,
        %get3A_275 = vector.shape_cast %get3A_274 : vector<1x16xf32> to vector<16xf32>
        %mul3A_276 = arith.mulf %get3A_275, %get3A_29 : vector<16xf32>
        %get3A_277 = arith.index_cast %scan3A_260 : i32 to index
        %get3A_278 = arith.constant 48 : index
        %get3A_279 = tpu.vector_load %arg11[%get3A_277, %get3A_278] {strides = array<i32>} : memref<16x768xf32, #tpu.memory_space<vmem>>, vector<1x16xf32>,
        %get3A_280 = vector.shape_cast %get3A_279 : vector<1x16xf32> to vector<16xf32>
        %mul3A_281 = arith.mulf %get3A_280, %get3A_32 : vector<16xf32>
        %get3A_282 = arith.index_cast %scan3A_260 : i32 to index
        %get3A_283 = arith.constant 64 : index
        %get3A_284 = tpu.vector_load %arg11[%get3A_282, %get3A_283] {strides = array<i32>} : memref<16x768xf32, #tpu.memory_space<vmem>>, vector<1x16xf32>,
        %get3A_285 = vector.shape_cast %get3A_284 : vector<1x16xf32> to vector<16xf32>
        %mul3A_286 = arith.mulf %get3A_285, %get3A_35 : vector<16xf32>
        %get3A_287 = arith.index_cast %scan3A_260 : i32 to index
        %get3A_288 = arith.constant 80 : index
        %get3A_289 = tpu.vector_load %arg11[%get3A_287, %get3A_288] {strides = array<i32>} : memref<16x768xf32, #tpu.memory_space<vmem>>, vector<1x16xf32>,
        %get3A_290 = vector.shape_cast %get3A_289 : vector<1x16xf32> to vector<16xf32>
        %mul3A_291 = arith.mulf %get3A_290, %get3A_38 : vector<16xf32>
        %get3A_292 = arith.index_cast %scan3A_260 : i32 to index
        %get3A_293 = arith.constant 96 : index
        %get3A_294 = tpu.vector_load %arg11[%get3A_292, %get3A_293] {strides = array<i32>} : memref<16x768xf32, #tpu.memory_space<vmem>>, vector<1x16xf32>,
        %get3A_295 = vector.shape_cast %get3A_294 : vector<1x16xf32> to vector<16xf32>
        %mul3A_296 = arith.mulf %get3A_295, %get3A_41 : vector<16xf32>
        %add3A_297 = arith.addf %mul3A_266, %mul3A_296 : vector<16xf32>
        %get3A_298 = arith.index_cast %scan3A_260 : i32 to index
        %get3A_299 = arith.constant 112 : index
        %get3A_300 = tpu.vector_load %arg11[%get3A_298, %get3A_299] {strides = array<i32>} : memref<16x768xf32, #tpu.memory_space<vmem>>, vector<1x16xf32>,
        %get3A_301 = vector.shape_cast %get3A_300 : vector<1x16xf32> to vector<16xf32>
        %mul3A_302 = arith.mulf %get3A_301, %get3A_44 : vector<16xf32>
        %add3A_303 = arith.addf %mul3A_271, %mul3A_302 : vector<16xf32>
        %get3A_304 = arith.index_cast %scan3A_260 : i32 to index
        %get3A_305 = arith.constant 128 : index
        %get3A_306 = tpu.vector_load %arg11[%get3A_304, %get3A_305] {strides = array<i32>} : memref<16x768xf32, #tpu.memory_space<vmem>>, vector<1x16xf32>,
        %get3A_307 = vector.shape_cast %get3A_306 : vector<1x16xf32> to vector<16xf32>
        %mul3A_308 = arith.mulf %get3A_307, %get3A_47 : vector<16xf32>
        %add3A_309 = arith.addf %mul3A_276, %mul3A_308 : vector<16xf32>
        %get3A_310 = arith.index_cast %scan3A_260 : i32 to index
        %get3A_311 = arith.constant 144 : index
        %get3A_312 = tpu.vector_load %arg11[%get3A_310, %get3A_311] {strides = array<i32>} : memref<16x768xf32, #tpu.memory_space<vmem>>, vector<1x16xf32>,
        %get3A_313 = vector.shape_cast %get3A_312 : vector<1x16xf32> to vector<16xf32>
        %mul3A_314 = arith.mulf %get3A_313, %get3A_50 : vector<16xf32>
        %add3A_315 = arith.addf %mul3A_281, %mul3A_314 : vector<16xf32>
        %get3A_316 = arith.index_cast %scan3A_260 : i32 to index
        %get3A_317 = arith.constant 160 : index
        %get3A_318 = tpu.vector_load %arg11[%get3A_316, %get3A_317] {strides = array<i32>} : memref<16x768xf32, #tpu.memory_space<vmem>>, vector<1x16xf32>,
        %get3A_319 = vector.shape_cast %get3A_318 : vector<1x16xf32> to vector<16xf32>
        %mul3A_320 = arith.mulf %get3A_319, %get3A_53 : vector<16xf32>
        %add3A_321 = arith.addf %mul3A_286, %mul3A_320 : vector<16xf32>
        %get3A_322 = arith.index_cast %scan3A_260 : i32 to index
        %get3A_323 = arith.constant 176 : index
        %get3A_324 = tpu.vector_load %arg11[%get3A_322, %get3A_323] {strides = array<i32>} : memref<16x768xf32, #tpu.memory_space<vmem>>, vector<1x16xf32>,
        %get3A_325 = vector.shape_cast %get3A_324 : vector<1x16xf32> to vector<16xf32>
        %mul3A_326 = arith.mulf %get3A_325, %get3A_56 : vector<16xf32>
        %add3A_327 = arith.addf %mul3A_291, %mul3A_326 : vector<16xf32>
        %get3A_328 = arith.index_cast %scan3A_260 : i32 to index
        %get3A_329 = arith.constant 192 : index
        %get3A_330 = tpu.vector_load %arg11[%get3A_328, %get3A_329] {strides = array<i32>} : memref<16x768xf32, #tpu.memory_space<vmem>>, vector<1x16xf32>,
        %get3A_331 = vector.shape_cast %get3A_330 : vector<1x16xf32> to vector<16xf32>
        %mul3A_332 = arith.mulf %get3A_331, %get3A_59 : vector<16xf32>
        %add3A_333 = arith.addf %add3A_297, %mul3A_332 : vector<16xf32>
        %get3A_334 = arith.index_cast %scan3A_260 : i32 to index
        %get3A_335 = arith.constant 208 : index
        %get3A_336 = tpu.vector_load %arg11[%get3A_334, %get3A_335] {strides = array<i32>} : memref<16x768xf32, #tpu.memory_space<vmem>>, vector<1x16xf32>,
        %get3A_337 = vector.shape_cast %get3A_336 : vector<1x16xf32> to vector<16xf32>
        %mul3A_338 = arith.mulf %get3A_337, %get3A_62 : vector<16xf32>
        %add3A_339 = arith.addf %add3A_303, %mul3A_338 : vector<16xf32>
        %get3A_340 = arith.index_cast %scan3A_260 : i32 to index
        %get3A_341 = arith.constant 224 : index
        %get3A_342 = tpu.vector_load %arg11[%get3A_340, %get3A_341] {strides = array<i32>} : memref<16x768xf32, #tpu.memory_space<vmem>>, vector<1x16xf32>,
        %get3A_343 = vector.shape_cast %get3A_342 : vector<1x16xf32> to vector<16xf32>
        %mul3A_344 = arith.mulf %get3A_343, %get3A_65 : vector<16xf32>
        %add3A_345 = arith.addf %add3A_309, %mul3A_344 : vector<16xf32>
        %get3A_346 = arith.index_cast %scan3A_260 : i32 to index
        %get3A_347 = arith.constant 240 : index
        %get3A_348 = tpu.vector_load %arg11[%get3A_346, %get3A_347] {strides = array<i32>} : memref<16x768xf32, #tpu.memory_space<vmem>>, vector<1x16xf32>,
        %get3A_349 = vector.shape_cast %get3A_348 : vector<1x16xf32> to vector<16xf32>
        %mul3A_350 = arith.mulf %get3A_349, %get3A_68 : vector<16xf32>
        %add3A_351 = arith.addf %add3A_315, %mul3A_350 : vector<16xf32>
        %get3A_352 = arith.index_cast %scan3A_260 : i32 to index
        %get3A_353 = arith.constant 256 : index
        %get3A_354 = tpu.vector_load %arg11[%get3A_352, %get3A_353] {strides = array<i32>} : memref<16x768xf32, #tpu.memory_space<vmem>>, vector<1x16xf32>,
        %get3A_355 = vector.shape_cast %get3A_354 : vector<1x16xf32> to vector<16xf32>
        %mul3A_356 = arith.mulf %get3A_355, %get3A_71 : vector<16xf32>
        %add3A_357 = arith.addf %add3A_321, %mul3A_356 : vector<16xf32>
        %get3A_358 = arith.index_cast %scan3A_260 : i32 to index
        %get3A_359 = arith.constant 272 : index
        %get3A_360 = tpu.vector_load %arg11[%get3A_358, %get3A_359] {strides = array<i32>} : memref<16x768xf32, #tpu.memory_space<vmem>>, vector<1x16xf32>,
        %get3A_361 = vector.shape_cast %get3A_360 : vector<1x16xf32> to vector<16xf32>
        %mul3A_362 = arith.mulf %get3A_361, %get3A_74 : vector<16xf32>
        %add3A_363 = arith.addf %add3A_327, %mul3A_362 : vector<16xf32>
        %get3A_364 = arith.index_cast %scan3A_260 : i32 to index
        %get3A_365 = arith.constant 288 : index
        %get3A_366 = tpu.vector_load %arg11[%get3A_364, %get3A_365] {strides = array<i32>} : memref<16x768xf32, #tpu.memory_space<vmem>>, vector<1x16xf32>,
        %get3A_367 = vector.shape_cast %get3A_366 : vector<1x16xf32> to vector<16xf32>
        %mul3A_368 = arith.mulf %get3A_367, %get3A_77 : vector<16xf32>
        %add3A_369 = arith.addf %add3A_333, %mul3A_368 : vector<16xf32>
        %get3A_370 = arith.index_cast %scan3A_260 : i32 to index
        %get3A_371 = arith.constant 304 : index
        %get3A_372 = tpu.vector_load %arg11[%get3A_370, %get3A_371] {strides = array<i32>} : memref<16x768xf32, #tpu.memory_space<vmem>>, vector<1x16xf32>,
        %get3A_373 = vector.shape_cast %get3A_372 : vector<1x16xf32> to vector<16xf32>
        %mul3A_374 = arith.mulf %get3A_373, %get3A_80 : vector<16xf32>
        %add3A_375 = arith.addf %add3A_339, %mul3A_374 : vector<16xf32>
        %get3A_376 = arith.index_cast %scan3A_260 : i32 to index
        %get3A_377 = arith.constant 320 : index
        %get3A_378 = tpu.vector_load %arg11[%get3A_376, %get3A_377] {strides = array<i32>} : memref<16x768xf32, #tpu.memory_space<vmem>>, vector<1x16xf32>,
        %get3A_379 = vector.shape_cast %get3A_378 : vector<1x16xf32> to vector<16xf32>
        %mul3A_380 = arith.mulf %get3A_379, %get3A_83 : vector<16xf32>
        %add3A_381 = arith.addf %add3A_345, %mul3A_380 : vector<16xf32>
        %get3A_382 = arith.index_cast %scan3A_260 : i32 to index
        %get3A_383 = arith.constant 336 : index
        %get3A_384 = tpu.vector_load %arg11[%get3A_382, %get3A_383] {strides = array<i32>} : memref<16x768xf32, #tpu.memory_space<vmem>>, vector<1x16xf32>,
        %get3A_385 = vector.shape_cast %get3A_384 : vector<1x16xf32> to vector<16xf32>
        %mul3A_386 = arith.mulf %get3A_385, %get3A_86 : vector<16xf32>
        %add3A_387 = arith.addf %add3A_351, %mul3A_386 : vector<16xf32>
        %get3A_388 = arith.index_cast %scan3A_260 : i32 to index
        %get3A_389 = arith.constant 352 : index
        %get3A_390 = tpu.vector_load %arg11[%get3A_388, %get3A_389] {strides = array<i32>} : memref<16x768xf32, #tpu.memory_space<vmem>>, vector<1x16xf32>,
        %get3A_391 = vector.shape_cast %get3A_390 : vector<1x16xf32> to vector<16xf32>
        %mul3A_392 = arith.mulf %get3A_391, %get3A_89 : vector<16xf32>
        %add3A_393 = arith.addf %add3A_357, %mul3A_392 : vector<16xf32>
        %get3A_394 = arith.index_cast %scan3A_260 : i32 to index
        %get3A_395 = arith.constant 368 : index
        %get3A_396 = tpu.vector_load %arg11[%get3A_394, %get3A_395] {strides = array<i32>} : memref<16x768xf32, #tpu.memory_space<vmem>>, vector<1x16xf32>,
        %get3A_397 = vector.shape_cast %get3A_396 : vector<1x16xf32> to vector<16xf32>
        %mul3A_398 = arith.mulf %get3A_397, %get3A_92 : vector<16xf32>
        %add3A_399 = arith.addf %add3A_363, %mul3A_398 : vector<16xf32>
        %get3A_400 = arith.index_cast %scan3A_260 : i32 to index
        %get3A_401 = arith.constant 384 : index
        %get3A_402 = tpu.vector_load %arg11[%get3A_400, %get3A_401] {strides = array<i32>} : memref<16x768xf32, #tpu.memory_space<vmem>>, vector<1x16xf32>,
        %get3A_403 = vector.shape_cast %get3A_402 : vector<1x16xf32> to vector<16xf32>
        %mul3A_404 = arith.mulf %get3A_403, %get3A_95 : vector<16xf32>
        %add3A_405 = arith.addf %add3A_369, %mul3A_404 : vector<16xf32>
        %get3A_406 = arith.index_cast %scan3A_260 : i32 to index
        %get3A_407 = arith.constant 400 : index
        %get3A_408 = tpu.vector_load %arg11[%get3A_406, %get3A_407] {strides = array<i32>} : memref<16x768xf32, #tpu.memory_space<vmem>>, vector<1x16xf32>,
        %get3A_409 = vector.shape_cast %get3A_408 : vector<1x16xf32> to vector<16xf32>
        %mul3A_410 = arith.mulf %get3A_409, %get3A_98 : vector<16xf32>
        %add3A_411 = arith.addf %add3A_375, %mul3A_410 : vector<16xf32>
        %get3A_412 = arith.index_cast %scan3A_260 : i32 to index
        %get3A_413 = arith.constant 416 : index
        %get3A_414 = tpu.vector_load %arg11[%get3A_412, %get3A_413] {strides = array<i32>} : memref<16x768xf32, #tpu.memory_space<vmem>>, vector<1x16xf32>,
        %get3A_415 = vector.shape_cast %get3A_414 : vector<1x16xf32> to vector<16xf32>
        %mul3A_416 = arith.mulf %get3A_415, %get3A_101 : vector<16xf32>
        %add3A_417 = arith.addf %add3A_381, %mul3A_416 : vector<16xf32>
        %get3A_418 = arith.index_cast %scan3A_260 : i32 to index
        %get3A_419 = arith.constant 432 : index
        %get3A_420 = tpu.vector_load %arg11[%get3A_418, %get3A_419] {strides = array<i32>} : memref<16x768xf32, #tpu.memory_space<vmem>>, vector<1x16xf32>,
        %get3A_421 = vector.shape_cast %get3A_420 : vector<1x16xf32> to vector<16xf32>
        %mul3A_422 = arith.mulf %get3A_421, %get3A_104 : vector<16xf32>
        %add3A_423 = arith.addf %add3A_387, %mul3A_422 : vector<16xf32>
        %get3A_424 = arith.index_cast %scan3A_260 : i32 to index
        %get3A_425 = arith.constant 448 : index
        %get3A_426 = tpu.vector_load %arg11[%get3A_424, %get3A_425] {strides = array<i32>} : memref<16x768xf32, #tpu.memory_space<vmem>>, vector<1x16xf32>,
        %get3A_427 = vector.shape_cast %get3A_426 : vector<1x16xf32> to vector<16xf32>
        %mul3A_428 = arith.mulf %get3A_427, %get3A_107 : vector<16xf32>
        %add3A_429 = arith.addf %add3A_393, %mul3A_428 : vector<16xf32>
        %get3A_430 = arith.index_cast %scan3A_260 : i32 to index
        %get3A_431 = arith.constant 464 : index
        %get3A_432 = tpu.vector_load %arg11[%get3A_430, %get3A_431] {strides = array<i32>} : memref<16x768xf32, #tpu.memory_space<vmem>>, vector<1x16xf32>,
        %get3A_433 = vector.shape_cast %get3A_432 : vector<1x16xf32> to vector<16xf32>
        %mul3A_434 = arith.mulf %get3A_433, %get3A_110 : vector<16xf32>
        %add3A_435 = arith.addf %add3A_399, %mul3A_434 : vector<16xf32>
        %get3A_436 = arith.index_cast %scan3A_260 : i32 to index
        %get3A_437 = arith.constant 480 : index
        %get3A_438 = tpu.vector_load %arg11[%get3A_436, %get3A_437] {strides = array<i32>} : memref<16x768xf32, #tpu.memory_space<vmem>>, vector<1x16xf32>,
        %get3A_439 = vector.shape_cast %get3A_438 : vector<1x16xf32> to vector<16xf32>
        %mul3A_440 = arith.mulf %get3A_439, %get3A_113 : vector<16xf32>
        %add3A_441 = arith.addf %add3A_405, %mul3A_440 : vector<16xf32>
        %get3A_442 = arith.index_cast %scan3A_260 : i32 to index
        %get3A_443 = arith.constant 496 : index
        %get3A_444 = tpu.vector_load %arg11[%get3A_442, %get3A_443] {strides = array<i32>} : memref<16x768xf32, #tpu.memory_space<vmem>>, vector<1x16xf32>,
        %get3A_445 = vector.shape_cast %get3A_444 : vector<1x16xf32> to vector<16xf32>
        %mul3A_446 = arith.mulf %get3A_445, %get3A_116 : vector<16xf32>
        %add3A_447 = arith.addf %add3A_411, %mul3A_446 : vector<16xf32>
        %get3A_448 = arith.index_cast %scan3A_260 : i32 to index
        %get3A_449 = arith.constant 512 : index
        %get3A_450 = tpu.vector_load %arg11[%get3A_448, %get3A_449] {strides = array<i32>} : memref<16x768xf32, #tpu.memory_space<vmem>>, vector<1x16xf32>,
        %get3A_451 = vector.shape_cast %get3A_450 : vector<1x16xf32> to vector<16xf32>
        %mul3A_452 = arith.mulf %get3A_451, %get3A_119 : vector<16xf32>
        %add3A_453 = arith.addf %add3A_417, %mul3A_452 : vector<16xf32>
        %get3A_454 = arith.index_cast %scan3A_260 : i32 to index
        %get3A_455 = arith.constant 528 : index
        %get3A_456 = tpu.vector_load %arg11[%get3A_454, %get3A_455] {strides = array<i32>} : memref<16x768xf32, #tpu.memory_space<vmem>>, vector<1x16xf32>,
        %get3A_457 = vector.shape_cast %get3A_456 : vector<1x16xf32> to vector<16xf32>
        %mul3A_458 = arith.mulf %get3A_457, %get3A_122 : vector<16xf32>
        %add3A_459 = arith.addf %add3A_423, %mul3A_458 : vector<16xf32>
        %get3A_460 = arith.index_cast %scan3A_260 : i32 to index
        %get3A_461 = arith.constant 544 : index
        %get3A_462 = tpu.vector_load %arg11[%get3A_460, %get3A_461] {strides = array<i32>} : memref<16x768xf32, #tpu.memory_space<vmem>>, vector<1x16xf32>,
        %get3A_463 = vector.shape_cast %get3A_462 : vector<1x16xf32> to vector<16xf32>
        %mul3A_464 = arith.mulf %get3A_463, %get3A_125 : vector<16xf32>
        %add3A_465 = arith.addf %add3A_429, %mul3A_464 : vector<16xf32>
        %get3A_466 = arith.index_cast %scan3A_260 : i32 to index
        %get3A_467 = arith.constant 560 : index
        %get3A_468 = tpu.vector_load %arg11[%get3A_466, %get3A_467] {strides = array<i32>} : memref<16x768xf32, #tpu.memory_space<vmem>>, vector<1x16xf32>,
        %get3A_469 = vector.shape_cast %get3A_468 : vector<1x16xf32> to vector<16xf32>
        %mul3A_470 = arith.mulf %get3A_469, %get3A_128 : vector<16xf32>
        %add3A_471 = arith.addf %add3A_435, %mul3A_470 : vector<16xf32>
        %get3A_472 = arith.index_cast %scan3A_260 : i32 to index
        %get3A_473 = arith.constant 576 : index
        %get3A_474 = tpu.vector_load %arg11[%get3A_472, %get3A_473] {strides = array<i32>} : memref<16x768xf32, #tpu.memory_space<vmem>>, vector<1x16xf32>,
        %get3A_475 = vector.shape_cast %get3A_474 : vector<1x16xf32> to vector<16xf32>
        %mul3A_476 = arith.mulf %get3A_475, %get3A_131 : vector<16xf32>
        %add3A_477 = arith.addf %add3A_441, %mul3A_476 : vector<16xf32>
        %get3A_478 = arith.index_cast %scan3A_260 : i32 to index
        %get3A_479 = arith.constant 592 : index
        %get3A_480 = tpu.vector_load %arg11[%get3A_478, %get3A_479] {strides = array<i32>} : memref<16x768xf32, #tpu.memory_space<vmem>>, vector<1x16xf32>,
        %get3A_481 = vector.shape_cast %get3A_480 : vector<1x16xf32> to vector<16xf32>
        %mul3A_482 = arith.mulf %get3A_481, %get3A_134 : vector<16xf32>
        %add3A_483 = arith.addf %add3A_447, %mul3A_482 : vector<16xf32>
        %get3A_484 = arith.index_cast %scan3A_260 : i32 to index
        %get3A_485 = arith.constant 608 : index
        %get3A_486 = tpu.vector_load %arg11[%get3A_484, %get3A_485] {strides = array<i32>} : memref<16x768xf32, #tpu.memory_space<vmem>>, vector<1x16xf32>,
        %get3A_487 = vector.shape_cast %get3A_486 : vector<1x16xf32> to vector<16xf32>
        %mul3A_488 = arith.mulf %get3A_487, %get3A_137 : vector<16xf32>
        %add3A_489 = arith.addf %add3A_453, %mul3A_488 : vector<16xf32>
        %get3A_490 = arith.index_cast %scan3A_260 : i32 to index
        %get3A_491 = arith.constant 624 : index
        %get3A_492 = tpu.vector_load %arg11[%get3A_490, %get3A_491] {strides = array<i32>} : memref<16x768xf32, #tpu.memory_space<vmem>>, vector<1x16xf32>,
        %get3A_493 = vector.shape_cast %get3A_492 : vector<1x16xf32> to vector<16xf32>
        %mul3A_494 = arith.mulf %get3A_493, %get3A_140 : vector<16xf32>
        %add3A_495 = arith.addf %add3A_459, %mul3A_494 : vector<16xf32>
        %get3A_496 = arith.index_cast %scan3A_260 : i32 to index
        %get3A_497 = arith.constant 640 : index
        %get3A_498 = tpu.vector_load %arg11[%get3A_496, %get3A_497] {strides = array<i32>} : memref<16x768xf32, #tpu.memory_space<vmem>>, vector<1x16xf32>,
        %get3A_499 = vector.shape_cast %get3A_498 : vector<1x16xf32> to vector<16xf32>
        %mul3A_500 = arith.mulf %get3A_499, %get3A_143 : vector<16xf32>
        %add3A_501 = arith.addf %add3A_465, %mul3A_500 : vector<16xf32>
        %get3A_502 = arith.index_cast %scan3A_260 : i32 to index
        %get3A_503 = arith.constant 656 : index
        %get3A_504 = tpu.vector_load %arg11[%get3A_502, %get3A_503] {strides = array<i32>} : memref<16x768xf32, #tpu.memory_space<vmem>>, vector<1x16xf32>,
        %get3A_505 = vector.shape_cast %get3A_504 : vector<1x16xf32> to vector<16xf32>
        %mul3A_506 = arith.mulf %get3A_505, %get3A_146 : vector<16xf32>
        %add3A_507 = arith.addf %add3A_471, %mul3A_506 : vector<16xf32>
        %get3A_508 = arith.index_cast %scan3A_260 : i32 to index
        %get3A_509 = arith.constant 672 : index
        %get3A_510 = tpu.vector_load %arg11[%get3A_508, %get3A_509] {strides = array<i32>} : memref<16x768xf32, #tpu.memory_space<vmem>>, vector<1x16xf32>,
        %get3A_511 = vector.shape_cast %get3A_510 : vector<1x16xf32> to vector<16xf32>
        %mul3A_512 = arith.mulf %get3A_511, %get3A_149 : vector<16xf32>
        %add3A_513 = arith.addf %add3A_477, %mul3A_512 : vector<16xf32>
        %get3A_514 = arith.index_cast %scan3A_260 : i32 to index
        %get3A_515 = arith.constant 688 : index
        %get3A_516 = tpu.vector_load %arg11[%get3A_514, %get3A_515] {strides = array<i32>} : memref<16x768xf32, #tpu.memory_space<vmem>>, vector<1x16xf32>,
        %get3A_517 = vector.shape_cast %get3A_516 : vector<1x16xf32> to vector<16xf32>
        %mul3A_518 = arith.mulf %get3A_517, %get3A_152 : vector<16xf32>
        %add3A_519 = arith.addf %add3A_483, %mul3A_518 : vector<16xf32>
        %get3A_520 = arith.index_cast %scan3A_260 : i32 to index
        %get3A_521 = arith.constant 704 : index
        %get3A_522 = tpu.vector_load %arg11[%get3A_520, %get3A_521] {strides = array<i32>} : memref<16x768xf32, #tpu.memory_space<vmem>>, vector<1x16xf32>,
        %get3A_523 = vector.shape_cast %get3A_522 : vector<1x16xf32> to vector<16xf32>
        %mul3A_524 = arith.mulf %get3A_523, %get3A_155 : vector<16xf32>
        %add3A_525 = arith.addf %add3A_489, %mul3A_524 : vector<16xf32>
        %get3A_526 = arith.index_cast %scan3A_260 : i32 to index
        %get3A_527 = arith.constant 720 : index
        %get3A_528 = tpu.vector_load %arg11[%get3A_526, %get3A_527] {strides = array<i32>} : memref<16x768xf32, #tpu.memory_space<vmem>>, vector<1x16xf32>,
        %get3A_529 = vector.shape_cast %get3A_528 : vector<1x16xf32> to vector<16xf32>
        %mul3A_530 = arith.mulf %get3A_529, %get3A_158 : vector<16xf32>
        %add3A_531 = arith.addf %add3A_495, %mul3A_530 : vector<16xf32>
        %get3A_532 = arith.index_cast %scan3A_260 : i32 to index
        %get3A_533 = arith.constant 736 : index
        %get3A_534 = tpu.vector_load %arg11[%get3A_532, %get3A_533] {strides = array<i32>} : memref<16x768xf32, #tpu.memory_space<vmem>>, vector<1x16xf32>,
        %get3A_535 = vector.shape_cast %get3A_534 : vector<1x16xf32> to vector<16xf32>
        %mul3A_536 = arith.mulf %get3A_535, %get3A_161 : vector<16xf32>
        %add3A_537 = arith.addf %add3A_501, %mul3A_536 : vector<16xf32>
        %get3A_538 = arith.index_cast %scan3A_260 : i32 to index
        %get3A_539 = arith.constant 752 : index
        %get3A_540 = tpu.vector_load %arg11[%get3A_538, %get3A_539] {strides = array<i32>} : memref<16x768xf32, #tpu.memory_space<vmem>>, vector<1x16xf32>,
        %get3A_541 = vector.shape_cast %get3A_540 : vector<1x16xf32> to vector<16xf32>
        %mul3A_542 = arith.mulf %get3A_541, %get3A_164 : vector<16xf32>
        %add3A_543 = arith.addf %add3A_507, %mul3A_542 : vector<16xf32>
        %add3A_544 = arith.addf %add3A_513, %add3A_519 : vector<16xf32>
        %add3A_545 = arith.addf %add3A_525, %add3A_531 : vector<16xf32>
        %add3A_546 = arith.addf %add3A_544, %add3A_545 : vector<16xf32>
        %add3A_547 = arith.addf %add3A_537, %add3A_543 : vector<16xf32>
        %add3A_548 = arith.addf %add3A_546, %add3A_547 : vector<16xf32>
        %mul3A_549 = arith.constant 16 : i32
        %mul3A_550 = arith.muli %add3A_240, %mul3A_549 : i32
        %add3A_551 = arith.addi %mul3A_550, %scan3A_260 : i32
        %shift_right_arithmetic3A = arith.constant 3 : i32
        %shift_right_arithmetic3A_552 = arith.shrsi %add3A_551, %shift_right_arithmetic3A : i32
        %and3A = arith.constant 7 : i32
        %and3A_553 = arith.andi %add3A_551, %and3A : i32
        %mul3A_554 = arith.constant 16 : i32
        %mul3A_555 = arith.muli %and3A_553, %mul3A_554 : i32
        %swap3A = arith.index_cast %shift_right_arithmetic3A_552 : i32 to index
        %swap3A_556 = arith.index_cast %mul3A_555 : i32 to index
        %swap3A_557 = tpu.vector_load %arg12[%swap3A, %swap3A_556] {strides = array<i32>} : memref<64x128xf32, #tpu.memory_space<vmem>>, vector<1x16xf32>,
        %swap3A_558 = vector.shape_cast %swap3A_557 : vector<1x16xf32> to vector<16xf32>
        %swap3A_559 = vector.shape_cast %add3A_548 : vector<16xf32> to vector<1x16xf32>
        tpu.vector_store %arg12[%swap3A, %swap3A_556], %swap3A_559 {strides = array<i32>} : memref<64x128xf32, #tpu.memory_space<vmem>>, vector<1x16xf32>,
        %scan3A_560 = arith.constant 0 : i32
        scf.yield %scan3A_560 : i32
      }
      %scan3A_253 = arith.constant 16 : i32
      %lt3A_254 = arith.constant 7 : i32
      %lt3A_255 = arith.cmpi slt, %scan3A_173, %lt3A_254 : i32
      %convert_element_type3A_256 = arith.extui %lt3A_255 : i1 to i32
      %cond3A_257 = arith.constant 0 : i32
      %cond3A_258 = arith.cmpi ne, %convert_element_type3A_256, %cond3A_257 : i32
      scf.if %cond3A_258 {
        %add3A_260 = arith.constant 4 : i32
        %add3A_261 = arith.addi %add3A_240, %add3A_260 : i32
        %mul3A_262 = arith.constant 16 : i32
        %mul3A_263 = arith.muli %add3A_261, %mul3A_262 : i32
        %dma_start3A_264 = tpu.memref_slice %arg6[%mul3A_263] : memref<512xi32, #tpu.memory_space<vmem>> -> memref<16xi32, #tpu.memory_space<vmem>>
        %dma_start3A_265 = arith.constant 0 : i32
        %dma_start3A_266 = arith.constant 0 : i32
        %dma_start3A_267 = tpu.memref_slice %arg4[%dma_start3A_265, %dma_start3A_266] : memref<100000x768xf32, #tpu.memory_space<hbm>> -> memref<100000x768xf32, #tpu.memory_space<hbm>>
        tpu.enqueue_indirect_dma source(%dma_start3A_267 : memref<100000x768xf32, #tpu.memory_space<hbm>>) target(%arg11 : memref<16x768xf32, #tpu.memory_space<vmem>>) offsets(%dma_start3A_264 : memref<16xi32, #tpu.memory_space<vmem>>) semaphore(%arg16 : memref<!tpu.dma_semaphore, #tpu.memory_space<semaphore_mem>>)
      } else {
      }
      %scan3A_259 = arith.constant 0 : i32
      scf.yield %scan3A_259 : i32
    }
    %scan3A_170 = arith.constant 8 : i32
    %mul3A_171 = arith.constant 64 : i32
    %mul3A_172 = arith.muli %add3A, %mul3A_171 : i32
    "tpu.region"() ({
      %run_scoped3A = tpu.sem_alloc : memref<!tpu.dma_semaphore, #tpu.memory_space<semaphore_mem>>
      %dma_start3A_173 = arith.constant 0 : i32
      %dma_start3A_174 = tpu.memref_slice %arg5[%mul3A_172, %dma_start3A_173] : memref<2048x128xf32, #tpu.memory_space<hbm>> -> memref<64x128xf32, #tpu.memory_space<hbm>>
      %dma_start3A_175 = arith.constant 0 : i32
      %dma_start3A_176 = tpu.memref_slice %arg5[%mul3A_172, %dma_start3A_175] : memref<2048x128xf32, #tpu.memory_space<hbm>> -> memref<64x128xf32, #tpu.memory_space<hbm>>
      tpu.enqueue_dma source(%arg12 : memref<64x128xf32, #tpu.memory_space<vmem>>) target(%dma_start3A_176 : memref<64x128xf32, #tpu.memory_space<hbm>>) target_semaphore(%run_scoped3A : memref<!tpu.dma_semaphore, #tpu.memory_space<semaphore_mem>>)
      %dma_wait3A = arith.constant 0 : i32
      %dma_wait3A_177 = tpu.memref_slice %arg5[%mul3A_172, %dma_wait3A] : memref<2048x128xf32, #tpu.memory_space<hbm>> -> memref<64x128xf32, #tpu.memory_space<hbm>>
      %dma_wait3A_178 = arith.constant 0 : i32
      %dma_wait3A_179 = tpu.memref_slice %arg5[%mul3A_172, %dma_wait3A_178] : memref<2048x128xf32, #tpu.memory_space<hbm>> -> memref<64x128xf32, #tpu.memory_space<hbm>>
      tpu.wait_dma2 semaphore(%run_scoped3A : memref<!tpu.dma_semaphore, #tpu.memory_space<semaphore_mem>>) src(%arg12 : memref<64x128xf32, #tpu.memory_space<vmem>>) dst(%dma_wait3A_179 : memref<64x128xf32, #tpu.memory_space<hbm>>)
      tpu.yield
    }) : () -> ()
    return
  }
}

module attributes {stable_mosaic.version = 14 : i64} {
  func.func @_prep_body(%arg0: memref<1x128xf32, #tpu.memory_space<vmem>>, %arg1: memref<1x128xf32, #tpu.memory_space<vmem>>, %arg2: memref<128x768xf32, #tpu.memory_space<vmem>>, %arg3: memref<1x768xf32, #tpu.memory_space<vmem>>) attributes {dimension_semantics = [], scalar_prefetch = 0 : i64, scratch_operands = 0 : i64, tpu.core_type = #tpu.core_type<tc>} {
    %get3A = arith.constant 0 : index
    %get3A_0 = arith.constant 0 : index
    %get3A_1 = vector.load %arg0[%get3A, %get3A_0] : memref<1x128xf32, #tpu.memory_space<vmem>>, vector<1x128xf32>
    %mul3A = arith.mulf %get3A_1, %get3A_1 : vector<1x128xf32>
    %reduce_sum3A = vector.shape_cast %mul3A : vector<1x128xf32> to vector<1x1x128xf32>
    %reduce_sum3A_2 = arith.constant dense<0.000000e+00> : vector<1xf32>
    %reduce_sum3A_3 = vector.multi_reduction <add>, %reduce_sum3A, %reduce_sum3A_2 [1, 2] : vector<1x1x128xf32> to vector<1xf32>
    %reduce_sum3A_4 = vector.shape_cast %reduce_sum3A_3 : vector<1xf32> to vector<1x1x1xf32>
    %reduce_sum3A_5 = vector.extract %reduce_sum3A_4[0, 0, 0] : f32 from vector<1x1x1xf32>
    %sqrt3A = math.sqrt %reduce_sum3A_5 : f32
    %max3A = arith.constant 9.99999996E-13 : f32
    %max3A_6 = arith.maximumf %sqrt3A, %max3A : f32
    %div3A = vector.broadcast %max3A_6 : f32 to vector<1x128xf32>
    %div3A_7 = arith.divf %get3A_1, %div3A : vector<1x128xf32>
    %get3A_8 = arith.constant 0 : index
    %get3A_9 = arith.constant 0 : index
    %get3A_10 = vector.load %arg1[%get3A_8, %get3A_9] : memref<1x128xf32, #tpu.memory_space<vmem>>, vector<1x128xf32>
    %mul3A_11 = arith.mulf %div3A_7, %get3A_10 : vector<1x128xf32>
    %get3A_12 = arith.constant 0 : index
    %get3A_13 = arith.constant 0 : index
    %get3A_14 = vector.load %arg2[%get3A_12, %get3A_13] : memref<128x768xf32, #tpu.memory_space<vmem>>, vector<128x768xf32>
    %dot_general3A = arith.constant dense<0.000000e+00> : vector<1x768xf32>
    %dot_general3A_15 = tpu.matmul %mul3A_11, %get3A_14, %dot_general3A {dimension_numbers = #tpu.dot_dimension_numbers<[1], [0], [0], [1], [0, 0, 1, 1], [], []>, transpose_lhs_hint = false} : vector<1x128xf32>, vector<128x768xf32>, vector<1x768xf32> -> vector<1x768xf32>
    %swap3A = arith.constant 0 : index
    %swap3A_16 = arith.constant 0 : index
    %swap3A_17 = vector.load %arg3[%swap3A, %swap3A_16] : memref<1x768xf32, #tpu.memory_space<vmem>>, vector<1x768xf32>
    tpu.vector_store %arg3[%swap3A, %swap3A_16], %dot_general3A_15 {strides = array<i32>} : memref<1x768xf32, #tpu.memory_space<vmem>>, vector<1x768xf32>,
    return
  }
}

module attributes {stable_mosaic.version = 14 : i64} {
  func.func @_mv_body(%arg0: i32, %arg1: memref<1x768xf32, #tpu.memory_space<vmem>>, %arg2: memref<256x8x768xf32, #tpu.memory_space<vmem>>, %arg3: memref<256x8xf32, #tpu.memory_space<vmem>>) attributes {dimension_semantics = [#tpu.dimension_semantics<arbitrary>], iteration_bounds = array<i64: 8>, scalar_prefetch = 0 : i64, scratch_operands = 0 : i64, tpu.core_type = #tpu.core_type<tc>, window_params = [{pipeline_mode = #tpu.pipeline_mode<synchronous>, transform_indices = @transform_0, window_bounds = array<i64: 1, 768>}, {transform_indices = @transform_1, window_bounds = array<i64: 256, 8, 768>}, {transform_indices = @transform_2, window_bounds = array<i64: 256, 8>}]} {
    %get3A = arith.constant 0 : index
    %get3A_0 = arith.constant 0 : index
    %get3A_1 = arith.constant 0 : index
    %get3A_2 = vector.load %arg2[%get3A, %get3A_0, %get3A_1] : memref<256x8x768xf32, #tpu.memory_space<vmem>>, vector<256x8x768xf32>
    %get3A_3 = arith.constant 0 : index
    %get3A_4 = arith.constant 0 : index
    %get3A_5 = vector.load %arg1[%get3A_3, %get3A_4] : memref<1x768xf32, #tpu.memory_space<vmem>>, vector<1x768xf32>
    %get3A_6 = vector.shape_cast %get3A_5 : vector<1x768xf32> to vector<768xf32>
    %dot_general3A = arith.constant dense<0.000000e+00> : vector<256x8xf32>
    %dot_general3A_7 = tpu.matmul %get3A_2, %get3A_6, %dot_general3A {dimension_numbers = #tpu.dot_dimension_numbers<[2], [0], [0, 1], [], [0, 0, 0, 1], [], []>, transpose_lhs_hint = false} : vector<256x8x768xf32>, vector<768xf32>, vector<256x8xf32> -> vector<256x8xf32>
    %mul3A = arith.constant 5.000000e-02 : f32
    %mul3A_8 = vector.broadcast %mul3A : f32 to vector<256x8xf32>
    %mul3A_9 = arith.mulf %mul3A_8, %dot_general3A_7 : vector<256x8xf32>
    %swap3A = arith.constant 0 : index
    %swap3A_10 = arith.constant 0 : index
    %swap3A_11 = vector.load %arg3[%swap3A, %swap3A_10] : memref<256x8xf32, #tpu.memory_space<vmem>>, vector<256x8xf32>
    tpu.vector_store %arg3[%swap3A, %swap3A_10], %mul3A_9 {strides = array<i32>} : memref<256x8xf32, #tpu.memory_space<vmem>>, vector<256x8xf32>,
    return
  }
  func.func @transform_0(%arg0: i32) -> (i32, i32) {
    %c0_i32 = arith.constant 0 : i32
    %c0_i32_0 = arith.constant 0 : i32
    %c0_i32_1 = arith.constant 0 : i32
    return %c0_i32, %c0_i32_0 : i32, i32
  }
  func.func @transform_1(%arg0: i32) -> (i32, i32, i32) {
    %c0_i32 = arith.constant 0 : i32
    %c0_i32_0 = arith.constant 0 : i32
    %c0_i32_1 = arith.constant 0 : i32
    return %arg0, %c0_i32, %c0_i32_0 : i32, i32, i32
  }
  func.func @transform_2(%arg0: i32) -> (i32, i32) {
    %c0_i32 = arith.constant 0 : i32
    %c0_i32_0 = arith.constant 0 : i32
    return %arg0, %c0_i32 : i32, i32
  }
}

module attributes {stable_mosaic.version = 14 : i64} {
  func.func @_comb_body(%arg0: i32, %arg1: memref<256x128xf32, #tpu.memory_space<vmem>>, %arg2: memref<256x8xf32, #tpu.memory_space<vmem>>, %arg3: memref<256x8xf32, #tpu.memory_space<vmem>>) attributes {dimension_semantics = [#tpu.dimension_semantics<arbitrary>], iteration_bounds = array<i64: 8>, scalar_prefetch = 0 : i64, scratch_operands = 0 : i64, tpu.core_type = #tpu.core_type<tc>, window_params = [{transform_indices = @transform_0, window_bounds = array<i64: 256, 128>}, {transform_indices = @transform_1, window_bounds = array<i64: 256, 8>}, {transform_indices = @transform_2, window_bounds = array<i64: 256, 8>}]} {
    %iota3A = tpu.iota {dimensions = array<i32: 0>} : vector<128x8xi32>
    %jit3A = arith.constant 16 : i32
    %div3A = vector.broadcast %jit3A : i32 to vector<128x8xi32>
    %div3A_0 = arith.divsi %iota3A, %div3A : vector<128x8xi32>
    %sign3A = arith.constant 0 : i32
    %sign3A_1 = vector.broadcast %sign3A : i32 to vector<128x8xi32>
    %sign3A_2 = arith.cmpi sgt, %iota3A, %sign3A_1 : vector<128x8xi32>
    %sign3A_3 = arith.extui %sign3A_2 : vector<128x8xi1> to vector<128x8xi32>
    %sign3A_4 = arith.constant 0 : i32
    %sign3A_5 = vector.broadcast %sign3A_4 : i32 to vector<128x8xi32>
    %sign3A_6 = arith.cmpi slt, %iota3A, %sign3A_5 : vector<128x8xi32>
    %sign3A_7 = arith.extui %sign3A_6 : vector<128x8xi1> to vector<128x8xi32>
    %sign3A_8 = arith.subi %sign3A_3, %sign3A_7 : vector<128x8xi32>
    %sign3A_9 = arith.constant 0 : i32
    %sign3A_10 = arith.cmpi sgt, %jit3A, %sign3A_9 : i32
    %sign3A_11 = arith.extui %sign3A_10 : i1 to i32
    %sign3A_12 = arith.constant 0 : i32
    %sign3A_13 = arith.cmpi slt, %jit3A, %sign3A_12 : i32
    %sign3A_14 = arith.extui %sign3A_13 : i1 to i32
    %sign3A_15 = arith.subi %sign3A_11, %sign3A_14 : i32
    %ne3A = vector.broadcast %sign3A_15 : i32 to vector<128x8xi32>
    %ne3A_16 = arith.cmpi ne, %sign3A_8, %ne3A : vector<128x8xi32>
    %rem3A = vector.broadcast %jit3A : i32 to vector<128x8xi32>
    %rem3A_17 = arith.remsi %iota3A, %rem3A : vector<128x8xi32>
    %ne3A_18 = arith.constant 0 : i32
    %ne3A_19 = vector.broadcast %ne3A_18 : i32 to vector<128x8xi32>
    %ne3A_20 = arith.cmpi ne, %rem3A_17, %ne3A_19 : vector<128x8xi32>
    %and3A = arith.andi %ne3A_16, %ne3A_20 : vector<128x8xi1>
    %sub3A = arith.constant 1 : i32
    %sub3A_21 = vector.broadcast %sub3A : i32 to vector<128x8xi32>
    %sub3A_22 = arith.subi %div3A_0, %sub3A_21 : vector<128x8xi32>
    %select_n3A = arith.select %and3A, %sub3A_22, %div3A_0 : vector<128x8xi1>, vector<128x8xi32>
    %iota3A_23 = tpu.iota {dimensions = array<i32: 1>} : vector<128x8xi32>
    %eq3A = arith.cmpi eq, %select_n3A, %iota3A_23 : vector<128x8xi32>
    %convert_element_type3A = arith.extui %eq3A : vector<128x8xi1> to vector<128x8xi32>
    %convert_element_type3A_24 = arith.sitofp %convert_element_type3A : vector<128x8xi32> to vector<128x8xf32>
    %get3A = arith.constant 0 : index
    %get3A_25 = arith.constant 0 : index
    %get3A_26 = vector.load %arg1[%get3A, %get3A_25] : memref<256x128xf32, #tpu.memory_space<vmem>>, vector<256x128xf32>
    %dot_general3A = arith.constant dense<0.000000e+00> : vector<256x8xf32>
    %dot_general3A_27 = tpu.matmul %get3A_26, %convert_element_type3A_24, %dot_general3A {dimension_numbers = #tpu.dot_dimension_numbers<[1], [0], [0], [1], [0, 0, 1, 1], [], []>, transpose_lhs_hint = false} : vector<256x128xf32>, vector<128x8xf32>, vector<256x8xf32> -> vector<256x8xf32>
    %get3A_28 = arith.constant 0 : index
    %get3A_29 = arith.constant 0 : index
    %get3A_30 = vector.load %arg2[%get3A_28, %get3A_29] : memref<256x8xf32, #tpu.memory_space<vmem>>, vector<256x8xf32>
    %add3A = arith.addf %dot_general3A_27, %get3A_30 : vector<256x8xf32>
    %swap3A = arith.constant 0 : index
    %swap3A_31 = arith.constant 0 : index
    %swap3A_32 = vector.load %arg3[%swap3A, %swap3A_31] : memref<256x8xf32, #tpu.memory_space<vmem>>, vector<256x8xf32>
    tpu.vector_store %arg3[%swap3A, %swap3A_31], %add3A {strides = array<i32>} : memref<256x8xf32, #tpu.memory_space<vmem>>, vector<256x8xf32>,
    return
  }
  func.func @transform_0(%arg0: i32) -> (i32, i32) {
    %c0_i32 = arith.constant 0 : i32
    %c0_i32_0 = arith.constant 0 : i32
    return %arg0, %c0_i32 : i32, i32
  }
  func.func @transform_1(%arg0: i32) -> (i32, i32) {
    %c0_i32 = arith.constant 0 : i32
    %c0_i32_0 = arith.constant 0 : i32
    return %arg0, %c0_i32 : i32, i32
  }
  func.func @transform_2(%arg0: i32) -> (i32, i32) {
    %c0_i32 = arith.constant 0 : i32
    %c0_i32_0 = arith.constant 0 : i32
    return %arg0, %c0_i32 : i32, i32
  }
}

</mosaic_0001>

<sc_bundles>
// kernel: kernel.6.cloned.1.call-start
scs
__scs_entry_jumppad:
0x0: {  	(pc) =	sbr.rel $0x88, $3  }
0x1: {  	(tag) =	ssettag $0x0;
	lr =	simm.s32 $0x1  }
0x2: {  	[smem:$0x3F9B] =	sst lr;
	_ =	strace $0xD0000000  }
0x3: {  	_ = 	snop  }
0x4: {  	_ = 	snop  }
0x5: {  	_ = 	snop  }
0x6: {  	_ = 	snop  }
0x7: {  	_ = 	snop  }
__scs_overlays_trampoline_lowered:
0x8: {  	[smem:$0x3FAA] =	sst s0  }
0x9: {  	[smem:$0x3FAB] =	sst s1  }
0xa: {  	[smem:$0x3FAC] =	sst s2  }
0xb: {  	[smem:$0x3FAD] =	sst s3  }
0xc: {  	[smem:$0x3FAE] =	sst s4  }
0xd: {  	[smem:$0x3FAF] =	sst s5  }
0xe: {  	[smem:$0x3FB0] =	sst s6  }
0xf: {  	[smem:$0x3FB1] =	sst s7  }
0x10: {  	[smem:$0x3FB2] =	sst s8  }
0x11: {  	[smem:$0x3FB3] =	sst s9;
	s0 =	simm.s32 @!p0 $0x0  }
0x12: {  	s1 =	sld [smem:$0x3F99];
	s0 =	simm.s32 @p0 $0x1  }
0x13: {  	[smem:$0x3FB4] =	sst s0;
	s0 =	simm.s32 @!p1 $0x0  }
0x14: {  	s2 =	sld [smem:$0x3F98];
	s0 =	simm.s32 @p1 $0x1  }
0x15: {  	[smem:$0x3FB5] =	sst s0;
	s0 =	simm.s32 @!p2 $0x0  }
0x16: {  	s3 =	sld [smem:$0x3FDB];
	s0 =	simm.s32 @p2 $0x1  }
0x17: {  	s4 =	simm.s32 $0x1BF5;
	[smem:$0x3FB7] =	sst s0  }
0x18: {  	s0 =	sld [smem:$0x3F9A];
	_ =	swait.ge [sflag:s4], $0x0  }
0x19: {  	s7 =	sld [smem:$0x3F9B]  }
0x1a: {  	s8 =	sadd.s32 $0xFFFFE003, lr  }
0x1b: {  	s9 =	sadd.s32 $0xFFFFFEF7, lr;
	s5 =	simm.s32 $0xFFFFFFFF;
	p2 =	slt.u32 s8, $0xFFFFF086  }
0x1c: {  	p1 =	slt.u32 s9, $0xF7A;
	s5 =	simm.s32 @!p2 $0x0  }
0x1d: {  	s5 =	simm.s32 @p1 $0x1;
	p0 =	seq.s32 s7, s2  }
0x1e: {  	s7 =	smul.u32 @!p0 $0xF7A, s2;
	p2 =	seq.s32 @!p0 s5, $0x0  }
0x1f: {  	s9 =	smul.u32 $0xF7A, s1;
	s8 =	simm.s32 @!p0 $0x1BF5;
	p2 =	por !p2, p0  }
0x20: {  	[sflag:s8] =	ssyncset.s32 @!p0 $0xFFFFF086;
	s6 =	sadd.s32 @!p0 s3, s7;
	s7 =	simm.s32 @!p0 $0x108  }
0x21: {  	s3 =	sadd.s32 s3, s9;
	s6 =	sadd.s32 @!p0 $0x88, s6;
	s7 =	simm.s32 @p2 $0x1082  }
0x22: {  	[simem:s7], [sflag:s8] =	dma.local @!p0 [hbm:s6], $0xF7A  }
0x23: {  	s9 =	sor.u32 $0xD0000000, s2;
	s6 =	simm.s32 $0x108;
	_ =	swait.ge @!p0 [sflag:s8], $0x0  }
0x24: {  	s3 =	sadd.s32 $0x88, s3;
	s6 =	simm.s32 @!p1 $0x1082;
	[sflag:s4] =	ssyncset.s32 $0xFFFFF086  }
0x25: {  	[simem:s6], [sflag:s4] =	dma.local [hbm:s3], $0xF7A  }
0x26: {  	[smem:$0x3F9B] =	sst s1;
	(tag) =	ssettag s2;
	_ =	strace s9  }
0x27: {  	s1 =	sld [smem:$0x3FAB]  }
0x28: {  	s2 =	sld [smem:$0x3FAC]  }
0x29: {  	s4 =	sld [smem:$0x3FAE]  }
0x2a: {  	p0 =	seq.s32 s5, $0x0;
	s5 =	sld [smem:$0x3FAF]  }
0x2b: {  	s6 =	sld [smem:$0x3FB0]  }
0x2c: {  	s7 =	sld [smem:$0x3FB1]  }
0x2d: {  	s3 =	simm.s32 $0x108;
	s8 =	sld [smem:$0x3FB2]  }
0x2e: {  	s3 =	simm.s32 @!p0 $0x1082;
	s9 =	sld [smem:$0x3FB3]  }
0x2f: {  	lr =	sadd.s32 s0, s3;
	s0 =	sld [smem:$0x3FAA]  }
0x30: {  	s3 =	sld [smem:$0x3FAD]  }
0x31: {  	[smem:$0x3FB6] =	sst s10  }
0x32: {  	s10 =	sld [smem:$0x3FB4];
	_ =	sdelay $0x3  }
0x33: {  	p0 =	seq.s32 s10, $0x1;
	s10 =	sld [smem:$0x3FB6];
	_ =	sdelay $0x3  }
0x34: {  	[smem:$0x3FB6] =	sst s10  }
0x35: {  	s10 =	sld [smem:$0x3FB5];
	_ =	sdelay $0x3  }
0x36: {  	p1 =	seq.s32 s10, $0x1;
	s10 =	sld [smem:$0x3FB6];
	_ =	sdelay $0x3  }
0x37: {  	[smem:$0x3FB6] =	sst s10  }
0x38: {  	s10 =	sld [smem:$0x3FB7]  }
0x39: {  	_ = 	snop;
	(pc) =	sbr.ind lr, $3  }
0x3a: {  	_ = 	snop  }
0x3b: {  	_ = 	snop  }
0x3c: {  	p2 =	seq.s32 s10, $0x1;
	s10 =	sld [smem:$0x3FB6]  }
0x3d: {  	_ =	shalt  }
0x3e: {  	_ =	shalt  }
0x3f: {  	_ =	shalt  }
0x40: {  	_ =	shalt  }
0x41: {  	_ =	shalt  }
0x42: {  	_ =	shalt  }
0x43: {  	_ =	shalt  }
0x44: {  	_ =	shalt  }
0x45: {  	_ =	shalt  }
0x46: {  	_ =	shalt  }
0x47: {  	_ =	shalt  }
0x48: {  	_ =	shalt  }
0x49: {  	_ =	shalt  }
0x4a: {  	_ =	shalt  }
0x4b: {  	_ =	shalt  }
0x4c: {  	_ =	shalt  }
0x4d: {  	_ =	shalt  }
0x4e: {  	_ =	shalt  }
0x4f: {  	_ =	shalt  }
0x50: {  	_ =	shalt  }
0x51: {  	_ =	shalt  }
0x52: {  	_ =	shalt  }
0x53: {  	_ =	shalt  }
0x54: {  	_ =	shalt  }
0x55: {  	_ =	shalt  }
0x56: {  	_ =	shalt  }
0x57: {  	_ =	shalt  }
0x58: {  	_ =	shalt  }
0x59: {  	_ =	shalt  }
0x5a: {  	_ =	shalt  }
0x5b: {  	_ =	shalt  }
0x5c: {  	_ =	shalt  }
0x5d: {  	_ =	shalt  }
0x5e: {  	_ =	shalt  }
0x5f: {  	_ =	shalt  }
0x60: {  	_ =	shalt  }
0x61: {  	_ =	shalt  }
0x62: {  	_ =	shalt  }
0x63: {  	_ =	shalt  }
0x64: {  	_ =	shalt  }
0x65: {  	_ =	shalt  }
0x66: {  	_ =	shalt  }
0x67: {  	_ =	shalt  }
0x68: {  	_ =	shalt  }
0x69: {  	_ =	shalt  }
0x6a: {  	_ =	shalt  }
0x6b: {  	_ =	shalt  }
0x6c: {  	_ =	shalt  }
0x6d: {  	_ =	shalt  }
0x6e: {  	_ =	shalt  }
0x6f: {  	_ =	shalt  }
0x70: {  	_ =	shalt  }
0x71: {  	_ =	shalt  }
0x72: {  	_ =	shalt  }
0x73: {  	_ =	shalt  }
0x74: {  	_ =	shalt  }
0x75: {  	_ =	shalt  }
0x76: {  	_ =	shalt  }
0x77: {  	_ =	shalt  }
0x78: {  	_ =	shalt  }
0x79: {  	_ =	shalt  }
0x7a: {  	_ =	shalt  }
0x7b: {  	_ =	shalt  }
0x7c: {  	_ =	shalt  }
0x7d: {  	_ =	shalt  }
0x7e: {  	_ =	shalt  }
0x7f: {  	_ =	shalt  }
0x80: {  	_ =	shalt  }
0x81: {  	_ =	shalt  }
0x82: {  	_ =	shalt  }
0x83: {  	_ =	shalt  }
0x84: {  	_ =	shalt  }
0x85: {  	_ =	shalt  }
0x86: {  	_ =	shalt  }
0x87: {  	_ =	shalt  }
.Lfunc_end0:
.L_simem_size_0:
called_computation_lowered:
.L_overlay_start_0:
0x88: {  	s2 =	sld [smem:$0x3FD9]  }
0x89: {  	s3 =	sld [smem:$0x3FFE];
	_ =	sdelay $0x1  }
0x8a: {  	s1 =	srdreg.scid  }
0x8b: {  	s0 =	sand.u32 $0x1, s1  }
0x8c: {  	s17 =	sshll.u32 s0, $0xA;
	s2 =	sadd.s32 s3, s2  }
0x8d: {  	s2 =	sadd.s32 s2, s17  }
0x8e: {  	[smem:$0x3FC2] =	sst s2  }
0x8f: {  	_ = 	snop  }
0x90: {  	s2 =	sld [smem:$0x3FC9]  }
0x91: {  	s18 =	sld [smem:$0x3FC7]  }
0x92: {  	s4 =	sld [smem:$0x3FD0];
	(tm) =	ssettm $0x1  }
0x93: {  	s5 =	sld [smem:$0x3FFB];
	_ =	sdelay $0x3  }
0x94: {  	_ =	strace s5  }
0x95: {  	s5 =	sld [smem:$0x3FFC];
	_ =	sdelay $0x3  }
0x96: {  	_ =	strace s5  }
0x97: {  	s5 =	sld [smem:$0x3FFD];
	_ =	sdelay $0x3  }
0x98: {  	_ =	strace s5  }
0x99: {  	_ =	strace $0x8FFFFFFF  }
0x9a: {  	s19 =	sld [smem:$0x3FDB];
	_ =	sdelay $0x1  }
0x9b: {  	s6 =	simm.s32 $_scs_section_size  }
0x9c: {  	s7 =	simm.s32 $_size__tile_overlayer_lowered;
	s8 =	simm.s32 $_tile_overlayer_lowered  }
0x9d: {  	s22 =	simm.s32 $0x1BFF;
	s21 =	sshll.u32 s8, $0x1;
	s5 =	sadd.s32 s6, s19  }
0x9e: {  	s9 =	simm.s32 $0x0;
	s20 =	sshll.u32 s7, $0x1;
	s7 =	sadd.s32 s21, s5  }
0x9f: {  	[timem:s9], [sflag:s22] =	dma.local [hbm:s7], s20  }
0xa0: {  	_ =	swait.ge [sflag:s22], s20  }
0xa1: {  	s6 =	ssub.s32 $0x0, s20;
	[sflag:s22] =	ssyncset.done $0x0  }
0xa2: {  	[sflag:s22] =	ssyncadd.s32 s6;
	_ =	sdelay $0x1  }
0xa3: {  	s23 =	simm.s32 $0x1B8B  }
0xa4: {  	_ =	swait.ge [sflag:s23], $0x1  }
0xa5: {  	[sflag:s23] =	ssyncset.done $0x0  }
0xa6: {  	s25 =	simm.s32 $0x1B8E;
	s24 =	sld [smem:$0x3FFE];
	[sflag:s23] =	ssyncadd.s32 $0xFFFFFFFF  }
0xa7: {  	s26 =	simm.s32 $execute0_lowered;
	[smem:$0x3FD2] =	sst s25  }
0xa8: {  	s7 =	sshll.u32 s26, $0x1;
	_ =	strace $0x80000046;
	[dreg:$0x1] =	wrdreg $0xFFFFFFFF  }
0xa9: {  	s28 =	simm.s32 $_size_execute0_lowered;
	s5 =	sadd.s32 s5, s7;
	[dreg:$0x0] =	wrdreg $0x0  }
0xaa: {  	s7 =	sshll.u32 s28, $0x1;
	[dreg:$0x2] =	wrdreg s5  }
0xab: {  	[dreg:$0x3] =	wrdreg s7  }
0xac: {  	[dreg:$0x4] =	wrdreg $0xC0  }
0xad: {  	_ =	task [dreg:s9], $0x5FFFF  }
0xae: {  	[dreg:$0x1] =	wrdreg $0xFFFFFFFF  }
0xaf: {  	[dreg:$0x0] =	wrdreg $0x60  }
0xb0: {  	[dreg:$0x2] =	wrdreg s2  }
0xb1: {  	[dreg:$0x3] =	wrdreg s4  }
0xb2: {  	[dreg:$0x4] =	wrdreg s18  }
0xb3: {  	[dreg:$0x5] =	wrdreg s24  }
0xb4: {  	[dreg:$0x6] =	wrdreg $0x9  }
0xb5: {  	_ =	task.clear_ibuf [dreg:s9], $0x7FFFF;
	_ =	strace $0x90000046  }
0xb6: {  	s29 =	simm.s32 $0x9;
	_ =	strace $0x80000048  }
0xb7: {  	_ =	swait.ge [sflag:s29], $0x1  }
0xb8: {  	[sflag:s29] =	ssyncadd.s32 $0xFFFFFFFF  }
0xb9: {  	_ =	strace $0x90000048  }
0xba: {  	_ =	sfence  }
0xbb: {  	s30 =	sld [smem:$0x0];
	_ =	sdelay $0x2  }
0xbc: {  	s31 =	sshll.u32 s1, $0xD;
	s1 =	sshrl.u32 s1, $0x2  }
0xbd: {  	s3 =	sand.u32 $0x4000, s31;
	s1 =	sadd.s32 s1, s30  }
0xbe: {  	s0 =	sor.u32 s3, s0;
	s1 =	sshll.u32 s1, $0x11  }
0xbf: {  	s0 =	sor.u32 s1, s0  }
0xc0: {  	s0 =	sadd.s32 $0x8F2B, s0  }
0xc1: {  	[sflag:s0] =	ssyncadd.remote.s32 $0x1  }
0xc2: {  	_ =	sfence.sel $0xFFFF  }
0xc3: {  	[dreg:$0x0] =	wrdreg $0xFFFFFFFF;
	(pc) =	sbr.abs _section_cstart, $3  }
0xc4: {  	[dreg:$0x1] =	wrdreg $0xFFFFFFFF  }
0xc5: {  	_ =	task.clear_ibuf [dreg:s9], $0x2FFFF;
	_ =	strace $0x9FFFFFFF  }
0xc6: {  	(tm) =	ssettm $0x7FFFFFFF  }
0xc7: {  	_ =	shalt  }
tec
execute0_lowered:
.L_overlay_start_1:
0x0: {  	(tag) =	ssettag $0x1  }
0x1: {  	s0 =	rddreg [dreg:$0x0]  }
0x2: {  	s2 =	rddreg [dreg:$0x2]  }
0x3: {  	s1 =	rddreg [dreg:$0x3];
	s4 =	simm.s32 $0x0  }
0x4: {  	s3 =	srdreg.scid;
	s5 =	stileid.u32;
	s10 =	simm.s32 $0x5  }
0x5: {  	s30 =	simm.s32 $0x9500;
	s31 =	simm.s32 $0x9D00;
	s11 =	simm.s32 $0xBD00  }
0x6: {  	s12 =	simm.s32 $0x200;
	s13 =	simm.s32 $0x1;
	s14 =	simm.s32 $0x2  }
0x7: {  	s15 =	simm.s32 $0x3;
	s16 =	simm.s32 $0x4;
	s17 =	simm.s32 $0xC500  }
0x8: {  	[smem:$0x7FF] =	sst s4;
	s3 =	sand.u32 $0x1, s3;
	s5 =	sshll.u32 s5, $0x1  }
0x9: {  	s18 =	simm.s32 $0x0;
	_ =	strace $0x80000047;
	s5 =	sor.u32 s3, s5  }
.Ltmp0:
0xa: {  	v0 =	vlaneseq.u32;
	s3 =	ssub.s32 $0x2, s3;
	s6 =	sshll.u32 s5, $0xA;
	(pc) =	sbr.rel .LBB2_1-.Ltmp0, $4  }
0xb: {  	v1 =	vand.u32 $0x7, v0;
	v63 =	vshrl.u32 v0, $0x3;
	s7 =	sshrl.u32 s3, $0x1;
	s5 =	sshll.u32 s5, $0x6;
	s1 =	sadd.s32 s6, s1  }
0xc: {  	v0 =	vor.u32 $0x8, v0;
	[tilespmem:$0x1FFD0] =	vst v1;
	v1 =	vmul.u32 $0x8, v63;
	s3 =	ssub.s32 s3, s7;
	s5 =	sadd.s32 s0, s5;
	s6 =	sadd.s32 $0x100, s2  }
0xd: {  	[tilespmem:$0x1FFF0] =	vst v0;
	s7 =	sadd.s32 $0x200, s2;
	s0 =	simm.s32 $0xA500;
	s8 =	sadd.s32 $0xE00, s1  }
0xe: {  	vm0 =	vmmov $0xffff;
	[tilespmem:$0x1FFE0] =	vst v1;
	s9 =	smax.u32 s3, $0x1;
	s3 =	simm.s32 $0xAD00;
	s1 =	simm.s32 $0xB500  }
.LBB2_12:
0xf: {  	s18 =	sadd.s32 $0x1, s18  }
0x10: {  	p0 =	sne.s32 s18, s9  }
.Ltmp1:
0x11: {  	_ = 	snop;
	(pc) =	sbr.rel @!p0 .LBB2_13-.Ltmp1, $4  }
0x12: {  	[hbm4b:s8+s4] =	stream.linear.scatter [tilespmem:s17], [sflag:$0x5], $0x2000, $0x38;
	[tilespmem:$0xE500] =	vst v63  }
0x13: {  	_ =	swait.ge [sflag:s10], $0x2000  }
0x14: {  	[sflag:s10] =	ssyncset.done $0x0  }
0x15: {  	[sflag:s10] =	ssyncadd.s32 $0xFFFFE000  }
.LBB2_1:
0x16: {  	[tilespmem:s4], [sflag:$0x5] =	stream.linear.gather [hbm4b:s5+s4], $0x200, $0x38;
	[tilespmem:$0xE500] =	vst v63  }
0x17: {  	_ =	swait.ge [sflag:s10], $0x200  }
0x18: {  	[sflag:s10] =	ssyncset.done $0x0  }
0x19: {  	[sflag:s10] =	ssyncadd.s32 $0xFFFFFE00  }
0x1a: {  	v0 =	vld [tilespmem:$0x0];
	_ =	sdelay $0x3  }
0x1b: {  	v2 =	vld [tilespmem:$0x1FFD0]  }
0x1c: {  	v1 =	vshrl.u32 v0, $0x3  }
0x1d: {  	v3 =	vld [tilespmem:$0x1FFE0];
	v1 =	vmul.u32 $0x30, v1  }
0x1e: {  	v0 =	vand.u32 $0x7, v0  }
0x1f: {  	v0 =	vor.u32 v0, v1  }
0x20: {  	v1 =	vperm.xlane v0, v2  }
0x21: {  	v4 =	vld [tilespmem:$0x1FFF0]  }
0x22: {  	v1 =	vadd.s32 v3, v1;
	_ =	sdelay $0x3  }
0x23: {  	s19 =	simm.s32 $0x500;
	v0 =	vperm.xlane v0, v4  }
0x24: {  	[tilespmem:s19], [sflag:$0x1] =	stream.indirect_vreg.gather [hbm4b:s2+s4], $0x80, v1, vm0, $0xb8;
	[tilespmem:$0xE500] =	vst v63  }
0x25: {  	s20 =	simm.s32 $0xD00;
	v0 =	vadd.s32 v3, v0  }
0x26: {  	[tilespmem:s20], [sflag:$0x1] =	stream.indirect_vreg.gather [hbm4b:s6+s4], $0x80, v1, vm0, $0xb8;
	[tilespmem:$0xE500] =	vst v63  }
0x27: {  	s21 =	simm.s32 $0x1500  }
0x28: {  	[tilespmem:s21], [sflag:$0x1] =	stream.indirect_vreg.gather [hbm4b:s7+s4], $0x80, v1, vm0, $0xb8;
	[tilespmem:$0xE500] =	vst v63  }
0x29: {  	s22 =	simm.s32 $0x1D00  }
0x2a: {  	[tilespmem:s22], [sflag:$0x1] =	stream.indirect_vreg.gather [hbm4b:s2+s4], $0x80, v0, vm0, $0xb8;
	[tilespmem:$0xE500] =	vst v63  }
0x2b: {  	s23 =	simm.s32 $0x2500  }
0x2c: {  	[tilespmem:s23], [sflag:$0x1] =	stream.indirect_vreg.gather [hbm4b:s6+s4], $0x80, v0, vm0, $0xb8;
	[tilespmem:$0xE500] =	vst v63  }
0x2d: {  	s24 =	simm.s32 $0x2D00  }
0x2e: {  	[tilespmem:s24], [sflag:$0x1] =	stream.indirect_vreg.gather [hbm4b:s7+s4], $0x80, v0, vm0, $0xb8;
	[tilespmem:$0xE500] =	vst v63  }
0x2f: {  	v0 =	vld [tilespmem:$0x10];
	_ =	sdelay $0x4  }
0x30: {  	v1 =	vshrl.u32 v0, $0x3  }
0x31: {  	v1 =	vmul.u32 $0x30, v1  }
0x32: {  	v0 =	vand.u32 $0x7, v0  }
0x33: {  	v0 =	vor.u32 v0, v1  }
0x34: {  	v1 =	vperm.xlane v0, v2;
	_ =	sdelay $0x1  }
0x35: {  	v1 =	vadd.s32 v3, v1;
	_ =	sdelay $0x3  }
0x36: {  	s25 =	simm.s32 $0x3500;
	v0 =	vperm.xlane v0, v4  }
0x37: {  	[tilespmem:s25], [sflag:$0x2] =	stream.indirect_vreg.gather [hbm4b:s2+s4], $0x80, v1, vm0, $0xb8;
	[tilespmem:$0xE500] =	vst v63  }
0x38: {  	s26 =	simm.s32 $0x3D00;
	v0 =	vadd.s32 v3, v0  }
0x39: {  	[tilespmem:s26], [sflag:$0x2] =	stream.indirect_vreg.gather [hbm4b:s6+s4], $0x80, v1, vm0, $0xb8;
	[tilespmem:$0xE500] =	vst v63  }
0x3a: {  	s28 =	simm.s32 $0x4500  }
0x3b: {  	[tilespmem:s28], [sflag:$0x2] =	stream.indirect_vreg.gather [hbm4b:s7+s4], $0x80, v1, vm0, $0xb8;
	[tilespmem:$0xE500] =	vst v63  }
0x3c: {  	s29 =	simm.s32 $0x4D00  }
0x3d: {  	[tilespmem:s29], [sflag:$0x2] =	stream.indirect_vreg.gather [hbm4b:s2+s4], $0x80, v0, vm0, $0xb8;
	[tilespmem:$0xE500] =	vst v63  }
0x3e: {  	s20 =	simm.s32 $0x5500  }
0x3f: {  	[tilespmem:s20], [sflag:$0x2] =	stream.indirect_vreg.gather [hbm4b:s6+s4], $0x80, v0, vm0, $0xb8;
	[tilespmem:$0xE500] =	vst v63  }
0x40: {  	s21 =	simm.s32 $0x5D00  }
0x41: {  	[tilespmem:s21], [sflag:$0x2] =	stream.indirect_vreg.gather [hbm4b:s7+s4], $0x80, v0, vm0, $0xb8;
	[tilespmem:$0xE500] =	vst v63  }
0x42: {  	v0 =	vld [tilespmem:$0x20];
	_ =	sdelay $0x4  }
0x43: {  	v1 =	vshrl.u32 v0, $0x3  }
0x44: {  	v1 =	vmul.u32 $0x30, v1  }
0x45: {  	v0 =	vand.u32 $0x7, v0  }
0x46: {  	v0 =	vor.u32 v0, v1  }
0x47: {  	v1 =	vperm.xlane v0, v2;
	_ =	sdelay $0x1  }
0x48: {  	v1 =	vadd.s32 v3, v1;
	_ =	sdelay $0x3  }
0x49: {  	s22 =	simm.s32 $0x6500;
	v0 =	vperm.xlane v0, v4  }
0x4a: {  	[tilespmem:s22], [sflag:$0x3] =	stream.indirect_vreg.gather [hbm4b:s2+s4], $0x80, v1, vm0, $0xb8;
	[tilespmem:$0xE500] =	vst v63  }
0x4b: {  	s23 =	simm.s32 $0x6D00;
	v0 =	vadd.s32 v3, v0  }
0x4c: {  	[tilespmem:s23], [sflag:$0x3] =	stream.indirect_vreg.gather [hbm4b:s6+s4], $0x80, v1, vm0, $0xb8;
	[tilespmem:$0xE500] =	vst v63  }
0x4d: {  	s24 =	simm.s32 $0x7500  }
0x4e: {  	[tilespmem:s24], [sflag:$0x3] =	stream.indirect_vreg.gather [hbm4b:s7+s4], $0x80, v1, vm0, $0xb8;
	[tilespmem:$0xE500] =	vst v63  }
0x4f: {  	s25 =	simm.s32 $0x7D00  }
0x50: {  	[tilespmem:s25], [sflag:$0x3] =	stream.indirect_vreg.gather [hbm4b:s2+s4], $0x80, v0, vm0, $0xb8;
	[tilespmem:$0xE500] =	vst v63  }
0x51: {  	s26 =	simm.s32 $0x8500  }
0x52: {  	[tilespmem:s26], [sflag:$0x3] =	stream.indirect_vreg.gather [hbm4b:s6+s4], $0x80, v0, vm0, $0xb8;
	[tilespmem:$0xE500] =	vst v63  }
0x53: {  	s28 =	simm.s32 $0x8D00  }
0x54: {  	[tilespmem:s28], [sflag:$0x3] =	stream.indirect_vreg.gather [hbm4b:s7+s4], $0x80, v0, vm0, $0xb8;
	[tilespmem:$0xE500] =	vst v63  }
0x55: {  	v0 =	vld [tilespmem:$0x30];
	_ =	sdelay $0x4  }
0x56: {  	v1 =	vshrl.u32 v0, $0x3  }
0x57: {  	v1 =	vmul.u32 $0x30, v1  }
0x58: {  	v0 =	vand.u32 $0x7, v0  }
0x59: {  	v0 =	vor.u32 v0, v1  }
0x5a: {  	v1 =	vperm.xlane v0, v2;
	_ =	sdelay $0x1  }
0x5b: {  	v1 =	vadd.s32 v3, v1;
	_ =	sdelay $0x3  }
0x5c: {  	v0 =	vperm.xlane v0, v4  }
0x5d: {  	[tilespmem:s30], [sflag:$0x4] =	stream.indirect_vreg.gather [hbm4b:s2+s4], $0x80, v1, vm0, $0xb8;
	[tilespmem:$0xE500] =	vst v63  }
0x5e: {  	v0 =	vadd.s32 v3, v0  }
0x5f: {  	[tilespmem:s31], [sflag:$0x4] =	stream.indirect_vreg.gather [hbm4b:s6+s4], $0x80, v1, vm0, $0xb8;
	[tilespmem:$0xE500] =	vst v63  }
0x60: {  	_ = 	snop  }
0x61: {  	[tilespmem:s0], [sflag:$0x4] =	stream.indirect_vreg.gather [hbm4b:s7+s4], $0x80, v1, vm0, $0xb8;
	[tilespmem:$0xE500] =	vst v63  }
0x62: {  	_ = 	snop  }
0x63: {  	[tilespmem:s3], [sflag:$0x4] =	stream.indirect_vreg.gather [hbm4b:s2+s4], $0x80, v0, vm0, $0xb8;
	[tilespmem:$0xE500] =	vst v63  }
0x64: {  	_ = 	snop  }
0x65: {  	[tilespmem:s1], [sflag:$0x4] =	stream.indirect_vreg.gather [hbm4b:s6+s4], $0x80, v0, vm0, $0xb8;
	[tilespmem:$0xE500] =	vst v63  }
0x66: {  	_ = 	snop  }
0x67: {  	[tilespmem:s11], [sflag:$0x4] =	stream.indirect_vreg.gather [hbm4b:s7+s4], $0x80, v0, vm0, $0xb8;
	[tilespmem:$0xE500] =	vst v63  }
0x68: {  	s29 =	rddreg [dreg:$0x1]  }
0x69: {  	[tilespmem:s12], [sflag:$0x5] =	stream.linear.gather [hbm4b:s29+s4], $0x300, $0x38;
	[tilespmem:$0xE500] =	vst v63  }
0x6a: {  	_ =	swait.ge [sflag:s10], $0x300  }
0x6b: {  	[sflag:s10] =	ssyncset.done $0x0  }
0x6c: {  	[sflag:s10] =	ssyncadd.s32 $0xFFFFFD00  }
0x6d: {  	v0 =	vld [tilespmem:$0x200]  }
0x6e: {  	v38 =	vld [tilespmem:$0x210]  }
0x6f: {  	v63 =	vld [tilespmem:$0x220]  }
0x70: {  	v26 =	vld [tilespmem:$0x230]  }
0x71: {  	v16 =	vld [tilespmem:$0x240]  }
0x72: {  	v32 =	vld [tilespmem:$0x250]  }
0x73: {  	v1 =	vld [tilespmem:$0x260]  }
0x74: {  	v21 =	vld [tilespmem:$0x2A0]  }
0x75: {  	v15 =	vld [tilespmem:$0x2B0]  }
0x76: {  	v37 =	vld [tilespmem:$0x2E0]  }
0x77: {  	v57 =	vld [tilespmem:$0x2F0]  }
0x78: {  	v18 =	vld [tilespmem:$0x300]  }
0x79: {  	v31 =	vld [tilespmem:$0x310]  }
0x7a: {  	v29 =	vld [tilespmem:$0x320];
	[tilespmem:$0x1FDA0] =	vst v0  }
0x7b: {  	v19 =	vld [tilespmem:$0x330];
	[tilespmem:$0x1FDB0] =	vst v1  }
0x7c: {  	v17 =	vld [tilespmem:$0x340];
	[tilespmem:$0x1FE10] =	vst v32  }
0x7d: {  	v23 =	vld [tilespmem:$0x360];
	[tilespmem:$0x1FE20] =	vst v15  }
0x7e: {  	v20 =	vld [tilespmem:$0x370];
	[tilespmem:$0x1FE30] =	vst v21  }
0x7f: {  	v35 =	vld [tilespmem:$0x3C0];
	[tilespmem:$0x1FE40] =	vst v31  }
0x80: {  	v25 =	vld [tilespmem:$0x3E0];
	[tilespmem:$0x1FE50] =	vst v18  }
0x81: {  	v36 =	vld [tilespmem:$0x450];
	[tilespmem:$0x1FE60] =	vst v16  }
0x82: {  	v13 =	vld [tilespmem:$0x4C0];
	[tilespmem:$0x1FE70] =	vst v23  }
0x83: {  	v1 =	vld [tilespmem:$0x270];
	[tilespmem:$0x1FE80] =	vst v20  }
0x84: {  	v11 =	vld [tilespmem:$0x470];
	[tilespmem:$0x1FE90] =	vst v35  }
0x85: {  	v10 =	vld [tilespmem:$0x4D0];
	[tilespmem:$0x1FEA0] =	vst v25  }
0x86: {  	v14 =	vld [tilespmem:$0x410];
	[tilespmem:$0x1FEB0] =	vst v36  }
0x87: {  	v33 =	vld [tilespmem:$0x460];
	[tilespmem:$0x1FEC0] =	vst v13  }
0x88: {  	[tilespmem:$0x1FDC0] =	vst v1;
	v1 =	vld [tilespmem:$0x280]  }
0x89: {  	v12 =	vld [tilespmem:$0x4F0];
	[tilespmem:$0x1FED0] =	vst v11  }
0x8a: {  	v58 =	vld [tilespmem:$0x3B0];
	[tilespmem:$0x1FEE0] =	vst v10  }
0x8b: {  	v30 =	vld [tilespmem:$0x400];
	[tilespmem:$0x1FEF0] =	vst v14  }
0x8c: {  	v2 =	vld [tilespmem:$0x350];
	[tilespmem:$0x1FF00] =	vst v33  }
0x8d: {  	[tilespmem:$0x1FDD0] =	vst v1;
	v1 =	vld [tilespmem:$0x290]  }
0x8e: {  	v41 =	vld [tilespmem:$0x3A0];
	[tilespmem:$0x1FF10] =	vst v12  }
0x8f: {  	v43 =	vld [tilespmem:$0x380];
	[tilespmem:$0x1FF20] =	vst v58  }
0x90: {  	v44 =	vld [tilespmem:$0x390];
	[tilespmem:$0x1FF30] =	vst v30  }
0x91: {  	v48 =	vld [tilespmem:$0x3D0];
	[tilespmem:$0x1FF40] =	vst v57  }
0x92: {  	[tilespmem:$0x1FDE0] =	vst v1;
	v1 =	vld [tilespmem:$0x2C0]  }
0x93: {  	v50 =	vld [tilespmem:$0x3F0];
	[tilespmem:$0x1FF50] =	vst v41  }
0x94: {  	v46 =	vld [tilespmem:$0x420];
	[tilespmem:$0x1FF60] =	vst v37  }
0x95: {  	v49 =	vld [tilespmem:$0x430];
	[tilespmem:$0x1FF70] =	vst v2  }
0x96: {  	v24 =	vld [tilespmem:$0x4E0];
	[tilespmem:$0x1FF80] =	vst v17  }
0x97: {  	[tilespmem:$0x1FDF0] =	vst v1;
	v1 =	vld [tilespmem:$0x2D0]  }
0x98: {  	v34 =	vld [tilespmem:$0x440];
	[tilespmem:$0x1FF90] =	vst v26  }
0x99: {  	v45 =	vld [tilespmem:$0x480];
	[tilespmem:$0x1FFA0] =	vst v63  }
0x9a: {  	v40 =	vld [tilespmem:$0x490];
	[tilespmem:$0x1FFB0] =	vst v38  }
0x9b: {  	v27 =	vld [tilespmem:$0x4A0];
	[tilespmem:$0x1FFC0] =	vst v24  }
0x9c: {  	s19 =	simm.s32 $0x0;
	v22 =	vld [tilespmem:$0x4B0];
	[tilespmem:$0x1FE00] =	vst v1  }
.LBB2_2:
0x9d: {  	s20 =	simm.s32 $0x0  }
0x9e: {  	s20 =	smul.u32 $0x6000, s20  }
0x9f: {  	_ =	swait.ge [sflag:s13], $0x3000;
	s21 =	simm.s32 $0x0  }
0xa0: {  	[sflag:s13] =	ssyncset.done $0x0;
	s22 =	sand.u32 $0x380, s21;
	s20 =	sshra.s32 s20, $0x2  }
0xa1: {  	[sflag:s13] =	ssyncadd.s32 $0xFFFFD000;
	s20 =	sor.u32 s22, s20  }
0xa2: {  	v0 =	vld [tilespmem:s20+$0x1960]  }
0xa3: {  	v1 =	vld [tilespmem:s20+$0x1920]  }
0xa4: {  	v30 =	vmov v17;
	v17 =	vmov v2;
	v2 =	vld [tilespmem:s20+$0x1930]  }
0xa5: {  	v3 =	vld [tilespmem:s20+$0x1900]  }
0xa6: {  	v4 =	vld [tilespmem:s20+$0x1910]  }
0xa7: {  	v5 =	vld [tilespmem:s20+$0x1540]  }
0xa8: {  	v6 =	vld [tilespmem:s20+$0x1550]  }
0xa9: {  	v7 =	vld [tilespmem:s20+$0x1520]  }
0xaa: {  	v8 =	vld [tilespmem:s20+$0x1530]  }
0xab: {  	v9 =	vld [tilespmem:s20+$0x1160]  }
0xac: {  	v10 =	vld [tilespmem:s20+$0x1170]  }
0xad: {  	v11 =	vld [tilespmem:s20+$0x1140]  }
0xae: {  	v12 =	vld [tilespmem:s20+$0x1150]  }
0xaf: {  	v13 =	vld [tilespmem:s20+$0x1100]  }
0xb0: {  	v14 =	vld [tilespmem:s20+$0x1110]  }
0xb1: {  	v51 =	vld [tilespmem:s20+$0xD60]  }
0xb2: {  	v52 =	vld [tilespmem:s20+$0xD70]  }
0xb3: {  	v53 =	vld [tilespmem:s20+$0xD20]  }
0xb4: {  	v54 =	vld [tilespmem:s20+$0xD30]  }
0xb5: {  	v55 =	vld [tilespmem:s20+$0x540]  }
0xb6: {  	v56 =	vld [tilespmem:s20+$0x920]  }
0xb7: {  	v42 =	vld [tilespmem:s20+$0x550]  }
0xb8: {  	v47 =	vld [tilespmem:s20+$0x930]  }
0xb9: {  	v60 =	vld [tilespmem:s20+$0xD10]  }
0xba: {  	v59 =	vld [tilespmem:s20+$0xD00]  }
0xbb: {  	v61 =	vld [tilespmem:s20+$0x940]  }
0xbc: {  	v62 =	vld [tilespmem:s20+$0x950];
	v6 =	vmul.f32 v6, v36;
	v55 =	vmul.f32 v55, v16  }
0xbd: {  	v28 =	vmovc v33;
	v33 =	vmovc v57;
	v56 =	vmul.f32 v56, v21;
	v21 =	vmov v63;
	v63 =	vld [tilespmem:s20+$0x500];
	v57 =	vmul.f32 v42, v32  }
0xbe: {  	v39 =	vmovc v58;
	v58 =	vmul.f32 v47, v15;
	v16 =	vmovc v36;
	v36 =	vmov v31;
	v60 =	vmul.f32 v60, v31;
	v31 =	vld [tilespmem:$0x1FDF0]  }
0xbf: {  	v51 =	vmul.f32 v51, v23;
	v23 =	vld [tilespmem:$0x1FDA0]  }
0xc0: {  	v59 =	vmul.f32 v59, v18;
	v55 =	vadd.f32 v56, v55;
	v57 =	vadd.f32 v58, v57;
	v58 =	vld [tilespmem:s20+$0x510]  }
0xc1: {  	v9 =	vmul.f32 v9, v25;
	v25 =	vld [tilespmem:$0x1FDB0]  }
0xc2: {  	v42 =	vmovc v20;
	v52 =	vmul.f32 v52, v20;
	v20 =	vld [tilespmem:$0x1FDE0];
	v55 =	vadd.f32 v59, v55;
	v57 =	vadd.f32 v60, v57  }
0xc3: {  	v59 =	vld [tilespmem:s20+$0x570]  }
0xc4: {  	v11 =	vmul.f32 v11, v35;
	v51 =	vadd.f32 v51, v55;
	v52 =	vadd.f32 v52, v57;
	v57 =	vld [tilespmem:s20+$0x530]  }
0xc5: {  	v54 =	vmul.f32 v54, v19;
	v58 =	vmul.f32 v58, v38;
	v38 =	vmov v19;
	v19 =	vld [tilespmem:$0x1FDC0]  }
0xc6: {  	v7 =	vmul.f32 v7, v46;
	v11 =	vadd.f32 v11, v51;
	v51 =	vld [tilespmem:s20+$0x910]  }
0xc7: {  	v56 =	vld [tilespmem:s20+$0x560]  }
0xc8: {  	v3 =	vmul.f32 v3, v45;
	v7 =	vadd.f32 v7, v11;
	v11 =	vld [tilespmem:s20+$0x970]  }
0xc9: {  	v0 =	vmul.f32 v0, v24;
	v47 =	vmov v35;
	v35 =	vld [tilespmem:s20+$0x960]  }
0xca: {  	v8 =	vmul.f32 v8, v49;
	v59 =	vmul.f32 v59, v19;
	v3 =	vadd.f32 v3, v7;
	v7 =	vld [tilespmem:s20+$0xD50]  }
0xcb: {  	v60 =	vld [tilespmem:s20+$0x520];
	v57 =	vmul.f32 v57, v26;
	v51 =	vmul.f32 v51, v20  }
0xcc: {  	v12 =	vmul.f32 v12, v48;
	v63 =	vmul.f32 v63, v23;
	v58 =	vadd.f32 v59, v58;
	v59 =	vld [tilespmem:s20+$0x1130]  }
0xcd: {  	v24 =	vmovc v32;
	v32 =	vld [tilespmem:$0x1FE00];
	v56 =	vmul.f32 v56, v25;
	v51 =	vadd.f32 v51, v57;
	v11 =	vmul.f32 v11, v33  }
0xce: {  	v61 =	vmul.f32 v61, v31;
	v55 =	vld [tilespmem:s20+$0x900];
	v12 =	vadd.f32 v12, v52;
	v52 =	vmul.f32 v35, v37  }
0xcf: {  	v35 =	vld [tilespmem:s20+$0x1500];
	v56 =	vadd.f32 v56, v63;
	v11 =	vadd.f32 v11, v51;
	v7 =	vmul.f32 v7, v17  }
0xd0: {  	v53 =	vmul.f32 v53, v29;
	v60 =	vmul.f32 v60, v21;
	v21 =	vld [tilespmem:$0x1FDD0]  }
0xd1: {  	v37 =	vld [tilespmem:s20+$0x1510];
	v56 =	vadd.f32 v61, v56;
	v7 =	vadd.f32 v7, v11;
	v11 =	vmul.f32 v59, v39  }
0xd2: {  	v4 =	vmul.f32 v4, v40;
	v62 =	vmul.f32 v62, v32;
	v63 =	vld [tilespmem:s20+$0x1940];
	v8 =	vadd.f32 v8, v12  }
0xd3: {  	v13 =	vmul.f32 v13, v43;
	v53 =	vadd.f32 v53, v56;
	v7 =	vadd.f32 v11, v7;
	v11 =	vld [tilespmem:$0x1FEF0]  }
0xd4: {  	v12 =	vld [tilespmem:s20+$0xD40];
	v58 =	vadd.f32 v62, v58  }
0xd5: {  	v4 =	vadd.f32 v4, v8;
	v8 =	vld [tilespmem:s20+$0x1120];
	v55 =	vmul.f32 v55, v21;
	v13 =	vadd.f32 v13, v53  }
0xd6: {  	v14 =	vmul.f32 v14, v44;
	v17 =	vld [tilespmem:$0x1FF30];
	v54 =	vadd.f32 v54, v58  }
0xd7: {  	v5 =	vmul.f32 v5, v34;
	v61 =	vld [tilespmem:s20+$0x1560];
	v55 =	vadd.f32 v55, v60;
	v9 =	vadd.f32 v9, v13  }
0xd8: {  	v10 =	vmul.f32 v10, v50;
	v62 =	vld [tilespmem:s20+$0x1570];
	v14 =	vadd.f32 v14, v54;
	v11 =	vmul.f32 v37, v11  }
0xd9: {  	v12 =	vmul.f32 v12, v30;
	v52 =	vadd.f32 v52, v55;
	v5 =	vadd.f32 v5, v9;
	v9 =	vld [tilespmem:$0x1FEC0]  }
0xda: {  	v1 =	vmul.f32 v1, v27;
	v10 =	vadd.f32 v10, v14;
	v7 =	vadd.f32 v11, v7;
	v11 =	vld [tilespmem:$0x1FED0]  }
0xdb: {  	v8 =	vmul.f32 v8, v41;
	v12 =	vadd.f32 v12, v52;
	v33 =	vmul.f32 v35, v17;
	v35 =	vld [tilespmem:s20+$0x1950]  }
0xdc: {  	v6 =	vadd.f32 v6, v10;
	v10 =	vld [tilespmem:$0x1FEE0]  }
0xdd: {  	v1 =	vadd.f32 v1, v5;
	v5 =	vld [tilespmem:$0x1FF10];
	v8 =	vadd.f32 v8, v12  }
0xde: {  	v12 =	vld [tilespmem:s20+$0x1970]  }
0xdf: {  	v13 =	vmul.f32 v61, v28;
	v8 =	vadd.f32 v33, v8;
	v11 =	vmul.f32 v62, v11  }
0xe0: {  	v2 =	vmul.f32 v2, v22;
	v9 =	vmul.f32 v63, v9  }
0xe1: {  	v8 =	vadd.f32 v13, v8;
	v10 =	vmul.f32 v35, v10;
	v7 =	vadd.f32 v11, v7  }
0xe2: {  	v2 =	vadd.f32 v2, v6  }
0xe3: {  	v5 =	vmul.f32 v12, v5;
	v6 =	vadd.f32 v9, v8;
	v7 =	vadd.f32 v10, v7  }
0xe4: {  	v0 =	vadd.f32 v0, v3;
	v1 =	vadd.f32 v2, v1  }
0xe5: {  	v3 =	vadd.f32 v5, v4;
	v2 =	vadd.f32 v7, v6  }
0xe6: {  	s28 =	sshll.u32 s19, $0xA  }
0xe7: {  	s29 =	simm.s32 $0x0;
	s20 =	sand.u32 $0x3FFFFC00, s28;
	v0 =	vadd.f32 v3, v0;
	v1 =	vadd.f32 v2, v1  }
0xe8: {  	s23 =	sand.u32 $0x80, s21;
	s22 =	smul.u32 $0x6000, s29;
	s20 =	sadd.s32 $0xC500, s20  }
0xe9: {  	s24 =	sand.u32 $0x70, s21;
	v30 =	vld [tilespmem:$0x1FE60];
	s25 =	sadd.s32 s23, s20;
	s23 =	simm.s32 $0x80;
	v0 =	vadd.f32 v0, v1  }
0xea: {  	s22 =	sshra.s32 s22, $0x2;
	v28 =	vld [tilespmem:$0x1FFC0];
	s26 =	sand.u32 $0x380, s23;
	s24 =	sadd.s32 s24, s25  }
0xeb: {  	v17 =	vld [tilespmem:$0x1FE30];
	s22 =	sor.u32 s26, s22;
	[tilespmem:s24+$0x0] =	vst v0  }
0xec: {  	v3 =	vld [tilespmem:s22+$0x1960]  }
0xed: {  	v5 =	vld [tilespmem:s22+$0x1920]  }
0xee: {  	v6 =	vld [tilespmem:s22+$0x1930]  }
0xef: {  	v7 =	vld [tilespmem:s22+$0x1900]  }
0xf0: {  	v8 =	vld [tilespmem:s22+$0x1910]  }
0xf1: {  	v37 =	vld [tilespmem:s22+$0x1540]  }
0xf2: {  	v39 =	vld [tilespmem:s22+$0x1550]  }
0xf3: {  	v12 =	vld [tilespmem:s22+$0x1520]  }
0xf4: {  	v26 =	vld [tilespmem:s22+$0x1530]  }
0xf5: {  	v2 =	vld [tilespmem:s22+$0x1160]  }
0xf6: {  	v0 =	vld [tilespmem:s22+$0x1170]  }
0xf7: {  	v60 =	vld [tilespmem:s22+$0x1140]  }
0xf8: {  	v61 =	vld [tilespmem:s22+$0x1150]  }
0xf9: {  	v58 =	vld [tilespmem:s22+$0x1100]  }
0xfa: {  	v59 =	vld [tilespmem:s22+$0x1110]  }
0xfb: {  	v4 =	vld [tilespmem:s22+$0xD60]  }
0xfc: {  	v1 =	vld [tilespmem:s22+$0xD70]  }
0xfd: {  	v11 =	vld [tilespmem:s22+$0x540]  }
0xfe: {  	v13 =	vld [tilespmem:s22+$0x920]  }
0xff: {  	v14 =	vld [tilespmem:s22+$0x550]  }
0x100: {  	v9 =	vld [tilespmem:s22+$0x930]  }
0x101: {  	v62 =	vld [tilespmem:s22+$0xD20]  }
0x102: {  	v41 =	vld [tilespmem:s22+$0xD10];
	v51 =	vmul.f32 v3, v28;
	v52 =	vmul.f32 v5, v27  }
0x103: {  	v10 =	vld [tilespmem:s22+$0xD00];
	v57 =	vmul.f32 v7, v45;
	v56 =	vmul.f32 v8, v40  }
0x104: {  	v63 =	vld [tilespmem:s22+$0xD30];
	v7 =	vmul.f32 v11, v30;
	v8 =	vmul.f32 v13, v17  }
0x105: {  	v3 =	vld [tilespmem:s22+$0x940];
	v14 =	vmul.f32 v14, v24;
	v9 =	vmul.f32 v9, v15  }
0x106: {  	v53 =	vmul.f32 v6, v22;
	v54 =	vmul.f32 v37, v34;
	v6 =	vld [tilespmem:s22+$0x950];
	v11 =	vadd.f32 v8, v7  }
0x107: {  	v8 =	vmul.f32 v12, v46;
	v12 =	vadd.f32 v9, v14;
	v14 =	vmul.f32 v41, v36;
	v41 =	vld [tilespmem:$0x1FE70]  }
0x108: {  	v55 =	vmul.f32 v39, v16;
	v5 =	vld [tilespmem:s22+$0x500];
	v13 =	vmul.f32 v10, v18  }
0x109: {  	v10 =	vmul.f32 v26, v49;
	v39 =	vmovc v40;
	v40 =	vmovc v45;
	v45 =	vmov v34;
	v34 =	vmov v49;
	v49 =	vld [tilespmem:$0x1FEA0]  }
0x10a: {  	v33 =	vmov v16;
	v35 =	vmov v18;
	v7 =	vld [tilespmem:s22+$0x560]  }
0x10b: {  	s24 =	simm.s32 $0x2;
	v37 =	vmovc v29;
	v26 =	vmovc v23;
	v23 =	vmov v30;
	v29 =	vmov v17;
	v30 =	vmov v15;
	v9 =	vld [tilespmem:s22+$0x510]  }
.LBB2_3:
0x10c: {  	v11 =	vadd.f32 v13, v11;
	v4 =	vmul.f32 v4, v41  }
0x10d: {  	v12 =	vadd.f32 v14, v12;
	v1 =	vmul.f32 v1, v42  }
0x10e: {  	v4 =	vadd.f32 v4, v11;
	v11 =	vmul.f32 v60, v47  }
0x10f: {  	v15 =	vld [tilespmem:s22+$0x570];
	v60 =	vmul.f32 v61, v48;
	v1 =	vadd.f32 v1, v12  }
0x110: {  	v13 =	vld [tilespmem:s22+$0x520];
	v4 =	vadd.f32 v11, v4  }
0x111: {  	v14 =	vld [tilespmem:s22+$0x900];
	v1 =	vadd.f32 v60, v1  }
0x112: {  	v4 =	vadd.f32 v8, v4;
	v8 =	vld [tilespmem:$0x1FFB0]  }
0x113: {  	v1 =	vadd.f32 v10, v1;
	v10 =	vld [tilespmem:$0x1FFA0]  }
0x114: {  	v16 =	vld [tilespmem:$0x1FF90]  }
0x115: {  	v5 =	vmul.f32 v5, v26;
	v7 =	vmul.f32 v7, v25;
	v61 =	vld [tilespmem:s22+$0x530]  }
0x116: {  	v12 =	vmul.f32 v58, v43;
	v58 =	vmul.f32 v59, v44;
	v59 =	vld [tilespmem:s22+$0x910]  }
0x117: {  	v11 =	vld [tilespmem:s22+$0x960];
	v8 =	vmul.f32 v9, v8;
	v9 =	vmul.f32 v15, v19  }
0x118: {  	v60 =	vld [tilespmem:s22+$0x970];
	v10 =	vmul.f32 v13, v10;
	v13 =	vmul.f32 v14, v21  }
0x119: {  	v5 =	vadd.f32 v7, v5;
	v7 =	vadd.f32 v9, v8;
	v8 =	vld [tilespmem:$0x1FF60]  }
0x11a: {  	v10 =	vadd.f32 v13, v10;
	v13 =	vld [tilespmem:$0x1FF40];
	_ =	sdelay $0x2  }
0x11b: {  	v59 =	vmul.f32 v59, v20;
	v4 =	vadd.f32 v57, v4;
	v57 =	vmul.f32 v61, v16  }
0x11c: {  	v3 =	vmul.f32 v3, v31;
	v6 =	vmul.f32 v6, v32;
	v15 =	vld [tilespmem:s22+$0xD40]  }
0x11d: {  	v14 =	vld [tilespmem:s22+$0xD50];
	v8 =	vmul.f32 v11, v8;
	v11 =	vadd.f32 v59, v57;
	v13 =	vmul.f32 v60, v13  }
0x11e: {  	v3 =	vadd.f32 v3, v5;
	v5 =	vadd.f32 v6, v7;
	v6 =	vld [tilespmem:$0x1FF80]  }
0x11f: {  	v8 =	vadd.f32 v8, v10;
	v10 =	vadd.f32 v13, v11;
	v11 =	vld [tilespmem:$0x1FF70];
	_ =	sdelay $0x4  }
0x120: {  	v6 =	vmul.f32 v15, v6;
	v11 =	vmul.f32 v14, v11  }
0x121: {  	v9 =	vld [tilespmem:s22+$0x1130]  }
0x122: {  	v6 =	vadd.f32 v6, v8;
	v8 =	vadd.f32 v11, v10;
	v10 =	vld [tilespmem:$0x1FF20];
	_ =	sdelay $0x1  }
0x123: {  	v61 =	vld [tilespmem:s22+$0x1120]  }
0x124: {  	v7 =	vld [tilespmem:s22+$0x1510]  }
0x125: {  	v60 =	vld [tilespmem:s22+$0x1500]  }
0x126: {  	v62 =	vmul.f32 v62, v37;
	v14 =	vld [tilespmem:$0x1FF50];
	v9 =	vmul.f32 v9, v10  }
0x127: {  	v11 =	vld [tilespmem:$0x1FF30]  }
0x128: {  	v63 =	vmul.f32 v63, v38;
	v3 =	vadd.f32 v62, v3;
	v8 =	vadd.f32 v9, v8;
	v9 =	vld [tilespmem:$0x1FEF0];
	_ =	sdelay $0x1  }
0x129: {  	v2 =	vmul.f32 v2, v49;
	v3 =	vadd.f32 v12, v3;
	v5 =	vadd.f32 v63, v5  }
0x12a: {  	v14 =	vmul.f32 v61, v14  }
0x12b: {  	v0 =	vmul.f32 v0, v50;
	v2 =	vadd.f32 v2, v3;
	v3 =	vld [tilespmem:$0x1FF00];
	v5 =	vadd.f32 v58, v5  }
0x12c: {  	v13 =	vld [tilespmem:s22+$0x1560];
	v11 =	vmul.f32 v60, v11;
	v6 =	vadd.f32 v14, v6;
	v7 =	vmul.f32 v7, v9  }
0x12d: {  	v15 =	vld [tilespmem:s22+$0x1570];
	v0 =	vadd.f32 v0, v5  }
0x12e: {  	v5 =	vadd.f32 v11, v6;
	v6 =	vadd.f32 v7, v8;
	v7 =	vld [tilespmem:$0x1FED0];
	_ =	sdelay $0x3  }
0x12f: {  	v12 =	vld [tilespmem:s22+$0x1950]  }
0x130: {  	v3 =	vmul.f32 v13, v3;
	v10 =	vld [tilespmem:s22+$0x1940];
	v7 =	vmul.f32 v15, v7  }
0x131: {  	v8 =	vld [tilespmem:$0x1FEC0]  }
0x132: {  	v3 =	vadd.f32 v3, v5;
	v5 =	vadd.f32 v7, v6;
	v6 =	vld [tilespmem:$0x1FEE0]  }
0x133: {  	v9 =	vld [tilespmem:s22+$0x1970]  }
0x134: {  	v7 =	vld [tilespmem:$0x1FF10];
	_ =	sdelay $0x1  }
0x135: {  	v2 =	vadd.f32 v54, v2;
	v0 =	vadd.f32 v55, v0  }
0x136: {  	v1 =	vadd.f32 v56, v1;
	v8 =	vmul.f32 v10, v8;
	v6 =	vmul.f32 v12, v6  }
0x137: {  	v2 =	vadd.f32 v52, v2;
	v0 =	vadd.f32 v53, v0  }
0x138: {  	v3 =	vadd.f32 v8, v3;
	v7 =	vmul.f32 v9, v7;
	v5 =	vadd.f32 v6, v5  }
0x139: {  	v4 =	vadd.f32 v51, v4;
	v0 =	vadd.f32 v0, v2  }
0x13a: {  	v1 =	vadd.f32 v7, v1;
	v2 =	vadd.f32 v5, v3;
	_ =	sdelay $0x1  }
0x13b: {  	s29 =	sshrl.u32 s24, $0x3;
	s21 =	sadd.s32 $0x10, s21;
	v1 =	vadd.f32 v1, v4;
	v0 =	vadd.f32 v2, v0  }
0x13c: {  	s25 =	sand.u32 $0x80, s21;
	s22 =	smul.u32 $0x6000, s29  }
0x13d: {  	s23 =	sadd.s32 $0x80, s23;
	s26 =	sand.u32 $0x70, s21;
	s25 =	sadd.s32 s25, s20;
	v0 =	vadd.f32 v1, v0  }
0x13e: {  	s28 =	sand.u32 $0x380, s23;
	s25 =	sadd.s32 s26, s25;
	s22 =	sshra.s32 s22, $0x2  }
0x13f: {  	s22 =	sor.u32 s28, s22;
	[tilespmem:s25+$0x0] =	vst v0  }
0x140: {  	v3 =	vld [tilespmem:s22+$0x1960]  }
0x141: {  	v5 =	vld [tilespmem:s22+$0x1920]  }
0x142: {  	v6 =	vld [tilespmem:s22+$0x1930]  }
0x143: {  	v7 =	vld [tilespmem:s22+$0x1900]  }
0x144: {  	v8 =	vld [tilespmem:s22+$0x1910]  }
0x145: {  	v9 =	vld [tilespmem:s22+$0x1540]  }
0x146: {  	v10 =	vld [tilespmem:s22+$0x1550]  }
0x147: {  	v12 =	vld [tilespmem:s22+$0x1520]  }
0x148: {  	v15 =	vld [tilespmem:s22+$0x1530]  }
0x149: {  	v2 =	vld [tilespmem:s22+$0x1160]  }
0x14a: {  	v0 =	vld [tilespmem:s22+$0x1170]  }
0x14b: {  	v60 =	vld [tilespmem:s22+$0x1140]  }
0x14c: {  	v61 =	vld [tilespmem:s22+$0x1150]  }
0x14d: {  	v58 =	vld [tilespmem:s22+$0x1100]  }
0x14e: {  	v59 =	vld [tilespmem:s22+$0x1110]  }
0x14f: {  	v4 =	vld [tilespmem:s22+$0xD60]  }
0x150: {  	v1 =	vld [tilespmem:s22+$0xD70]  }
0x151: {  	v62 =	vld [tilespmem:s22+$0xD20]  }
0x152: {  	v63 =	vld [tilespmem:s22+$0xD30]  }
0x153: {  	v11 =	vld [tilespmem:s22+$0x540]  }
0x154: {  	v13 =	vld [tilespmem:s22+$0x920]  }
0x155: {  	v14 =	vld [tilespmem:s22+$0x550]  }
0x156: {  	v16 =	vld [tilespmem:s22+$0x930];
	v51 =	vmul.f32 v3, v28  }
0x157: {  	v17 =	vld [tilespmem:s22+$0xD00];
	v52 =	vmul.f32 v5, v27;
	v53 =	vmul.f32 v6, v22  }
0x158: {  	p0 =	sne.s32 s24, $0xF;
	v18 =	vld [tilespmem:s22+$0xD10];
	v57 =	vmul.f32 v7, v40;
	v56 =	vmul.f32 v8, v39  }
.Ltmp2:
0x159: {  	v3 =	vld [tilespmem:s22+$0x940];
	v54 =	vmul.f32 v9, v45;
	v55 =	vmul.f32 v10, v33;
	(pc) =	sbr.rel @p0 .LBB2_3-.Ltmp2, $4  }
0x15a: {  	v8 =	vmul.f32 v11, v23;
	v9 =	vmul.f32 v13, v29;
	v6 =	vld [tilespmem:s22+$0x950]  }
0x15b: {  	v5 =	vld [tilespmem:s22+$0x500];
	v10 =	vmul.f32 v14, v24;
	v14 =	vmul.f32 v16, v30  }
0x15c: {  	v7 =	vld [tilespmem:s22+$0x560];
	v13 =	vmul.f32 v17, v35;
	v11 =	vadd.f32 v9, v8;
	v8 =	vmul.f32 v12, v46  }
0x15d: {  	s24 =	sadd.s32 $0x1, s24;
	v9 =	vld [tilespmem:s22+$0x510];
	v12 =	vadd.f32 v14, v10;
	v14 =	vmul.f32 v18, v36;
	v10 =	vmul.f32 v15, v34  }
0x15e: {  	v11 =	vadd.f32 v13, v11;
	v13 =	vld [tilespmem:s22+$0x570]  }
0x15f: {  	v4 =	vmul.f32 v4, v41;
	v15 =	vmul.f32 v60, v47;
	v60 =	vld [tilespmem:$0x1FFB0]  }
0x160: {  	v1 =	vmul.f32 v1, v42;
	v12 =	vadd.f32 v14, v12;
	v14 =	vld [tilespmem:s22+$0x520]  }
0x161: {  	v4 =	vadd.f32 v4, v11;
	v11 =	vld [tilespmem:s22+$0x900]  }
0x162: {  	v1 =	vadd.f32 v1, v12;
	v12 =	vld [tilespmem:s22+$0x530]  }
0x163: {  	v16 =	vmul.f32 v61, v48;
	v4 =	vadd.f32 v15, v4;
	v15 =	vld [tilespmem:s22+$0x910]  }
0x164: {  	v9 =	vmul.f32 v9, v60;
	v60 =	vld [tilespmem:$0x1FFA0]  }
0x165: {  	v5 =	vmul.f32 v5, v26;
	v1 =	vadd.f32 v16, v1;
	v16 =	vld [tilespmem:s22+$0x960]  }
0x166: {  	v7 =	vmul.f32 v7, v25;
	v13 =	vmul.f32 v13, v19;
	v4 =	vadd.f32 v8, v4;
	v8 =	vld [tilespmem:s22+$0x970]  }
0x167: {  	v3 =	vmul.f32 v3, v31;
	v1 =	vadd.f32 v10, v1;
	v10 =	vld [tilespmem:s22+$0xD40]  }
0x168: {  	v6 =	vmul.f32 v6, v32;
	v5 =	vadd.f32 v7, v5;
	v7 =	vadd.f32 v13, v9;
	v9 =	vld [tilespmem:$0x1FF60]  }
0x169: {  	v11 =	vmul.f32 v11, v21;
	v14 =	vmul.f32 v14, v60;
	v60 =	vld [tilespmem:$0x1FF90]  }
0x16a: {  	v3 =	vadd.f32 v3, v5;
	v5 =	vadd.f32 v6, v7;
	v6 =	vld [tilespmem:$0x1FF80]  }
0x16b: {  	v17 =	vmul.f32 v58, v43;
	v11 =	vadd.f32 v11, v14;
	v14 =	vld [tilespmem:$0x1FF40]  }
0x16c: {  	v18 =	vmul.f32 v59, v44;
	v59 =	vmul.f32 v63, v38;
	v63 =	vld [tilespmem:s22+$0x1120]  }
0x16d: {  	v58 =	vmul.f32 v62, v37;
	v61 =	vld [tilespmem:$0x1FED0];
	v9 =	vmul.f32 v16, v9  }
0x16e: {  	v13 =	vld [tilespmem:s22+$0x1130];
	v15 =	vmul.f32 v15, v20;
	v12 =	vmul.f32 v12, v60  }
0x16f: {  	v4 =	vadd.f32 v57, v4;
	v57 =	vld [tilespmem:s22+$0xD50];
	v6 =	vmul.f32 v10, v6;
	v9 =	vadd.f32 v9, v11  }
0x170: {  	v3 =	vadd.f32 v58, v3;
	v10 =	vld [tilespmem:$0x1FF70];
	v12 =	vadd.f32 v15, v12;
	v8 =	vmul.f32 v8, v14  }
0x171: {  	v6 =	vadd.f32 v6, v9;
	v9 =	vld [tilespmem:$0x1FF20]  }
0x172: {  	v2 =	vmul.f32 v2, v49;
	v3 =	vadd.f32 v17, v3;
	v8 =	vadd.f32 v8, v12;
	v12 =	vld [tilespmem:$0x1FF50]  }
0x173: {  	v7 =	vld [tilespmem:s22+$0x1510]  }
0x174: {  	v2 =	vadd.f32 v2, v3;
	v3 =	vld [tilespmem:$0x1FF00]  }
0x175: {  	v14 =	vld [tilespmem:s22+$0x1500]  }
0x176: {  	v9 =	vmul.f32 v13, v9;
	v13 =	vld [tilespmem:$0x1FF30]  }
0x177: {  	v10 =	vmul.f32 v57, v10;
	v12 =	vmul.f32 v63, v12;
	v63 =	vld [tilespmem:$0x1FEF0]  }
0x178: {  	v11 =	vld [tilespmem:s22+$0x1560]  }
0x179: {  	v5 =	vadd.f32 v59, v5;
	v15 =	vld [tilespmem:s22+$0x1570];
	v8 =	vadd.f32 v10, v8;
	_ =	sdelay $0x1  }
0x17a: {  	v0 =	vmul.f32 v0, v50;
	v62 =	vld [tilespmem:$0x1FEE0];
	v5 =	vadd.f32 v18, v5;
	v8 =	vadd.f32 v9, v8  }
0x17b: {  	v10 =	vld [tilespmem:s22+$0x1940];
	v13 =	vmul.f32 v14, v13;
	v6 =	vadd.f32 v12, v6;
	v7 =	vmul.f32 v7, v63  }
0x17c: {  	v0 =	vadd.f32 v0, v5;
	v3 =	vmul.f32 v11, v3;
	v14 =	vld [tilespmem:s22+$0x1950]  }
0x17d: {  	v5 =	vadd.f32 v13, v6;
	v6 =	vadd.f32 v7, v8;
	v7 =	vmul.f32 v15, v61;
	v8 =	vld [tilespmem:$0x1FEC0]  }
0x17e: {  	v9 =	vld [tilespmem:s22+$0x1970]  }
0x17f: {  	v3 =	vadd.f32 v3, v5;
	v5 =	vadd.f32 v7, v6;
	v7 =	vld [tilespmem:$0x1FF10];
	_ =	sdelay $0x1  }
0x180: {  	v2 =	vadd.f32 v54, v2;
	v0 =	vadd.f32 v55, v0  }
0x181: {  	v1 =	vadd.f32 v56, v1;
	v6 =	vmul.f32 v14, v62;
	v8 =	vmul.f32 v10, v8  }
0x182: {  	v2 =	vadd.f32 v52, v2;
	v0 =	vadd.f32 v53, v0  }
0x183: {  	v5 =	vadd.f32 v6, v5;
	v7 =	vmul.f32 v9, v7;
	v3 =	vadd.f32 v8, v3  }
0x184: {  	v4 =	vadd.f32 v51, v4;
	v0 =	vadd.f32 v0, v2  }
0x185: {  	v1 =	vadd.f32 v7, v1;
	v2 =	vadd.f32 v5, v3;
	_ =	sdelay $0x1  }
0x186: {  	s21 =	sadd.s32 $0x10, s21;
	v0 =	vadd.f32 v2, v0;
	v1 =	vadd.f32 v1, v4  }
0x187: {  	s24 =	sand.u32 $0x80, s21  }
0x188: {  	p0 =	seq.s32 s19, $0x7;
	s21 =	sand.u32 $0x70, s21;
	s22 =	sadd.s32 s24, s20;
	v0 =	vadd.f32 v1, v0  }
0x189: {  	s21 =	sadd.s32 s21, s22;
	s22 =	sshll.u32 @!p0 s19, $0x6  }
0x18a: {  	[tilespmem:s21+$0x0] =	vst v0;
	s21 =	sand.u32 @!p0 $0x3FFFFFC0, s22  }
0x18b: {  	v0 =	vld @!p0 [tilespmem:s21+$0x40];
	_ =	sdelay $0x4  }
0x18c: {  	v1 =	vshrl.u32 @!p0 v0, $0x3  }
0x18d: {  	v1 =	vmul.u32 @!p0 $0x30, v1  }
0x18e: {  	v2 =	vlaneseq.u32 @!p0;
	v0 =	vand.u32 @!p0 $0x7, v0  }
0x18f: {  	v3 =	vshrl.u32 @!p0 v2, $0x3;
	v0 =	vor.u32 @!p0 v0, v1;
	v1 =	vand.u32 @!p0 $0x7, v2  }
0x190: {  	v3 =	vmul.u32 @!p0 $0x8, v3;
	v1 =	vperm.xlane @!p0 v0, v1;
	_ =	sdelay $0x1  }
0x191: {  	v1 =	vadd.s32 @!p0 v3, v1;
	_ =	sdelay $0x2  }
0x192: {  	v2 =	vor.u32 @!p0 $0x8, v2  }
0x193: {  	vm1 =	vmmov @!p0 $0xffff;
	s23 =	simm.s32 @!p0 $0x500;
	s22 =	simm.s32 @!p0 $0x0;
	v0 =	vperm.xlane @!p0 v0, v2  }
0x194: {  	[tilespmem:s23], [sflag:$0x1] =	stream.indirect_vreg.gather @!p0 [hbm4b:s2+s22], $0x80, v1, vm1, $0xb8;
	[tilespmem:$0xE500] =	vst v63  }
0x195: {  	v0 =	vadd.s32 @!p0 v3, v0;
	s23 =	simm.s32 @!p0 $0xD00  }
0x196: {  	[tilespmem:s23], [sflag:$0x1] =	stream.indirect_vreg.gather @!p0 [hbm4b:s6+s22], $0x80, v1, vm1, $0xb8;
	[tilespmem:$0xE500] =	vst v63  }
0x197: {  	s23 =	simm.s32 @!p0 $0x1500  }
0x198: {  	[tilespmem:s23], [sflag:$0x1] =	stream.indirect_vreg.gather @!p0 [hbm4b:s7+s22], $0x80, v1, vm1, $0xb8;
	[tilespmem:$0xE500] =	vst v63  }
0x199: {  	s23 =	simm.s32 @!p0 $0x1D00  }
0x19a: {  	[tilespmem:s23], [sflag:$0x1] =	stream.indirect_vreg.gather @!p0 [hbm4b:s2+s22], $0x80, v0, vm1, $0xb8;
	[tilespmem:$0xE500] =	vst v63  }
0x19b: {  	s25 =	simm.s32 $0x0;
	s23 =	simm.s32 @!p0 $0x2500  }
0x19c: {  	[tilespmem:s23], [sflag:$0x1] =	stream.indirect_vreg.gather @!p0 [hbm4b:s6+s22], $0x80, v0, vm1, $0xb8;
	[tilespmem:$0xE500] =	vst v63  }
0x19d: {  	s26 =	smul.u32 $0x6000, s25;
	s23 =	simm.s32 @!p0 $0x2D00  }
0x19e: {  	[tilespmem:s23], [sflag:$0x1] =	stream.indirect_vreg.gather @!p0 [hbm4b:s7+s22], $0x80, v0, vm1, $0xb8;
	[tilespmem:$0xE500] =	vst v63  }
0x19f: {  	s22 =	simm.s32 $0x0;
	_ =	swait.ge [sflag:s14], $0x3000  }
0x1a0: {  	s23 =	sshra.s32 s26, $0x2;
	s24 =	sand.u32 $0x380, s22;
	[sflag:s14] =	ssyncset.done $0x0  }
0x1a1: {  	s23 =	sor.u32 s24, s23;
	[sflag:s14] =	ssyncadd.s32 $0xFFFFD000  }
0x1a2: {  	v60 =	vld [tilespmem:s23+$0x3920]  }
0x1a3: {  	v0 =	vld [tilespmem:s23+$0x4960]  }
0x1a4: {  	v1 =	vld [tilespmem:s23+$0x4920]  }
0x1a5: {  	v2 =	vld [tilespmem:s23+$0x4930]  }
0x1a6: {  	v3 =	vld [tilespmem:s23+$0x4900]  }
0x1a7: {  	v52 =	vmul.f32 v60, v29;
	v60 =	vld [tilespmem:s23+$0x3950]  }
0x1a8: {  	v53 =	vld [tilespmem:s23+$0x3550]  }
0x1a9: {  	v54 =	vld [tilespmem:s23+$0x3930]  }
0x1aa: {  	v51 =	vld [tilespmem:s23+$0x3540]  }
0x1ab: {  	v59 =	vld [tilespmem:s23+$0x3500]  }
0x1ac: {  	v58 =	vmul.f32 v60, v32;
	v60 =	vld [tilespmem:$0x1FDA0]  }
0x1ad: {  	v4 =	vld [tilespmem:s23+$0x4910]  }
0x1ae: {  	v55 =	vld [tilespmem:s23+$0x3D00];
	v53 =	vmul.f32 v53, v24;
	v54 =	vmul.f32 v54, v30  }
0x1af: {  	v5 =	vld [tilespmem:s23+$0x4540]  }
0x1b0: {  	v53 =	vadd.f32 v54, v53;
	v54 =	vld [tilespmem:s23+$0x3510]  }
0x1b1: {  	v51 =	vmul.f32 v51, v23;
	v59 =	vmul.f32 v59, v60;
	v60 =	vld [tilespmem:$0x1FFB0]  }
0x1b2: {  	v6 =	vld [tilespmem:s23+$0x4550]  }
0x1b3: {  	v56 =	vld [tilespmem:s23+$0x3D10];
	v55 =	vmul.f32 v55, v35;
	v51 =	vadd.f32 v52, v51  }
0x1b4: {  	v7 =	vld [tilespmem:s23+$0x4520]  }
0x1b5: {  	v51 =	vadd.f32 v55, v51;
	v55 =	vld [tilespmem:s23+$0x3570]  }
0x1b6: {  	v54 =	vmul.f32 v54, v60;
	v60 =	vld [tilespmem:$0x1FDC0]  }
0x1b7: {  	v8 =	vld [tilespmem:s23+$0x4530]  }
0x1b8: {  	v15 =	vld [tilespmem:s23+$0x3D60];
	v56 =	vmul.f32 v56, v36  }
0x1b9: {  	v9 =	vld [tilespmem:s23+$0x4160]  }
0x1ba: {  	v53 =	vadd.f32 v56, v53;
	v56 =	vld [tilespmem:s23+$0x3520]  }
0x1bb: {  	v55 =	vmul.f32 v55, v60;
	v60 =	vld [tilespmem:$0x1FFA0]  }
0x1bc: {  	v10 =	vld [tilespmem:s23+$0x4170]  }
0x1bd: {  	v16 =	vld [tilespmem:s23+$0x3D70];
	v15 =	vmul.f32 v15, v41  }
0x1be: {  	v11 =	vld [tilespmem:s23+$0x4140]  }
0x1bf: {  	v15 =	vadd.f32 v15, v51;
	v51 =	vld [tilespmem:s23+$0x3900]  }
0x1c0: {  	v56 =	vmul.f32 v56, v60;
	v60 =	vld [tilespmem:$0x1FDD0]  }
0x1c1: {  	v12 =	vld [tilespmem:s23+$0x4150]  }
0x1c2: {  	v13 =	vld [tilespmem:s23+$0x4100];
	v16 =	vmul.f32 v16, v42  }
0x1c3: {  	v52 =	vld [tilespmem:s23+$0x3560]  }
0x1c4: {  	v16 =	vadd.f32 v16, v53;
	v53 =	vld [tilespmem:s23+$0x3530]  }
0x1c5: {  	v51 =	vmul.f32 v51, v60;
	v60 =	vld [tilespmem:$0x1FF90]  }
0x1c6: {  	v14 =	vld [tilespmem:s23+$0x4110]  }
0x1c7: {  	v17 =	vld [tilespmem:s23+$0x3D20];
	v11 =	vmul.f32 v11, v47  }
0x1c8: {  	v57 =	vld [tilespmem:s23+$0x3940]  }
0x1c9: {  	v7 =	vmul.f32 v7, v46;
	v11 =	vadd.f32 v11, v15;
	v15 =	vld [tilespmem:s23+$0x3910]  }
0x1ca: {  	v52 =	vmul.f32 v52, v25;
	v53 =	vmul.f32 v53, v60;
	v60 =	vld [tilespmem:$0x1FDE0]  }
0x1cb: {  	v12 =	vmul.f32 v12, v48;
	v7 =	vadd.f32 v7, v11;
	v11 =	vld [tilespmem:s23+$0x3970]  }
0x1cc: {  	v52 =	vadd.f32 v52, v59;
	v59 =	vld [tilespmem:$0x1FF40]  }
0x1cd: {  	v18 =	vld [tilespmem:s23+$0x3D30];
	v8 =	vmul.f32 v8, v34;
	v12 =	vadd.f32 v12, v16  }
0x1ce: {  	v3 =	vmul.f32 v3, v40;
	v57 =	vmul.f32 v57, v31;
	v16 =	vld [tilespmem:s23+$0x3960]  }
0x1cf: {  	v4 =	vmul.f32 v4, v39;
	v8 =	vadd.f32 v8, v12;
	v12 =	vld [tilespmem:s23+$0x3D40];
	v15 =	vmul.f32 v15, v60  }
0x1d0: {  	v17 =	vmul.f32 v17, v37;
	v3 =	vadd.f32 v3, v7;
	v7 =	vld [tilespmem:s23+$0x3D50];
	v52 =	vadd.f32 v57, v52  }
0x1d1: {  	v4 =	vadd.f32 v4, v8;
	v8 =	vld [tilespmem:s23+$0x4120];
	v11 =	vmul.f32 v11, v59;
	v15 =	vadd.f32 v15, v53  }
0x1d2: {  	v13 =	vmul.f32 v13, v43;
	v17 =	vadd.f32 v17, v52;
	v60 =	vld [tilespmem:$0x1FF60]  }
0x1d3: {  	v11 =	vadd.f32 v11, v15;
	v15 =	vld [tilespmem:$0x1FF70]  }
0x1d4: {  	v9 =	vmul.f32 v9, v49;
	v59 =	vld [tilespmem:$0x1FF50];
	v13 =	vadd.f32 v13, v17  }
0x1d5: {  	v17 =	vld [tilespmem:$0x1FF30]  }
0x1d6: {  	v9 =	vadd.f32 v9, v13;
	v13 =	vld [tilespmem:$0x1FF00]  }
0x1d7: {  	v5 =	vmul.f32 v5, v45;
	v54 =	vadd.f32 v55, v54;
	v55 =	vld [tilespmem:s23+$0x4130]  }
0x1d8: {  	v16 =	vmul.f32 v16, v60;
	v60 =	vld [tilespmem:$0x1FF80];
	v7 =	vmul.f32 v7, v15  }
0x1d9: {  	v5 =	vadd.f32 v5, v9;
	v9 =	vld [tilespmem:$0x1FEC0]  }
0x1da: {  	v7 =	vadd.f32 v7, v11;
	v11 =	vld [tilespmem:$0x1FF20]  }
0x1db: {  	v18 =	vmul.f32 v18, v38;
	v54 =	vadd.f32 v58, v54;
	v51 =	vadd.f32 v51, v56;
	v53 =	vld [tilespmem:s23+$0x4500]  }
0x1dc: {  	v14 =	vmul.f32 v14, v44;
	v56 =	vld [tilespmem:s23+$0x4510]  }
0x1dd: {  	v18 =	vadd.f32 v18, v54;
	v16 =	vadd.f32 v16, v51;
	v15 =	vld [tilespmem:s23+$0x4560];
	v12 =	vmul.f32 v12, v60  }
0x1de: {  	v1 =	vmul.f32 v1, v27;
	v8 =	vmul.f32 v8, v59;
	v60 =	vld [tilespmem:s23+$0x4570]  }
0x1df: {  	v14 =	vadd.f32 v14, v18;
	v18 =	vld [tilespmem:s23+$0x4950];
	v12 =	vadd.f32 v12, v16;
	v11 =	vmul.f32 v55, v11  }
0x1e0: {  	v10 =	vmul.f32 v10, v50;
	v1 =	vadd.f32 v1, v5;
	v17 =	vmul.f32 v53, v17;
	v16 =	vld [tilespmem:s23+$0x4940]  }
0x1e1: {  	v5 =	vld [tilespmem:$0x1FF10];
	v8 =	vadd.f32 v8, v12;
	v7 =	vadd.f32 v11, v7;
	v11 =	vmul.f32 v56, v63  }
0x1e2: {  	v6 =	vmul.f32 v6, v33;
	v10 =	vadd.f32 v10, v14;
	v12 =	vld [tilespmem:s23+$0x4970];
	v13 =	vmul.f32 v15, v13  }
0x1e3: {  	v8 =	vadd.f32 v17, v8;
	v7 =	vadd.f32 v11, v7;
	v11 =	vmul.f32 v60, v61  }
0x1e4: {  	v2 =	vmul.f32 v2, v22;
	v6 =	vadd.f32 v6, v10;
	v10 =	vmul.f32 v18, v62  }
0x1e5: {  	v9 =	vmul.f32 v16, v9;
	v8 =	vadd.f32 v13, v8;
	v7 =	vadd.f32 v11, v7  }
0x1e6: {  	v0 =	vmul.f32 v0, v28;
	v2 =	vadd.f32 v2, v6  }
0x1e7: {  	v5 =	vmul.f32 v12, v5;
	v6 =	vadd.f32 v9, v8;
	v7 =	vadd.f32 v10, v7  }
0x1e8: {  	v0 =	vadd.f32 v0, v3;
	v1 =	vadd.f32 v2, v1  }
0x1e9: {  	v3 =	vadd.f32 v5, v4;
	v2 =	vadd.f32 v7, v6;
	_ =	sdelay $0x1  }
0x1ea: {  	s28 =	simm.s32 $0x0;
	v0 =	vadd.f32 v3, v0;
	v1 =	vadd.f32 v2, v1  }
0x1eb: {  	s29 =	sand.u32 $0x80, s22;
	s23 =	smul.u32 $0x6000, s28  }
0x1ec: {  	s25 =	sand.u32 $0x70, s22;
	s26 =	sadd.s32 s29, s20;
	s24 =	simm.s32 $0x80;
	v0 =	vadd.f32 v0, v1  }
0x1ed: {  	s25 =	sadd.s32 s25, s26;
	s28 =	sand.u32 $0x380, s24;
	s23 =	sshra.s32 s23, $0x2  }
0x1ee: {  	s23 =	sor.u32 s28, s23;
	[tilespmem:s25+$0x100] =	vst v0  }
0x1ef: {  	v3 =	vld [tilespmem:s23+$0x4960]  }
0x1f0: {  	v5 =	vld [tilespmem:s23+$0x4920]  }
0x1f1: {  	v6 =	vld [tilespmem:s23+$0x4930]  }
0x1f2: {  	v7 =	vld [tilespmem:s23+$0x4900]  }
0x1f3: {  	v8 =	vld [tilespmem:s23+$0x4910]  }
0x1f4: {  	v9 =	vld [tilespmem:s23+$0x4540]  }
0x1f5: {  	v10 =	vld [tilespmem:s23+$0x4550]  }
0x1f6: {  	v12 =	vld [tilespmem:s23+$0x4520]  }
0x1f7: {  	v15 =	vld [tilespmem:s23+$0x4530]  }
0x1f8: {  	v2 =	vld [tilespmem:s23+$0x4160]  }
0x1f9: {  	v0 =	vld [tilespmem:s23+$0x4170]  }
0x1fa: {  	v60 =	vld [tilespmem:s23+$0x4140]  }
0x1fb: {  	v61 =	vld [tilespmem:s23+$0x4150]  }
0x1fc: {  	v58 =	vld [tilespmem:s23+$0x4100]  }
0x1fd: {  	v59 =	vld [tilespmem:s23+$0x4110]  }
0x1fe: {  	v4 =	vld [tilespmem:s23+$0x3D60]  }
0x1ff: {  	v1 =	vld [tilespmem:s23+$0x3D70]  }
0x200: {  	v62 =	vld [tilespmem:s23+$0x3D20]  }
0x201: {  	v11 =	vld [tilespmem:s23+$0x3540]  }
0x202: {  	v13 =	vld [tilespmem:s23+$0x3920]  }
0x203: {  	v14 =	vld [tilespmem:s23+$0x3550]  }
0x204: {  	v16 =	vld [tilespmem:s23+$0x3930]  }
0x205: {  	v17 =	vld [tilespmem:s23+$0x3D00];
	v51 =	vmul.f32 v3, v28  }
0x206: {  	v18 =	vld [tilespmem:s23+$0x3D10];
	v52 =	vmul.f32 v5, v27;
	v53 =	vmul.f32 v6, v22  }
0x207: {  	v63 =	vld [tilespmem:s23+$0x3D30];
	v57 =	vmul.f32 v7, v40;
	v56 =	vmul.f32 v8, v39  }
0x208: {  	v3 =	vld [tilespmem:s23+$0x3940];
	v54 =	vmul.f32 v9, v45;
	v55 =	vmul.f32 v10, v33  }
0x209: {  	v7 =	vmul.f32 v11, v23;
	v8 =	vmul.f32 v13, v29;
	v6 =	vld [tilespmem:s23+$0x3950]  }
0x20a: {  	v5 =	vld [tilespmem:s23+$0x3500];
	v9 =	vmul.f32 v14, v24;
	v10 =	vmul.f32 v16, v30  }
0x20b: {  	v13 =	vmul.f32 v17, v35;
	v14 =	vmul.f32 v18, v36;
	v11 =	vadd.f32 v8, v7;
	v7 =	vld [tilespmem:s23+$0x3560]  }
0x20c: {  	s25 =	simm.s32 $0x2;
	v8 =	vmul.f32 v12, v46;
	v12 =	vadd.f32 v10, v9;
	v9 =	vld [tilespmem:s23+$0x3510];
	v10 =	vmul.f32 v15, v34  }
.LBB2_5:
0x20d: {  	v11 =	vadd.f32 v13, v11;
	v4 =	vmul.f32 v4, v41  }
0x20e: {  	v12 =	vadd.f32 v14, v12;
	v1 =	vmul.f32 v1, v42  }
0x20f: {  	v4 =	vadd.f32 v4, v11;
	v11 =	vmul.f32 v60, v47  }
0x210: {  	v15 =	vld [tilespmem:s23+$0x3570];
	v16 =	vmul.f32 v61, v48;
	v1 =	vadd.f32 v1, v12  }
0x211: {  	v13 =	vld [tilespmem:s23+$0x3520];
	v4 =	vadd.f32 v11, v4  }
0x212: {  	v14 =	vld [tilespmem:s23+$0x3900];
	v1 =	vadd.f32 v16, v1  }
0x213: {  	v4 =	vadd.f32 v8, v4;
	v8 =	vld [tilespmem:$0x1FFB0]  }
0x214: {  	v1 =	vadd.f32 v10, v1;
	v10 =	vld [tilespmem:$0x1FFA0]  }
0x215: {  	v17 =	vld [tilespmem:s23+$0x3530]  }
0x216: {  	v5 =	vmul.f32 v5, v26;
	v61 =	vld [tilespmem:$0x1FF90]  }
0x217: {  	v7 =	vmul.f32 v7, v25;
	v12 =	vmul.f32 v58, v43;
	v58 =	vld [tilespmem:s23+$0x3910]  }
0x218: {  	v11 =	vld [tilespmem:s23+$0x3960];
	v8 =	vmul.f32 v9, v8;
	v9 =	vmul.f32 v15, v19  }
0x219: {  	v16 =	vld [tilespmem:s23+$0x3970];
	v10 =	vmul.f32 v13, v10;
	v13 =	vmul.f32 v14, v21  }
0x21a: {  	v5 =	vadd.f32 v7, v5;
	v7 =	vadd.f32 v9, v8;
	v8 =	vld [tilespmem:$0x1FF60]  }
0x21b: {  	v10 =	vadd.f32 v13, v10;
	v13 =	vld [tilespmem:$0x1FF40];
	_ =	sdelay $0x1  }
0x21c: {  	v18 =	vmul.f32 v59, v44;
	v59 =	vmul.f32 v62, v37  }
0x21d: {  	v17 =	vmul.f32 v17, v61;
	v62 =	vmul.f32 v58, v20  }
0x21e: {  	v3 =	vmul.f32 v3, v31;
	v6 =	vmul.f32 v6, v32;
	v15 =	vld [tilespmem:s23+$0x3D40]  }
0x21f: {  	v14 =	vld [tilespmem:s23+$0x3D50];
	v8 =	vmul.f32 v11, v8;
	v11 =	vadd.f32 v62, v17;
	v13 =	vmul.f32 v16, v13  }
0x220: {  	v3 =	vadd.f32 v3, v5;
	v5 =	vadd.f32 v6, v7;
	v6 =	vld [tilespmem:$0x1FF80]  }
0x221: {  	v8 =	vadd.f32 v8, v10;
	v10 =	vadd.f32 v13, v11;
	v11 =	vld [tilespmem:$0x1FF70];
	_ =	sdelay $0x4  }
0x222: {  	v6 =	vmul.f32 v15, v6;
	v11 =	vmul.f32 v14, v11  }
0x223: {  	v9 =	vld [tilespmem:s23+$0x4130]  }
0x224: {  	v6 =	vadd.f32 v6, v8;
	v8 =	vadd.f32 v11, v10;
	v10 =	vld [tilespmem:$0x1FF20];
	_ =	sdelay $0x1  }
0x225: {  	v60 =	vmul.f32 v63, v38;
	v63 =	vld [tilespmem:s23+$0x4120]  }
0x226: {  	v7 =	vld [tilespmem:s23+$0x4510]  }
0x227: {  	v16 =	vld [tilespmem:s23+$0x4500]  }
0x228: {  	v14 =	vld [tilespmem:$0x1FF50];
	v9 =	vmul.f32 v9, v10  }
0x229: {  	v11 =	vld [tilespmem:$0x1FF30]  }
0x22a: {  	v3 =	vadd.f32 v59, v3;
	v8 =	vadd.f32 v9, v8;
	v9 =	vld [tilespmem:$0x1FEF0];
	_ =	sdelay $0x1  }
0x22b: {  	v2 =	vmul.f32 v2, v49;
	v3 =	vadd.f32 v12, v3;
	v5 =	vadd.f32 v60, v5  }
0x22c: {  	v14 =	vmul.f32 v63, v14  }
0x22d: {  	v0 =	vmul.f32 v0, v50;
	v2 =	vadd.f32 v2, v3;
	v3 =	vld [tilespmem:$0x1FF00];
	v5 =	vadd.f32 v18, v5  }
0x22e: {  	v13 =	vld [tilespmem:s23+$0x4560];
	v11 =	vmul.f32 v16, v11;
	v6 =	vadd.f32 v14, v6;
	v7 =	vmul.f32 v7, v9  }
0x22f: {  	v15 =	vld [tilespmem:s23+$0x4570];
	v0 =	vadd.f32 v0, v5  }
0x230: {  	v5 =	vadd.f32 v11, v6;
	v6 =	vadd.f32 v7, v8;
	v7 =	vld [tilespmem:$0x1FED0];
	_ =	sdelay $0x3  }
0x231: {  	v12 =	vld [tilespmem:s23+$0x4950]  }
0x232: {  	v3 =	vmul.f32 v13, v3;
	v10 =	vld [tilespmem:s23+$0x4940];
	v7 =	vmul.f32 v15, v7  }
0x233: {  	v8 =	vld [tilespmem:$0x1FEC0]  }
0x234: {  	v3 =	vadd.f32 v3, v5;
	v5 =	vadd.f32 v7, v6;
	v6 =	vld [tilespmem:$0x1FEE0]  }
0x235: {  	v9 =	vld [tilespmem:s23+$0x4970]  }
0x236: {  	v7 =	vld [tilespmem:$0x1FF10]  }
0x237: {  	v4 =	vadd.f32 v57, v4  }
0x238: {  	v2 =	vadd.f32 v54, v2;
	v0 =	vadd.f32 v55, v0  }
0x239: {  	v1 =	vadd.f32 v56, v1;
	v8 =	vmul.f32 v10, v8;
	v6 =	vmul.f32 v12, v6  }
0x23a: {  	v2 =	vadd.f32 v52, v2;
	v0 =	vadd.f32 v53, v0  }
0x23b: {  	v3 =	vadd.f32 v8, v3;
	v7 =	vmul.f32 v9, v7;
	v5 =	vadd.f32 v6, v5  }
0x23c: {  	v4 =	vadd.f32 v51, v4;
	v0 =	vadd.f32 v0, v2  }
0x23d: {  	v1 =	vadd.f32 v7, v1;
	v2 =	vadd.f32 v5, v3;
	_ =	sdelay $0x1  }
0x23e: {  	s29 =	sshrl.u32 s25, $0x3;
	s22 =	sadd.s32 $0x10, s22;
	v1 =	vadd.f32 v1, v4;
	v0 =	vadd.f32 v2, v0  }
0x23f: {  	s26 =	sand.u32 $0x80, s22;
	s23 =	smul.u32 $0x6000, s29  }
0x240: {  	s24 =	sadd.s32 $0x80, s24;
	s28 =	sand.u32 $0x70, s22;
	s26 =	sadd.s32 s26, s20;
	v0 =	vadd.f32 v1, v0  }
0x241: {  	s26 =	sadd.s32 s28, s26;
	s29 =	sand.u32 $0x380, s24;
	s23 =	sshra.s32 s23, $0x2  }
0x242: {  	s23 =	sor.u32 s29, s23;
	[tilespmem:s26+$0x100] =	vst v0  }
0x243: {  	v3 =	vld [tilespmem:s23+$0x4960]  }
0x244: {  	v5 =	vld [tilespmem:s23+$0x4920]  }
0x245: {  	v6 =	vld [tilespmem:s23+$0x4930]  }
0x246: {  	v7 =	vld [tilespmem:s23+$0x4900]  }
0x247: {  	v8 =	vld [tilespmem:s23+$0x4910]  }
0x248: {  	v9 =	vld [tilespmem:s23+$0x4540]  }
0x249: {  	v10 =	vld [tilespmem:s23+$0x4550]  }
0x24a: {  	v12 =	vld [tilespmem:s23+$0x4520]  }
0x24b: {  	v15 =	vld [tilespmem:s23+$0x4530]  }
0x24c: {  	v2 =	vld [tilespmem:s23+$0x4160]  }
0x24d: {  	v0 =	vld [tilespmem:s23+$0x4170]  }
0x24e: {  	v60 =	vld [tilespmem:s23+$0x4140]  }
0x24f: {  	v61 =	vld [tilespmem:s23+$0x4150]  }
0x250: {  	v58 =	vld [tilespmem:s23+$0x4100]  }
0x251: {  	v59 =	vld [tilespmem:s23+$0x4110]  }
0x252: {  	v4 =	vld [tilespmem:s23+$0x3D60]  }
0x253: {  	v1 =	vld [tilespmem:s23+$0x3D70]  }
0x254: {  	v62 =	vld [tilespmem:s23+$0x3D20]  }
0x255: {  	v63 =	vld [tilespmem:s23+$0x3D30]  }
0x256: {  	v11 =	vld [tilespmem:s23+$0x3540]  }
0x257: {  	v13 =	vld [tilespmem:s23+$0x3920]  }
0x258: {  	v14 =	vld [tilespmem:s23+$0x3550]  }
0x259: {  	v16 =	vld [tilespmem:s23+$0x3930];
	v51 =	vmul.f32 v3, v28  }
0x25a: {  	v17 =	vld [tilespmem:s23+$0x3D00];
	v52 =	vmul.f32 v5, v27;
	v53 =	vmul.f32 v6, v22  }
0x25b: {  	p1 =	sne.s32 s25, $0xF;
	v18 =	vld [tilespmem:s23+$0x3D10];
	v57 =	vmul.f32 v7, v40;
	v56 =	vmul.f32 v8, v39  }
.Ltmp3:
0x25c: {  	v3 =	vld [tilespmem:s23+$0x3940];
	v54 =	vmul.f32 v9, v45;
	v55 =	vmul.f32 v10, v33;
	(pc) =	sbr.rel @p1 .LBB2_5-.Ltmp3, $4  }
0x25d: {  	v8 =	vmul.f32 v11, v23;
	v9 =	vmul.f32 v13, v29;
	v6 =	vld [tilespmem:s23+$0x3950]  }
0x25e: {  	v5 =	vld [tilespmem:s23+$0x3500];
	v10 =	vmul.f32 v14, v24;
	v14 =	vmul.f32 v16, v30  }
0x25f: {  	v7 =	vld [tilespmem:s23+$0x3560];
	v13 =	vmul.f32 v17, v35;
	v11 =	vadd.f32 v9, v8;
	v8 =	vmul.f32 v12, v46  }
0x260: {  	s25 =	sadd.s32 $0x1, s25;
	v9 =	vld [tilespmem:s23+$0x3510];
	v12 =	vadd.f32 v14, v10;
	v14 =	vmul.f32 v18, v36;
	v10 =	vmul.f32 v15, v34  }
0x261: {  	v11 =	vadd.f32 v13, v11;
	v13 =	vld [tilespmem:s23+$0x3570]  }
0x262: {  	v4 =	vmul.f32 v4, v41;
	v15 =	vmul.f32 v60, v47;
	v60 =	vld [tilespmem:$0x1FFB0]  }
0x263: {  	v1 =	vmul.f32 v1, v42;
	v12 =	vadd.f32 v14, v12;
	v14 =	vld [tilespmem:s23+$0x3520]  }
0x264: {  	v4 =	vadd.f32 v4, v11;
	v11 =	vld [tilespmem:s23+$0x3900]  }
0x265: {  	v1 =	vadd.f32 v1, v12;
	v12 =	vld [tilespmem:s23+$0x3530]  }
0x266: {  	v16 =	vmul.f32 v61, v48;
	v4 =	vadd.f32 v15, v4;
	v15 =	vld [tilespmem:s23+$0x3910]  }
0x267: {  	v9 =	vmul.f32 v9, v60;
	v60 =	vld [tilespmem:$0x1FFA0]  }
0x268: {  	v5 =	vmul.f32 v5, v26;
	v1 =	vadd.f32 v16, v1;
	v16 =	vld [tilespmem:s23+$0x3960]  }
0x269: {  	v7 =	vmul.f32 v7, v25;
	v13 =	vmul.f32 v13, v19;
	v4 =	vadd.f32 v8, v4;
	v8 =	vld [tilespmem:s23+$0x3970]  }
0x26a: {  	v3 =	vmul.f32 v3, v31;
	v1 =	vadd.f32 v10, v1;
	v10 =	vld [tilespmem:s23+$0x3D40]  }
0x26b: {  	v6 =	vmul.f32 v6, v32;
	v5 =	vadd.f32 v7, v5;
	v7 =	vadd.f32 v13, v9;
	v9 =	vld [tilespmem:$0x1FF60]  }
0x26c: {  	v11 =	vmul.f32 v11, v21;
	v14 =	vmul.f32 v14, v60;
	v60 =	vld [tilespmem:$0x1FF90]  }
0x26d: {  	v3 =	vadd.f32 v3, v5;
	v5 =	vadd.f32 v6, v7;
	v6 =	vld [tilespmem:$0x1FF80]  }
0x26e: {  	v17 =	vmul.f32 v58, v43;
	v11 =	vadd.f32 v11, v14;
	v14 =	vld [tilespmem:$0x1FF40]  }
0x26f: {  	v18 =	vmul.f32 v59, v44;
	v59 =	vmul.f32 v63, v38;
	v63 =	vld [tilespmem:s23+$0x4120]  }
0x270: {  	v58 =	vmul.f32 v62, v37;
	v61 =	vld [tilespmem:$0x1FED0];
	v9 =	vmul.f32 v16, v9  }
0x271: {  	v13 =	vld [tilespmem:s23+$0x4130];
	v15 =	vmul.f32 v15, v20;
	v12 =	vmul.f32 v12, v60  }
0x272: {  	v4 =	vadd.f32 v57, v4;
	v57 =	vld [tilespmem:s23+$0x3D50];
	v6 =	vmul.f32 v10, v6;
	v9 =	vadd.f32 v9, v11  }
0x273: {  	v3 =	vadd.f32 v58, v3;
	v10 =	vld [tilespmem:$0x1FF70];
	v12 =	vadd.f32 v15, v12;
	v8 =	vmul.f32 v8, v14  }
0x274: {  	v6 =	vadd.f32 v6, v9;
	v9 =	vld [tilespmem:$0x1FF20]  }
0x275: {  	v2 =	vmul.f32 v2, v49;
	v3 =	vadd.f32 v17, v3;
	v8 =	vadd.f32 v8, v12;
	v12 =	vld [tilespmem:$0x1FF50]  }
0x276: {  	v7 =	vld [tilespmem:s23+$0x4510]  }
0x277: {  	v2 =	vadd.f32 v2, v3;
	v3 =	vld [tilespmem:$0x1FF00]  }
0x278: {  	v14 =	vld [tilespmem:s23+$0x4500]  }
0x279: {  	v9 =	vmul.f32 v13, v9;
	v13 =	vld [tilespmem:$0x1FF30]  }
0x27a: {  	v10 =	vmul.f32 v57, v10;
	v12 =	vmul.f32 v63, v12;
	v63 =	vld [tilespmem:$0x1FEF0]  }
0x27b: {  	v11 =	vld [tilespmem:s23+$0x4560]  }
0x27c: {  	v5 =	vadd.f32 v59, v5;
	v15 =	vld [tilespmem:s23+$0x4570];
	v8 =	vadd.f32 v10, v8;
	_ =	sdelay $0x1  }
0x27d: {  	v0 =	vmul.f32 v0, v50;
	v62 =	vld [tilespmem:$0x1FEE0];
	v5 =	vadd.f32 v18, v5;
	v8 =	vadd.f32 v9, v8  }
0x27e: {  	v10 =	vld [tilespmem:s23+$0x4940];
	v13 =	vmul.f32 v14, v13;
	v6 =	vadd.f32 v12, v6;
	v7 =	vmul.f32 v7, v63  }
0x27f: {  	v0 =	vadd.f32 v0, v5;
	v3 =	vmul.f32 v11, v3;
	v14 =	vld [tilespmem:s23+$0x4950]  }
0x280: {  	v5 =	vadd.f32 v13, v6;
	v6 =	vadd.f32 v7, v8;
	v7 =	vmul.f32 v15, v61;
	v8 =	vld [tilespmem:$0x1FEC0]  }
0x281: {  	v9 =	vld [tilespmem:s23+$0x4970]  }
0x282: {  	v3 =	vadd.f32 v3, v5;
	v5 =	vadd.f32 v7, v6;
	v7 =	vld [tilespmem:$0x1FF10];
	_ =	sdelay $0x1  }
0x283: {  	v2 =	vadd.f32 v54, v2;
	v0 =	vadd.f32 v55, v0  }
0x284: {  	v1 =	vadd.f32 v56, v1;
	v6 =	vmul.f32 v14, v62;
	v8 =	vmul.f32 v10, v8  }
0x285: {  	v2 =	vadd.f32 v52, v2;
	v0 =	vadd.f32 v53, v0  }
0x286: {  	v5 =	vadd.f32 v6, v5;
	v7 =	vmul.f32 v9, v7;
	v3 =	vadd.f32 v8, v3  }
0x287: {  	v4 =	vadd.f32 v51, v4;
	v0 =	vadd.f32 v0, v2  }
0x288: {  	v1 =	vadd.f32 v7, v1;
	v2 =	vadd.f32 v5, v3;
	_ =	sdelay $0x1  }
0x289: {  	s22 =	sadd.s32 $0x10, s22;
	v0 =	vadd.f32 v2, v0;
	v1 =	vadd.f32 v1, v4  }
0x28a: {  	s24 =	sand.u32 $0x80, s22  }
0x28b: {  	s22 =	sand.u32 $0x70, s22;
	s23 =	sadd.s32 s24, s20;
	v0 =	vadd.f32 v1, v0  }
0x28c: {  	s22 =	sadd.s32 s22, s23  }
0x28d: {  	[tilespmem:s22+$0x100] =	vst v0  }
0x28e: {  	v0 =	vld @!p0 [tilespmem:s21+$0x50];
	_ =	sdelay $0x4  }
0x28f: {  	v1 =	vshrl.u32 @!p0 v0, $0x3  }
0x290: {  	v1 =	vmul.u32 @!p0 $0x30, v1  }
0x291: {  	v2 =	vlaneseq.u32 @!p0;
	v0 =	vand.u32 @!p0 $0x7, v0  }
0x292: {  	v3 =	vshrl.u32 @!p0 v2, $0x3;
	v0 =	vor.u32 @!p0 v0, v1;
	v1 =	vand.u32 @!p0 $0x7, v2  }
0x293: {  	v3 =	vmul.u32 @!p0 $0x8, v3;
	v1 =	vperm.xlane @!p0 v0, v1;
	_ =	sdelay $0x1  }
0x294: {  	v1 =	vadd.s32 @!p0 v3, v1;
	_ =	sdelay $0x2  }
0x295: {  	v2 =	vor.u32 @!p0 $0x8, v2  }
0x296: {  	s23 =	simm.s32 @!p0 $0x3500;
	s22 =	simm.s32 @!p0 $0x0;
	v0 =	vperm.xlane @!p0 v0, v2  }
0x297: {  	[tilespmem:s23], [sflag:$0x2] =	stream.indirect_vreg.gather @!p0 [hbm4b:s2+s22], $0x80, v1, vm1, $0xb8;
	[tilespmem:$0xE500] =	vst v63  }
0x298: {  	v0 =	vadd.s32 @!p0 v3, v0;
	s23 =	simm.s32 @!p0 $0x3D00  }
0x299: {  	[tilespmem:s23], [sflag:$0x2] =	stream.indirect_vreg.gather @!p0 [hbm4b:s6+s22], $0x80, v1, vm1, $0xb8;
	[tilespmem:$0xE500] =	vst v63  }
0x29a: {  	s23 =	simm.s32 @!p0 $0x4500  }
0x29b: {  	[tilespmem:s23], [sflag:$0x2] =	stream.indirect_vreg.gather @!p0 [hbm4b:s7+s22], $0x80, v1, vm1, $0xb8;
	[tilespmem:$0xE500] =	vst v63  }
0x29c: {  	s23 =	simm.s32 @!p0 $0x4D00  }
0x29d: {  	[tilespmem:s23], [sflag:$0x2] =	stream.indirect_vreg.gather @!p0 [hbm4b:s2+s22], $0x80, v0, vm1, $0xb8;
	[tilespmem:$0xE500] =	vst v63  }
0x29e: {  	s25 =	simm.s32 $0x0;
	s23 =	simm.s32 @!p0 $0x5500  }
0x29f: {  	[tilespmem:s23], [sflag:$0x2] =	stream.indirect_vreg.gather @!p0 [hbm4b:s6+s22], $0x80, v0, vm1, $0xb8;
	[tilespmem:$0xE500] =	vst v63  }
0x2a0: {  	s26 =	smul.u32 $0x6000, s25;
	s23 =	simm.s32 @!p0 $0x5D00  }
0x2a1: {  	[tilespmem:s23], [sflag:$0x2] =	stream.indirect_vreg.gather @!p0 [hbm4b:s7+s22], $0x80, v0, vm1, $0xb8;
	[tilespmem:$0xE500] =	vst v63  }
0x2a2: {  	s22 =	simm.s32 $0x0;
	_ =	swait.ge [sflag:s15], $0x3000  }
0x2a3: {  	s23 =	sshra.s32 s26, $0x2;
	s24 =	sand.u32 $0x380, s22;
	[sflag:s15] =	ssyncset.done $0x0  }
0x2a4: {  	s23 =	sor.u32 s24, s23;
	[sflag:s15] =	ssyncadd.s32 $0xFFFFD000  }
0x2a5: {  	v60 =	vld [tilespmem:s23+$0x6920]  }
0x2a6: {  	v0 =	vld [tilespmem:s23+$0x7960]  }
0x2a7: {  	v1 =	vld [tilespmem:s23+$0x7920]  }
0x2a8: {  	v2 =	vld [tilespmem:s23+$0x7930]  }
0x2a9: {  	v3 =	vld [tilespmem:s23+$0x7900]  }
0x2aa: {  	v52 =	vmul.f32 v60, v29;
	v60 =	vld [tilespmem:s23+$0x6950]  }
0x2ab: {  	v53 =	vld [tilespmem:s23+$0x6550]  }
0x2ac: {  	v54 =	vld [tilespmem:s23+$0x6930]  }
0x2ad: {  	v51 =	vld [tilespmem:s23+$0x6540]  }
0x2ae: {  	v59 =	vld [tilespmem:s23+$0x6500]  }
0x2af: {  	v58 =	vmul.f32 v60, v32;
	v60 =	vld [tilespmem:$0x1FDA0]  }
0x2b0: {  	v4 =	vld [tilespmem:s23+$0x7910]  }
0x2b1: {  	v55 =	vld [tilespmem:s23+$0x6D00];
	v53 =	vmul.f32 v53, v24;
	v54 =	vmul.f32 v54, v30  }
0x2b2: {  	v5 =	vld [tilespmem:s23+$0x7540]  }
0x2b3: {  	v53 =	vadd.f32 v54, v53;
	v54 =	vld [tilespmem:s23+$0x6510]  }
0x2b4: {  	v51 =	vmul.f32 v51, v23;
	v59 =	vmul.f32 v59, v60;
	v60 =	vld [tilespmem:$0x1FFB0]  }
0x2b5: {  	v6 =	vld [tilespmem:s23+$0x7550]  }
0x2b6: {  	v56 =	vld [tilespmem:s23+$0x6D10];
	v55 =	vmul.f32 v55, v35;
	v51 =	vadd.f32 v52, v51  }
0x2b7: {  	v7 =	vld [tilespmem:s23+$0x7520]  }
0x2b8: {  	v51 =	vadd.f32 v55, v51;
	v55 =	vld [tilespmem:s23+$0x6570]  }
0x2b9: {  	v54 =	vmul.f32 v54, v60;
	v60 =	vld [tilespmem:$0x1FDC0]  }
0x2ba: {  	v8 =	vld [tilespmem:s23+$0x7530]  }
0x2bb: {  	v15 =	vld [tilespmem:s23+$0x6D60];
	v56 =	vmul.f32 v56, v36  }
0x2bc: {  	v9 =	vld [tilespmem:s23+$0x7160]  }
0x2bd: {  	v53 =	vadd.f32 v56, v53;
	v56 =	vld [tilespmem:s23+$0x6520]  }
0x2be: {  	v55 =	vmul.f32 v55, v60;
	v60 =	vld [tilespmem:$0x1FFA0]  }
0x2bf: {  	v10 =	vld [tilespmem:s23+$0x7170]  }
0x2c0: {  	v16 =	vld [tilespmem:s23+$0x6D70];
	v15 =	vmul.f32 v15, v41  }
0x2c1: {  	v11 =	vld [tilespmem:s23+$0x7140]  }
0x2c2: {  	v15 =	vadd.f32 v15, v51;
	v51 =	vld [tilespmem:s23+$0x6900]  }
0x2c3: {  	v56 =	vmul.f32 v56, v60;
	v60 =	vld [tilespmem:$0x1FDD0]  }
0x2c4: {  	v12 =	vld [tilespmem:s23+$0x7150]  }
0x2c5: {  	v13 =	vld [tilespmem:s23+$0x7100];
	v16 =	vmul.f32 v16, v42  }
0x2c6: {  	v52 =	vld [tilespmem:s23+$0x6560]  }
0x2c7: {  	v16 =	vadd.f32 v16, v53;
	v53 =	vld [tilespmem:s23+$0x6530]  }
0x2c8: {  	v51 =	vmul.f32 v51, v60;
	v60 =	vld [tilespmem:$0x1FF90]  }
0x2c9: {  	v14 =	vld [tilespmem:s23+$0x7110]  }
0x2ca: {  	v17 =	vld [tilespmem:s23+$0x6D20];
	v11 =	vmul.f32 v11, v47  }
0x2cb: {  	v57 =	vld [tilespmem:s23+$0x6940]  }
0x2cc: {  	v7 =	vmul.f32 v7, v46;
	v11 =	vadd.f32 v11, v15;
	v15 =	vld [tilespmem:s23+$0x6910]  }
0x2cd: {  	v52 =	vmul.f32 v52, v25;
	v53 =	vmul.f32 v53, v60;
	v60 =	vld [tilespmem:$0x1FDE0]  }
0x2ce: {  	v12 =	vmul.f32 v12, v48;
	v7 =	vadd.f32 v7, v11;
	v11 =	vld [tilespmem:s23+$0x6970]  }
0x2cf: {  	v52 =	vadd.f32 v52, v59;
	v59 =	vld [tilespmem:$0x1FF40]  }
0x2d0: {  	v18 =	vld [tilespmem:s23+$0x6D30];
	v8 =	vmul.f32 v8, v34;
	v12 =	vadd.f32 v12, v16  }
0x2d1: {  	v3 =	vmul.f32 v3, v40;
	v57 =	vmul.f32 v57, v31;
	v16 =	vld [tilespmem:s23+$0x6960]  }
0x2d2: {  	v4 =	vmul.f32 v4, v39;
	v8 =	vadd.f32 v8, v12;
	v12 =	vld [tilespmem:s23+$0x6D40];
	v15 =	vmul.f32 v15, v60  }
0x2d3: {  	v17 =	vmul.f32 v17, v37;
	v3 =	vadd.f32 v3, v7;
	v7 =	vld [tilespmem:s23+$0x6D50];
	v52 =	vadd.f32 v57, v52  }
0x2d4: {  	v4 =	vadd.f32 v4, v8;
	v8 =	vld [tilespmem:s23+$0x7120];
	v11 =	vmul.f32 v11, v59;
	v15 =	vadd.f32 v15, v53  }
0x2d5: {  	v13 =	vmul.f32 v13, v43;
	v17 =	vadd.f32 v17, v52;
	v60 =	vld [tilespmem:$0x1FF60]  }
0x2d6: {  	v11 =	vadd.f32 v11, v15;
	v15 =	vld [tilespmem:$0x1FF70]  }
0x2d7: {  	v9 =	vmul.f32 v9, v49;
	v59 =	vld [tilespmem:$0x1FF50];
	v13 =	vadd.f32 v13, v17  }
0x2d8: {  	v17 =	vld [tilespmem:$0x1FF30]  }
0x2d9: {  	v9 =	vadd.f32 v9, v13;
	v13 =	vld [tilespmem:$0x1FF00]  }
0x2da: {  	v5 =	vmul.f32 v5, v45;
	v54 =	vadd.f32 v55, v54;
	v55 =	vld [tilespmem:s23+$0x7130]  }
0x2db: {  	v16 =	vmul.f32 v16, v60;
	v60 =	vld [tilespmem:$0x1FF80];
	v7 =	vmul.f32 v7, v15  }
0x2dc: {  	v5 =	vadd.f32 v5, v9;
	v9 =	vld [tilespmem:$0x1FEC0]  }
0x2dd: {  	v7 =	vadd.f32 v7, v11;
	v11 =	vld [tilespmem:$0x1FF20]  }
0x2de: {  	v18 =	vmul.f32 v18, v38;
	v54 =	vadd.f32 v58, v54;
	v51 =	vadd.f32 v51, v56;
	v53 =	vld [tilespmem:s23+$0x7500]  }
0x2df: {  	v14 =	vmul.f32 v14, v44;
	v56 =	vld [tilespmem:s23+$0x7510]  }
0x2e0: {  	v18 =	vadd.f32 v18, v54;
	v16 =	vadd.f32 v16, v51;
	v15 =	vld [tilespmem:s23+$0x7560];
	v12 =	vmul.f32 v12, v60  }
0x2e1: {  	v1 =	vmul.f32 v1, v27;
	v8 =	vmul.f32 v8, v59;
	v60 =	vld [tilespmem:s23+$0x7570]  }
0x2e2: {  	v14 =	vadd.f32 v14, v18;
	v18 =	vld [tilespmem:s23+$0x7950];
	v12 =	vadd.f32 v12, v16;
	v11 =	vmul.f32 v55, v11  }
0x2e3: {  	v10 =	vmul.f32 v10, v50;
	v1 =	vadd.f32 v1, v5;
	v17 =	vmul.f32 v53, v17;
	v16 =	vld [tilespmem:s23+$0x7940]  }
0x2e4: {  	v5 =	vld [tilespmem:$0x1FF10];
	v8 =	vadd.f32 v8, v12;
	v7 =	vadd.f32 v11, v7;
	v11 =	vmul.f32 v56, v63  }
0x2e5: {  	v6 =	vmul.f32 v6, v33;
	v10 =	vadd.f32 v10, v14;
	v12 =	vld [tilespmem:s23+$0x7970];
	v13 =	vmul.f32 v15, v13  }
0x2e6: {  	v8 =	vadd.f32 v17, v8;
	v7 =	vadd.f32 v11, v7;
	v11 =	vmul.f32 v60, v61  }
0x2e7: {  	v2 =	vmul.f32 v2, v22;
	v6 =	vadd.f32 v6, v10;
	v10 =	vmul.f32 v18, v62  }
0x2e8: {  	v9 =	vmul.f32 v16, v9;
	v8 =	vadd.f32 v13, v8;
	v7 =	vadd.f32 v11, v7  }
0x2e9: {  	v0 =	vmul.f32 v0, v28;
	v2 =	vadd.f32 v2, v6  }
0x2ea: {  	v5 =	vmul.f32 v12, v5;
	v6 =	vadd.f32 v9, v8;
	v7 =	vadd.f32 v10, v7  }
0x2eb: {  	v0 =	vadd.f32 v0, v3;
	v1 =	vadd.f32 v2, v1  }
0x2ec: {  	v3 =	vadd.f32 v5, v4;
	v2 =	vadd.f32 v7, v6;
	_ =	sdelay $0x1  }
0x2ed: {  	s28 =	simm.s32 $0x0;
	v0 =	vadd.f32 v3, v0;
	v1 =	vadd.f32 v2, v1  }
0x2ee: {  	s29 =	sand.u32 $0x80, s22;
	s23 =	smul.u32 $0x6000, s28  }
0x2ef: {  	s25 =	sand.u32 $0x70, s22;
	s26 =	sadd.s32 s29, s20;
	s24 =	simm.s32 $0x80;
	v0 =	vadd.f32 v0, v1  }
0x2f0: {  	s25 =	sadd.s32 s25, s26;
	s28 =	sand.u32 $0x380, s24;
	s23 =	sshra.s32 s23, $0x2  }
0x2f1: {  	s23 =	sor.u32 s28, s23;
	[tilespmem:s25+$0x200] =	vst v0  }
0x2f2: {  	v3 =	vld [tilespmem:s23+$0x7960]  }
0x2f3: {  	v5 =	vld [tilespmem:s23+$0x7920]  }
0x2f4: {  	v6 =	vld [tilespmem:s23+$0x7930]  }
0x2f5: {  	v7 =	vld [tilespmem:s23+$0x7900]  }
0x2f6: {  	v8 =	vld [tilespmem:s23+$0x7910]  }
0x2f7: {  	v9 =	vld [tilespmem:s23+$0x7540]  }
0x2f8: {  	v10 =	vld [tilespmem:s23+$0x7550]  }
0x2f9: {  	v12 =	vld [tilespmem:s23+$0x7520]  }
0x2fa: {  	v15 =	vld [tilespmem:s23+$0x7530]  }
0x2fb: {  	v2 =	vld [tilespmem:s23+$0x7160]  }
0x2fc: {  	v0 =	vld [tilespmem:s23+$0x7170]  }
0x2fd: {  	v60 =	vld [tilespmem:s23+$0x7140]  }
0x2fe: {  	v61 =	vld [tilespmem:s23+$0x7150]  }
0x2ff: {  	v58 =	vld [tilespmem:s23+$0x7100]  }
0x300: {  	v59 =	vld [tilespmem:s23+$0x7110]  }
0x301: {  	v4 =	vld [tilespmem:s23+$0x6D60]  }
0x302: {  	v1 =	vld [tilespmem:s23+$0x6D70]  }
0x303: {  	v62 =	vld [tilespmem:s23+$0x6D20]  }
0x304: {  	v11 =	vld [tilespmem:s23+$0x6540]  }
0x305: {  	v13 =	vld [tilespmem:s23+$0x6920]  }
0x306: {  	v14 =	vld [tilespmem:s23+$0x6550]  }
0x307: {  	v16 =	vld [tilespmem:s23+$0x6930]  }
0x308: {  	v17 =	vld [tilespmem:s23+$0x6D00];
	v51 =	vmul.f32 v3, v28  }
0x309: {  	v18 =	vld [tilespmem:s23+$0x6D10];
	v52 =	vmul.f32 v5, v27;
	v53 =	vmul.f32 v6, v22  }
0x30a: {  	v63 =	vld [tilespmem:s23+$0x6D30];
	v57 =	vmul.f32 v7, v40;
	v56 =	vmul.f32 v8, v39  }
0x30b: {  	v3 =	vld [tilespmem:s23+$0x6940];
	v54 =	vmul.f32 v9, v45;
	v55 =	vmul.f32 v10, v33  }
0x30c: {  	v7 =	vmul.f32 v11, v23;
	v8 =	vmul.f32 v13, v29;
	v6 =	vld [tilespmem:s23+$0x6950]  }
0x30d: {  	v5 =	vld [tilespmem:s23+$0x6500];
	v9 =	vmul.f32 v14, v24;
	v10 =	vmul.f32 v16, v30  }
0x30e: {  	v13 =	vmul.f32 v17, v35;
	v14 =	vmul.f32 v18, v36;
	v11 =	vadd.f32 v8, v7;
	v7 =	vld [tilespmem:s23+$0x6560]  }
0x30f: {  	s25 =	simm.s32 $0x2;
	v8 =	vmul.f32 v12, v46;
	v12 =	vadd.f32 v10, v9;
	v9 =	vld [tilespmem:s23+$0x6510];
	v10 =	vmul.f32 v15, v34  }
.LBB2_7:
0x310: {  	v11 =	vadd.f32 v13, v11;
	v4 =	vmul.f32 v4, v41  }
0x311: {  	v12 =	vadd.f32 v14, v12;
	v1 =	vmul.f32 v1, v42  }
0x312: {  	v4 =	vadd.f32 v4, v11;
	v11 =	vmul.f32 v60, v47  }
0x313: {  	v15 =	vld [tilespmem:s23+$0x6570];
	v16 =	vmul.f32 v61, v48;
	v1 =	vadd.f32 v1, v12  }
0x314: {  	v13 =	vld [tilespmem:s23+$0x6520];
	v4 =	vadd.f32 v11, v4  }
0x315: {  	v14 =	vld [tilespmem:s23+$0x6900];
	v1 =	vadd.f32 v16, v1  }
0x316: {  	v4 =	vadd.f32 v8, v4;
	v8 =	vld [tilespmem:$0x1FFB0]  }
0x317: {  	v1 =	vadd.f32 v10, v1;
	v10 =	vld [tilespmem:$0x1FFA0]  }
0x318: {  	v17 =	vld [tilespmem:s23+$0x6530]  }
0x319: {  	v5 =	vmul.f32 v5, v26;
	v61 =	vld [tilespmem:$0x1FF90]  }
0x31a: {  	v7 =	vmul.f32 v7, v25;
	v12 =	vmul.f32 v58, v43;
	v58 =	vld [tilespmem:s23+$0x6910]  }
0x31b: {  	v11 =	vld [tilespmem:s23+$0x6960];
	v8 =	vmul.f32 v9, v8;
	v9 =	vmul.f32 v15, v19  }
0x31c: {  	v16 =	vld [tilespmem:s23+$0x6970];
	v10 =	vmul.f32 v13, v10;
	v13 =	vmul.f32 v14, v21  }
0x31d: {  	v5 =	vadd.f32 v7, v5;
	v7 =	vadd.f32 v9, v8;
	v8 =	vld [tilespmem:$0x1FF60]  }
0x31e: {  	v10 =	vadd.f32 v13, v10;
	v13 =	vld [tilespmem:$0x1FF40];
	_ =	sdelay $0x1  }
0x31f: {  	v18 =	vmul.f32 v59, v44;
	v59 =	vmul.f32 v62, v37  }
0x320: {  	v17 =	vmul.f32 v17, v61;
	v62 =	vmul.f32 v58, v20  }
0x321: {  	v3 =	vmul.f32 v3, v31;
	v6 =	vmul.f32 v6, v32;
	v15 =	vld [tilespmem:s23+$0x6D40]  }
0x322: {  	v14 =	vld [tilespmem:s23+$0x6D50];
	v8 =	vmul.f32 v11, v8;
	v11 =	vadd.f32 v62, v17;
	v13 =	vmul.f32 v16, v13  }
0x323: {  	v3 =	vadd.f32 v3, v5;
	v5 =	vadd.f32 v6, v7;
	v6 =	vld [tilespmem:$0x1FF80]  }
0x324: {  	v8 =	vadd.f32 v8, v10;
	v10 =	vadd.f32 v13, v11;
	v11 =	vld [tilespmem:$0x1FF70];
	_ =	sdelay $0x4  }
0x325: {  	v6 =	vmul.f32 v15, v6;
	v11 =	vmul.f32 v14, v11  }
0x326: {  	v9 =	vld [tilespmem:s23+$0x7130]  }
0x327: {  	v6 =	vadd.f32 v6, v8;
	v8 =	vadd.f32 v11, v10;
	v10 =	vld [tilespmem:$0x1FF20];
	_ =	sdelay $0x1  }
0x328: {  	v60 =	vmul.f32 v63, v38;
	v63 =	vld [tilespmem:s23+$0x7120]  }
0x329: {  	v7 =	vld [tilespmem:s23+$0x7510]  }
0x32a: {  	v16 =	vld [tilespmem:s23+$0x7500]  }
0x32b: {  	v14 =	vld [tilespmem:$0x1FF50];
	v9 =	vmul.f32 v9, v10  }
0x32c: {  	v11 =	vld [tilespmem:$0x1FF30]  }
0x32d: {  	v3 =	vadd.f32 v59, v3;
	v8 =	vadd.f32 v9, v8;
	v9 =	vld [tilespmem:$0x1FEF0];
	_ =	sdelay $0x1  }
0x32e: {  	v2 =	vmul.f32 v2, v49;
	v3 =	vadd.f32 v12, v3;
	v5 =	vadd.f32 v60, v5  }
0x32f: {  	v14 =	vmul.f32 v63, v14  }
0x330: {  	v0 =	vmul.f32 v0, v50;
	v2 =	vadd.f32 v2, v3;
	v3 =	vld [tilespmem:$0x1FF00];
	v5 =	vadd.f32 v18, v5  }
0x331: {  	v13 =	vld [tilespmem:s23+$0x7560];
	v11 =	vmul.f32 v16, v11;
	v6 =	vadd.f32 v14, v6;
	v7 =	vmul.f32 v7, v9  }
0x332: {  	v15 =	vld [tilespmem:s23+$0x7570];
	v0 =	vadd.f32 v0, v5  }
0x333: {  	v5 =	vadd.f32 v11, v6;
	v6 =	vadd.f32 v7, v8;
	v7 =	vld [tilespmem:$0x1FED0];
	_ =	sdelay $0x3  }
0x334: {  	v12 =	vld [tilespmem:s23+$0x7950]  }
0x335: {  	v3 =	vmul.f32 v13, v3;
	v10 =	vld [tilespmem:s23+$0x7940];
	v7 =	vmul.f32 v15, v7  }
0x336: {  	v8 =	vld [tilespmem:$0x1FEC0]  }
0x337: {  	v3 =	vadd.f32 v3, v5;
	v5 =	vadd.f32 v7, v6;
	v6 =	vld [tilespmem:$0x1FEE0]  }
0x338: {  	v9 =	vld [tilespmem:s23+$0x7970]  }
0x339: {  	v7 =	vld [tilespmem:$0x1FF10]  }
0x33a: {  	v4 =	vadd.f32 v57, v4  }
0x33b: {  	v2 =	vadd.f32 v54, v2;
	v0 =	vadd.f32 v55, v0  }
0x33c: {  	v1 =	vadd.f32 v56, v1;
	v8 =	vmul.f32 v10, v8;
	v6 =	vmul.f32 v12, v6  }
0x33d: {  	v2 =	vadd.f32 v52, v2;
	v0 =	vadd.f32 v53, v0  }
0x33e: {  	v3 =	vadd.f32 v8, v3;
	v7 =	vmul.f32 v9, v7;
	v5 =	vadd.f32 v6, v5  }
0x33f: {  	v4 =	vadd.f32 v51, v4;
	v0 =	vadd.f32 v0, v2  }
0x340: {  	v1 =	vadd.f32 v7, v1;
	v2 =	vadd.f32 v5, v3;
	_ =	sdelay $0x1  }
0x341: {  	s29 =	sshrl.u32 s25, $0x3;
	s22 =	sadd.s32 $0x10, s22;
	v1 =	vadd.f32 v1, v4;
	v0 =	vadd.f32 v2, v0  }
0x342: {  	s26 =	sand.u32 $0x80, s22;
	s23 =	smul.u32 $0x6000, s29  }
0x343: {  	s24 =	sadd.s32 $0x80, s24;
	s28 =	sand.u32 $0x70, s22;
	s26 =	sadd.s32 s26, s20;
	v0 =	vadd.f32 v1, v0  }
0x344: {  	s26 =	sadd.s32 s28, s26;
	s29 =	sand.u32 $0x380, s24;
	s23 =	sshra.s32 s23, $0x2  }
0x345: {  	s23 =	sor.u32 s29, s23;
	[tilespmem:s26+$0x200] =	vst v0  }
0x346: {  	v3 =	vld [tilespmem:s23+$0x7960]  }
0x347: {  	v5 =	vld [tilespmem:s23+$0x7920]  }
0x348: {  	v6 =	vld [tilespmem:s23+$0x7930]  }
0x349: {  	v7 =	vld [tilespmem:s23+$0x7900]  }
0x34a: {  	v8 =	vld [tilespmem:s23+$0x7910]  }
0x34b: {  	v9 =	vld [tilespmem:s23+$0x7540]  }
0x34c: {  	v10 =	vld [tilespmem:s23+$0x7550]  }
0x34d: {  	v12 =	vld [tilespmem:s23+$0x7520]  }
0x34e: {  	v15 =	vld [tilespmem:s23+$0x7530]  }
0x34f: {  	v2 =	vld [tilespmem:s23+$0x7160]  }
0x350: {  	v0 =	vld [tilespmem:s23+$0x7170]  }
0x351: {  	v60 =	vld [tilespmem:s23+$0x7140]  }
0x352: {  	v61 =	vld [tilespmem:s23+$0x7150]  }
0x353: {  	v58 =	vld [tilespmem:s23+$0x7100]  }
0x354: {  	v59 =	vld [tilespmem:s23+$0x7110]  }
0x355: {  	v4 =	vld [tilespmem:s23+$0x6D60]  }
0x356: {  	v1 =	vld [tilespmem:s23+$0x6D70]  }
0x357: {  	v62 =	vld [tilespmem:s23+$0x6D20]  }
0x358: {  	v63 =	vld [tilespmem:s23+$0x6D30]  }
0x359: {  	v11 =	vld [tilespmem:s23+$0x6540]  }
0x35a: {  	v13 =	vld [tilespmem:s23+$0x6920]  }
0x35b: {  	v14 =	vld [tilespmem:s23+$0x6550]  }
0x35c: {  	v16 =	vld [tilespmem:s23+$0x6930];
	v51 =	vmul.f32 v3, v28  }
0x35d: {  	v17 =	vld [tilespmem:s23+$0x6D00];
	v52 =	vmul.f32 v5, v27;
	v53 =	vmul.f32 v6, v22  }
0x35e: {  	p1 =	sne.s32 s25, $0xF;
	v18 =	vld [tilespmem:s23+$0x6D10];
	v57 =	vmul.f32 v7, v40;
	v56 =	vmul.f32 v8, v39  }
.Ltmp4:
0x35f: {  	v3 =	vld [tilespmem:s23+$0x6940];
	v54 =	vmul.f32 v9, v45;
	v55 =	vmul.f32 v10, v33;
	(pc) =	sbr.rel @p1 .LBB2_7-.Ltmp4, $4  }
0x360: {  	v8 =	vmul.f32 v11, v23;
	v9 =	vmul.f32 v13, v29;
	v6 =	vld [tilespmem:s23+$0x6950]  }
0x361: {  	v5 =	vld [tilespmem:s23+$0x6500];
	v10 =	vmul.f32 v14, v24;
	v14 =	vmul.f32 v16, v30  }
0x362: {  	v7 =	vld [tilespmem:s23+$0x6560];
	v13 =	vmul.f32 v17, v35;
	v11 =	vadd.f32 v9, v8;
	v8 =	vmul.f32 v12, v46  }
0x363: {  	s25 =	sadd.s32 $0x1, s25;
	v9 =	vld [tilespmem:s23+$0x6510];
	v12 =	vadd.f32 v14, v10;
	v14 =	vmul.f32 v18, v36;
	v10 =	vmul.f32 v15, v34  }
0x364: {  	v11 =	vadd.f32 v13, v11;
	v13 =	vld [tilespmem:s23+$0x6570]  }
0x365: {  	v4 =	vmul.f32 v4, v41;
	v15 =	vmul.f32 v60, v47;
	v60 =	vld [tilespmem:$0x1FFB0]  }
0x366: {  	v1 =	vmul.f32 v1, v42;
	v12 =	vadd.f32 v14, v12;
	v14 =	vld [tilespmem:s23+$0x6520]  }
0x367: {  	v4 =	vadd.f32 v4, v11;
	v11 =	vld [tilespmem:s23+$0x6900]  }
0x368: {  	v1 =	vadd.f32 v1, v12;
	v12 =	vld [tilespmem:s23+$0x6530]  }
0x369: {  	v16 =	vmul.f32 v61, v48;
	v4 =	vadd.f32 v15, v4;
	v15 =	vld [tilespmem:s23+$0x6910]  }
0x36a: {  	v9 =	vmul.f32 v9, v60;
	v60 =	vld [tilespmem:$0x1FFA0]  }
0x36b: {  	v5 =	vmul.f32 v5, v26;
	v1 =	vadd.f32 v16, v1;
	v16 =	vld [tilespmem:s23+$0x6960]  }
0x36c: {  	v7 =	vmul.f32 v7, v25;
	v13 =	vmul.f32 v13, v19;
	v4 =	vadd.f32 v8, v4;
	v8 =	vld [tilespmem:s23+$0x6970]  }
0x36d: {  	v3 =	vmul.f32 v3, v31;
	v1 =	vadd.f32 v10, v1;
	v10 =	vld [tilespmem:s23+$0x6D40]  }
0x36e: {  	v6 =	vmul.f32 v6, v32;
	v5 =	vadd.f32 v7, v5;
	v7 =	vadd.f32 v13, v9;
	v9 =	vld [tilespmem:$0x1FF60]  }
0x36f: {  	v11 =	vmul.f32 v11, v21;
	v14 =	vmul.f32 v14, v60;
	v60 =	vld [tilespmem:$0x1FF90]  }
0x370: {  	v3 =	vadd.f32 v3, v5;
	v5 =	vadd.f32 v6, v7;
	v6 =	vld [tilespmem:$0x1FF80]  }
0x371: {  	v17 =	vmul.f32 v58, v43;
	v11 =	vadd.f32 v11, v14;
	v14 =	vld [tilespmem:$0x1FF40]  }
0x372: {  	v18 =	vmul.f32 v59, v44;
	v59 =	vmul.f32 v63, v38;
	v63 =	vld [tilespmem:s23+$0x7120]  }
0x373: {  	v58 =	vmul.f32 v62, v37;
	v61 =	vld [tilespmem:$0x1FED0];
	v9 =	vmul.f32 v16, v9  }
0x374: {  	v13 =	vld [tilespmem:s23+$0x7130];
	v15 =	vmul.f32 v15, v20;
	v12 =	vmul.f32 v12, v60  }
0x375: {  	v4 =	vadd.f32 v57, v4;
	v57 =	vld [tilespmem:s23+$0x6D50];
	v6 =	vmul.f32 v10, v6;
	v9 =	vadd.f32 v9, v11  }
0x376: {  	v3 =	vadd.f32 v58, v3;
	v10 =	vld [tilespmem:$0x1FF70];
	v12 =	vadd.f32 v15, v12;
	v8 =	vmul.f32 v8, v14  }
0x377: {  	v6 =	vadd.f32 v6, v9;
	v9 =	vld [tilespmem:$0x1FF20]  }
0x378: {  	v2 =	vmul.f32 v2, v49;
	v3 =	vadd.f32 v17, v3;
	v8 =	vadd.f32 v8, v12;
	v12 =	vld [tilespmem:$0x1FF50]  }
0x379: {  	v7 =	vld [tilespmem:s23+$0x7510]  }
0x37a: {  	v2 =	vadd.f32 v2, v3;
	v3 =	vld [tilespmem:$0x1FF00]  }
0x37b: {  	v14 =	vld [tilespmem:s23+$0x7500]  }
0x37c: {  	v9 =	vmul.f32 v13, v9;
	v13 =	vld [tilespmem:$0x1FF30]  }
0x37d: {  	v10 =	vmul.f32 v57, v10;
	v12 =	vmul.f32 v63, v12;
	v63 =	vld [tilespmem:$0x1FEF0]  }
0x37e: {  	v11 =	vld [tilespmem:s23+$0x7560]  }
0x37f: {  	v5 =	vadd.f32 v59, v5;
	v15 =	vld [tilespmem:s23+$0x7570];
	v8 =	vadd.f32 v10, v8;
	_ =	sdelay $0x1  }
0x380: {  	v0 =	vmul.f32 v0, v50;
	v62 =	vld [tilespmem:$0x1FEE0];
	v5 =	vadd.f32 v18, v5;
	v8 =	vadd.f32 v9, v8  }
0x381: {  	v10 =	vld [tilespmem:s23+$0x7940];
	v13 =	vmul.f32 v14, v13;
	v6 =	vadd.f32 v12, v6;
	v7 =	vmul.f32 v7, v63  }
0x382: {  	v0 =	vadd.f32 v0, v5;
	v3 =	vmul.f32 v11, v3;
	v14 =	vld [tilespmem:s23+$0x7950]  }
0x383: {  	v5 =	vadd.f32 v13, v6;
	v6 =	vadd.f32 v7, v8;
	v7 =	vmul.f32 v15, v61;
	v8 =	vld [tilespmem:$0x1FEC0]  }
0x384: {  	v9 =	vld [tilespmem:s23+$0x7970]  }
0x385: {  	v3 =	vadd.f32 v3, v5;
	v5 =	vadd.f32 v7, v6;
	v7 =	vld [tilespmem:$0x1FF10];
	_ =	sdelay $0x1  }
0x386: {  	v2 =	vadd.f32 v54, v2;
	v0 =	vadd.f32 v55, v0  }
0x387: {  	v1 =	vadd.f32 v56, v1;
	v6 =	vmul.f32 v14, v62;
	v8 =	vmul.f32 v10, v8  }
0x388: {  	v2 =	vadd.f32 v52, v2;
	v0 =	vadd.f32 v53, v0  }
0x389: {  	v5 =	vadd.f32 v6, v5;
	v7 =	vmul.f32 v9, v7;
	v3 =	vadd.f32 v8, v3  }
0x38a: {  	v4 =	vadd.f32 v51, v4;
	v0 =	vadd.f32 v0, v2  }
0x38b: {  	v1 =	vadd.f32 v7, v1;
	v2 =	vadd.f32 v5, v3;
	_ =	sdelay $0x1  }
0x38c: {  	s22 =	sadd.s32 $0x10, s22;
	v0 =	vadd.f32 v2, v0;
	v1 =	vadd.f32 v1, v4  }
0x38d: {  	s29 =	sand.u32 $0x80, s22  }
0x38e: {  	s22 =	sand.u32 $0x70, s22;
	s23 =	sadd.s32 s29, s20;
	v0 =	vadd.f32 v1, v0  }
0x38f: {  	s22 =	sadd.s32 s22, s23  }
0x390: {  	[tilespmem:s22+$0x200] =	vst v0  }
0x391: {  	v0 =	vld @!p0 [tilespmem:s21+$0x60];
	_ =	sdelay $0x4  }
0x392: {  	v1 =	vshrl.u32 @!p0 v0, $0x3  }
0x393: {  	v1 =	vmul.u32 @!p0 $0x30, v1  }
0x394: {  	v2 =	vlaneseq.u32 @!p0;
	v0 =	vand.u32 @!p0 $0x7, v0  }
0x395: {  	v3 =	vshrl.u32 @!p0 v2, $0x3;
	v0 =	vor.u32 @!p0 v0, v1;
	v1 =	vand.u32 @!p0 $0x7, v2  }
0x396: {  	v3 =	vmul.u32 @!p0 $0x8, v3;
	v1 =	vperm.xlane @!p0 v0, v1;
	_ =	sdelay $0x1  }
0x397: {  	v1 =	vadd.s32 @!p0 v3, v1;
	_ =	sdelay $0x2  }
0x398: {  	v2 =	vor.u32 @!p0 $0x8, v2  }
0x399: {  	s22 =	simm.s32 @!p0 $0x6500;
	s21 =	simm.s32 @!p0 $0x0;
	v0 =	vperm.xlane @!p0 v0, v2  }
0x39a: {  	[tilespmem:s22], [sflag:$0x3] =	stream.indirect_vreg.gather @!p0 [hbm4b:s2+s21], $0x80, v1, vm1, $0xb8;
	[tilespmem:$0xE500] =	vst v63  }
0x39b: {  	v0 =	vadd.s32 @!p0 v3, v0;
	s22 =	simm.s32 @!p0 $0x6D00  }
0x39c: {  	[tilespmem:s22], [sflag:$0x3] =	stream.indirect_vreg.gather @!p0 [hbm4b:s6+s21], $0x80, v1, vm1, $0xb8;
	[tilespmem:$0xE500] =	vst v63  }
0x39d: {  	s22 =	simm.s32 @!p0 $0x7500  }
0x39e: {  	[tilespmem:s22], [sflag:$0x3] =	stream.indirect_vreg.gather @!p0 [hbm4b:s7+s21], $0x80, v1, vm1, $0xb8;
	[tilespmem:$0xE500] =	vst v63  }
0x39f: {  	s22 =	simm.s32 @!p0 $0x7D00  }
0x3a0: {  	[tilespmem:s22], [sflag:$0x3] =	stream.indirect_vreg.gather @!p0 [hbm4b:s2+s21], $0x80, v0, vm1, $0xb8;
	[tilespmem:$0xE500] =	vst v63  }
0x3a1: {  	s24 =	simm.s32 $0x0;
	s22 =	simm.s32 @!p0 $0x8500  }
0x3a2: {  	[tilespmem:s22], [sflag:$0x3] =	stream.indirect_vreg.gather @!p0 [hbm4b:s6+s21], $0x80, v0, vm1, $0xb8;
	[tilespmem:$0xE500] =	vst v63  }
0x3a3: {  	s25 =	smul.u32 $0x6000, s24;
	s22 =	simm.s32 @!p0 $0x8D00  }
0x3a4: {  	[tilespmem:s22], [sflag:$0x3] =	stream.indirect_vreg.gather @!p0 [hbm4b:s7+s21], $0x80, v0, vm1, $0xb8;
	[tilespmem:$0xE500] =	vst v63  }
0x3a5: {  	s21 =	simm.s32 $0x0;
	_ =	swait.ge [sflag:s16], $0x3000  }
0x3a6: {  	s22 =	sshra.s32 s25, $0x2;
	s26 =	sand.u32 $0x380, s21;
	[sflag:s16] =	ssyncset.done $0x0  }
0x3a7: {  	s22 =	sor.u32 s26, s22;
	[sflag:s16] =	ssyncadd.s32 $0xFFFFD000  }
0x3a8: {  	v60 =	vld [tilespmem:s22+$0x9920]  }
0x3a9: {  	v0 =	vld [tilespmem:s22+$0xA960]  }
0x3aa: {  	v1 =	vld [tilespmem:s22+$0xA920]  }
0x3ab: {  	v2 =	vld [tilespmem:s22+$0xA930]  }
0x3ac: {  	v3 =	vld [tilespmem:s22+$0xA900]  }
0x3ad: {  	v52 =	vmul.f32 v60, v29;
	v60 =	vld [tilespmem:s22+$0x9950]  }
0x3ae: {  	v53 =	vld [tilespmem:s22+$0x9550]  }
0x3af: {  	v54 =	vld [tilespmem:s22+$0x9930]  }
0x3b0: {  	v51 =	vld [tilespmem:s22+$0x9540]  }
0x3b1: {  	v59 =	vld [tilespmem:s22+$0x9500]  }
0x3b2: {  	v58 =	vmul.f32 v60, v32;
	v60 =	vld [tilespmem:$0x1FDA0]  }
0x3b3: {  	v4 =	vld [tilespmem:s22+$0xA910]  }
0x3b4: {  	v55 =	vld [tilespmem:s22+$0x9D00];
	v53 =	vmul.f32 v53, v24;
	v54 =	vmul.f32 v54, v30  }
0x3b5: {  	v5 =	vld [tilespmem:s22+$0xA540]  }
0x3b6: {  	v53 =	vadd.f32 v54, v53;
	v54 =	vld [tilespmem:s22+$0x9510]  }
0x3b7: {  	v51 =	vmul.f32 v51, v23;
	v59 =	vmul.f32 v59, v60;
	v60 =	vld [tilespmem:$0x1FFB0]  }
0x3b8: {  	v6 =	vld [tilespmem:s22+$0xA550]  }
0x3b9: {  	v56 =	vld [tilespmem:s22+$0x9D10];
	v55 =	vmul.f32 v55, v35;
	v51 =	vadd.f32 v52, v51  }
0x3ba: {  	v7 =	vld [tilespmem:s22+$0xA520]  }
0x3bb: {  	v51 =	vadd.f32 v55, v51;
	v55 =	vld [tilespmem:s22+$0x9570]  }
0x3bc: {  	v54 =	vmul.f32 v54, v60;
	v60 =	vld [tilespmem:$0x1FDC0]  }
0x3bd: {  	v8 =	vld [tilespmem:s22+$0xA530]  }
0x3be: {  	v15 =	vld [tilespmem:s22+$0x9D60];
	v56 =	vmul.f32 v56, v36  }
0x3bf: {  	v9 =	vld [tilespmem:s22+$0xA160]  }
0x3c0: {  	v53 =	vadd.f32 v56, v53;
	v56 =	vld [tilespmem:s22+$0x9520]  }
0x3c1: {  	v55 =	vmul.f32 v55, v60;
	v60 =	vld [tilespmem:$0x1FFA0]  }
0x3c2: {  	v10 =	vld [tilespmem:s22+$0xA170]  }
0x3c3: {  	v16 =	vld [tilespmem:s22+$0x9D70];
	v15 =	vmul.f32 v15, v41  }
0x3c4: {  	v11 =	vld [tilespmem:s22+$0xA140]  }
0x3c5: {  	v15 =	vadd.f32 v15, v51;
	v51 =	vld [tilespmem:s22+$0x9900]  }
0x3c6: {  	v56 =	vmul.f32 v56, v60;
	v60 =	vld [tilespmem:$0x1FDD0]  }
0x3c7: {  	v12 =	vld [tilespmem:s22+$0xA150]  }
0x3c8: {  	v13 =	vld [tilespmem:s22+$0xA100];
	v16 =	vmul.f32 v16, v42  }
0x3c9: {  	v52 =	vld [tilespmem:s22+$0x9560]  }
0x3ca: {  	v16 =	vadd.f32 v16, v53;
	v53 =	vld [tilespmem:s22+$0x9530]  }
0x3cb: {  	v51 =	vmul.f32 v51, v60;
	v60 =	vld [tilespmem:$0x1FF90]  }
0x3cc: {  	v14 =	vld [tilespmem:s22+$0xA110]  }
0x3cd: {  	v17 =	vld [tilespmem:s22+$0x9D20];
	v11 =	vmul.f32 v11, v47  }
0x3ce: {  	v57 =	vld [tilespmem:s22+$0x9940]  }
0x3cf: {  	v7 =	vmul.f32 v7, v46;
	v11 =	vadd.f32 v11, v15;
	v15 =	vld [tilespmem:s22+$0x9910]  }
0x3d0: {  	v52 =	vmul.f32 v52, v25;
	v53 =	vmul.f32 v53, v60;
	v60 =	vld [tilespmem:$0x1FDE0]  }
0x3d1: {  	v12 =	vmul.f32 v12, v48;
	v7 =	vadd.f32 v7, v11;
	v11 =	vld [tilespmem:s22+$0x9970]  }
0x3d2: {  	v52 =	vadd.f32 v52, v59;
	v59 =	vld [tilespmem:$0x1FF40]  }
0x3d3: {  	v18 =	vld [tilespmem:s22+$0x9D30];
	v8 =	vmul.f32 v8, v34;
	v12 =	vadd.f32 v12, v16  }
0x3d4: {  	v3 =	vmul.f32 v3, v40;
	v57 =	vmul.f32 v57, v31;
	v16 =	vld [tilespmem:s22+$0x9960]  }
0x3d5: {  	v4 =	vmul.f32 v4, v39;
	v8 =	vadd.f32 v8, v12;
	v12 =	vld [tilespmem:s22+$0x9D40];
	v15 =	vmul.f32 v15, v60  }
0x3d6: {  	v17 =	vmul.f32 v17, v37;
	v3 =	vadd.f32 v3, v7;
	v7 =	vld [tilespmem:s22+$0x9D50];
	v52 =	vadd.f32 v57, v52  }
0x3d7: {  	v4 =	vadd.f32 v4, v8;
	v8 =	vld [tilespmem:s22+$0xA120];
	v11 =	vmul.f32 v11, v59;
	v15 =	vadd.f32 v15, v53  }
0x3d8: {  	v13 =	vmul.f32 v13, v43;
	v17 =	vadd.f32 v17, v52;
	v60 =	vld [tilespmem:$0x1FF60]  }
0x3d9: {  	v11 =	vadd.f32 v11, v15;
	v15 =	vld [tilespmem:$0x1FF70]  }
0x3da: {  	v9 =	vmul.f32 v9, v49;
	v59 =	vld [tilespmem:$0x1FF50];
	v13 =	vadd.f32 v13, v17  }
0x3db: {  	v17 =	vld [tilespmem:$0x1FF30]  }
0x3dc: {  	v9 =	vadd.f32 v9, v13;
	v13 =	vld [tilespmem:$0x1FF00]  }
0x3dd: {  	v5 =	vmul.f32 v5, v45;
	v54 =	vadd.f32 v55, v54;
	v55 =	vld [tilespmem:s22+$0xA130]  }
0x3de: {  	v16 =	vmul.f32 v16, v60;
	v60 =	vld [tilespmem:$0x1FF80];
	v7 =	vmul.f32 v7, v15  }
0x3df: {  	v5 =	vadd.f32 v5, v9;
	v9 =	vld [tilespmem:$0x1FEC0]  }
0x3e0: {  	v7 =	vadd.f32 v7, v11;
	v11 =	vld [tilespmem:$0x1FF20]  }
0x3e1: {  	v18 =	vmul.f32 v18, v38;
	v54 =	vadd.f32 v58, v54;
	v51 =	vadd.f32 v51, v56;
	v53 =	vld [tilespmem:s22+$0xA500]  }
0x3e2: {  	v14 =	vmul.f32 v14, v44;
	v56 =	vld [tilespmem:s22+$0xA510]  }
0x3e3: {  	v18 =	vadd.f32 v18, v54;
	v16 =	vadd.f32 v16, v51;
	v15 =	vld [tilespmem:s22+$0xA560];
	v12 =	vmul.f32 v12, v60  }
0x3e4: {  	v1 =	vmul.f32 v1, v27;
	v8 =	vmul.f32 v8, v59;
	v60 =	vld [tilespmem:s22+$0xA570]  }
0x3e5: {  	v14 =	vadd.f32 v14, v18;
	v18 =	vld [tilespmem:s22+$0xA950];
	v12 =	vadd.f32 v12, v16;
	v11 =	vmul.f32 v55, v11  }
0x3e6: {  	v10 =	vmul.f32 v10, v50;
	v1 =	vadd.f32 v1, v5;
	v17 =	vmul.f32 v53, v17;
	v16 =	vld [tilespmem:s22+$0xA940]  }
0x3e7: {  	v5 =	vld [tilespmem:$0x1FF10];
	v8 =	vadd.f32 v8, v12;
	v7 =	vadd.f32 v11, v7;
	v11 =	vmul.f32 v56, v63  }
0x3e8: {  	v6 =	vmul.f32 v6, v33;
	v10 =	vadd.f32 v10, v14;
	v12 =	vld [tilespmem:s22+$0xA970];
	v13 =	vmul.f32 v15, v13  }
0x3e9: {  	v8 =	vadd.f32 v17, v8;
	v7 =	vadd.f32 v11, v7;
	v11 =	vmul.f32 v60, v61  }
0x3ea: {  	v2 =	vmul.f32 v2, v22;
	v6 =	vadd.f32 v6, v10;
	v10 =	vmul.f32 v18, v62  }
0x3eb: {  	v9 =	vmul.f32 v16, v9;
	v8 =	vadd.f32 v13, v8;
	v7 =	vadd.f32 v11, v7  }
0x3ec: {  	v0 =	vmul.f32 v0, v28;
	v2 =	vadd.f32 v2, v6  }
0x3ed: {  	v5 =	vmul.f32 v12, v5;
	v6 =	vadd.f32 v9, v8;
	v7 =	vadd.f32 v10, v7  }
0x3ee: {  	v0 =	vadd.f32 v0, v3;
	v1 =	vadd.f32 v2, v1  }
0x3ef: {  	v3 =	vadd.f32 v5, v4;
	v2 =	vadd.f32 v7, v6;
	_ =	sdelay $0x1  }
0x3f0: {  	s28 =	simm.s32 $0x0;
	v0 =	vadd.f32 v3, v0;
	v1 =	vadd.f32 v2, v1  }
0x3f1: {  	s29 =	sand.u32 $0x80, s21;
	s22 =	smul.u32 $0x6000, s28  }
0x3f2: {  	s23 =	simm.s32 $0x80;
	s24 =	sand.u32 $0x70, s21;
	s25 =	sadd.s32 s29, s20;
	v0 =	vadd.f32 v0, v1  }
0x3f3: {  	s26 =	sand.u32 $0x380, s23;
	s24 =	sadd.s32 s24, s25;
	s22 =	sshra.s32 s22, $0x2  }
0x3f4: {  	s22 =	sor.u32 s26, s22;
	[tilespmem:s24+$0x300] =	vst v0  }
0x3f5: {  	v3 =	vld [tilespmem:s22+$0xA960]  }
0x3f6: {  	v5 =	vld [tilespmem:s22+$0xA920]  }
0x3f7: {  	v6 =	vld [tilespmem:s22+$0xA930]  }
0x3f8: {  	v7 =	vld [tilespmem:s22+$0xA900]  }
0x3f9: {  	v8 =	vld [tilespmem:s22+$0xA910]  }
0x3fa: {  	v9 =	vld [tilespmem:s22+$0xA540]  }
0x3fb: {  	v10 =	vld [tilespmem:s22+$0xA550]  }
0x3fc: {  	v12 =	vld [tilespmem:s22+$0xA520]  }
0x3fd: {  	v15 =	vld [tilespmem:s22+$0xA530]  }
0x3fe: {  	v2 =	vld [tilespmem:s22+$0xA160]  }
0x3ff: {  	v0 =	vld [tilespmem:s22+$0xA170]  }
0x400: {  	v60 =	vld [tilespmem:s22+$0xA140]  }
0x401: {  	v61 =	vld [tilespmem:s22+$0xA150]  }
0x402: {  	v58 =	vld [tilespmem:s22+$0xA100]  }
0x403: {  	v59 =	vld [tilespmem:s22+$0xA110]  }
0x404: {  	v4 =	vld [tilespmem:s22+$0x9D60]  }
0x405: {  	v1 =	vld [tilespmem:s22+$0x9D70]  }
0x406: {  	v62 =	vld [tilespmem:s22+$0x9D20]  }
0x407: {  	v11 =	vld [tilespmem:s22+$0x9540]  }
0x408: {  	v13 =	vld [tilespmem:s22+$0x9920]  }
0x409: {  	v14 =	vld [tilespmem:s22+$0x9550]  }
0x40a: {  	v16 =	vld [tilespmem:s22+$0x9930]  }
0x40b: {  	v17 =	vld [tilespmem:s22+$0x9D00];
	v51 =	vmul.f32 v3, v28  }
0x40c: {  	v18 =	vld [tilespmem:s22+$0x9D10];
	v52 =	vmul.f32 v5, v27;
	v53 =	vmul.f32 v6, v22  }
0x40d: {  	v63 =	vld [tilespmem:s22+$0x9D30];
	v57 =	vmul.f32 v7, v40;
	v56 =	vmul.f32 v8, v39  }
0x40e: {  	v3 =	vld [tilespmem:s22+$0x9940];
	v54 =	vmul.f32 v9, v45;
	v55 =	vmul.f32 v10, v33  }
0x40f: {  	v7 =	vmul.f32 v11, v23;
	v8 =	vmul.f32 v13, v29;
	v6 =	vld [tilespmem:s22+$0x9950]  }
0x410: {  	v5 =	vld [tilespmem:s22+$0x9500];
	v9 =	vmul.f32 v14, v24;
	v10 =	vmul.f32 v16, v30  }
0x411: {  	v13 =	vmul.f32 v17, v35;
	v14 =	vmul.f32 v18, v36;
	v11 =	vadd.f32 v8, v7;
	v7 =	vld [tilespmem:s22+$0x9560]  }
0x412: {  	s24 =	simm.s32 $0x2;
	v8 =	vmul.f32 v12, v46;
	v12 =	vadd.f32 v10, v9;
	v10 =	vld [tilespmem:s22+$0x9510];
	v9 =	vmul.f32 v15, v34  }
.LBB2_9:
0x413: {  	v11 =	vadd.f32 v13, v11;
	v4 =	vmul.f32 v4, v41  }
0x414: {  	v12 =	vadd.f32 v14, v12;
	v1 =	vmul.f32 v1, v42  }
0x415: {  	v4 =	vadd.f32 v4, v11;
	v11 =	vmul.f32 v60, v47  }
0x416: {  	v15 =	vld [tilespmem:s22+$0x9570];
	v16 =	vmul.f32 v61, v48;
	v1 =	vadd.f32 v1, v12  }
0x417: {  	v13 =	vld [tilespmem:s22+$0x9520];
	v4 =	vadd.f32 v11, v4  }
0x418: {  	v14 =	vld [tilespmem:s22+$0x9900];
	v1 =	vadd.f32 v16, v1  }
0x419: {  	v4 =	vadd.f32 v8, v4;
	v8 =	vld [tilespmem:$0x1FFB0]  }
0x41a: {  	v1 =	vadd.f32 v9, v1;
	v9 =	vld [tilespmem:$0x1FFA0]  }
0x41b: {  	v17 =	vld [tilespmem:s22+$0x9530]  }
0x41c: {  	v5 =	vmul.f32 v5, v26;
	v61 =	vld [tilespmem:$0x1FF90]  }
0x41d: {  	v7 =	vmul.f32 v7, v25;
	v12 =	vmul.f32 v58, v43;
	v58 =	vld [tilespmem:s22+$0x9910]  }
0x41e: {  	v11 =	vld [tilespmem:s22+$0x9960];
	v8 =	vmul.f32 v10, v8;
	v10 =	vmul.f32 v15, v19  }
0x41f: {  	v16 =	vld [tilespmem:s22+$0x9970];
	v9 =	vmul.f32 v13, v9;
	v13 =	vmul.f32 v14, v21  }
0x420: {  	v5 =	vadd.f32 v7, v5;
	v7 =	vadd.f32 v10, v8;
	v8 =	vld [tilespmem:$0x1FF60]  }
0x421: {  	v9 =	vadd.f32 v13, v9;
	v13 =	vld [tilespmem:$0x1FF40];
	_ =	sdelay $0x1  }
0x422: {  	v18 =	vmul.f32 v59, v44;
	v59 =	vmul.f32 v62, v37  }
0x423: {  	v17 =	vmul.f32 v17, v61;
	v62 =	vmul.f32 v58, v20  }
0x424: {  	v3 =	vmul.f32 v3, v31;
	v6 =	vmul.f32 v6, v32;
	v15 =	vld [tilespmem:s22+$0x9D40]  }
0x425: {  	v14 =	vld [tilespmem:s22+$0x9D50];
	v8 =	vmul.f32 v11, v8;
	v11 =	vadd.f32 v62, v17;
	v13 =	vmul.f32 v16, v13  }
0x426: {  	v3 =	vadd.f32 v3, v5;
	v5 =	vadd.f32 v6, v7;
	v6 =	vld [tilespmem:$0x1FF80]  }
0x427: {  	v8 =	vadd.f32 v8, v9;
	v9 =	vadd.f32 v13, v11;
	v11 =	vld [tilespmem:$0x1FF70];
	_ =	sdelay $0x4  }
0x428: {  	v6 =	vmul.f32 v15, v6;
	v11 =	vmul.f32 v14, v11  }
0x429: {  	v10 =	vld [tilespmem:s22+$0xA130]  }
0x42a: {  	v6 =	vadd.f32 v6, v8;
	v8 =	vadd.f32 v11, v9;
	v9 =	vld [tilespmem:$0x1FF20];
	_ =	sdelay $0x1  }
0x42b: {  	v60 =	vmul.f32 v63, v38;
	v63 =	vld [tilespmem:s22+$0xA120]  }
0x42c: {  	v7 =	vld [tilespmem:s22+$0xA510]  }
0x42d: {  	v16 =	vld [tilespmem:s22+$0xA500]  }
0x42e: {  	v14 =	vld [tilespmem:$0x1FF50];
	v9 =	vmul.f32 v10, v9  }
0x42f: {  	v11 =	vld [tilespmem:$0x1FF30]  }
0x430: {  	v3 =	vadd.f32 v59, v3;
	v8 =	vadd.f32 v9, v8;
	v9 =	vld [tilespmem:$0x1FEF0];
	_ =	sdelay $0x1  }
0x431: {  	v2 =	vmul.f32 v2, v49;
	v3 =	vadd.f32 v12, v3;
	v5 =	vadd.f32 v60, v5  }
0x432: {  	v14 =	vmul.f32 v63, v14  }
0x433: {  	v0 =	vmul.f32 v0, v50;
	v2 =	vadd.f32 v2, v3;
	v3 =	vld [tilespmem:$0x1FF00];
	v5 =	vadd.f32 v18, v5  }
0x434: {  	v13 =	vld [tilespmem:s22+$0xA560];
	v11 =	vmul.f32 v16, v11;
	v6 =	vadd.f32 v14, v6;
	v7 =	vmul.f32 v7, v9  }
0x435: {  	v15 =	vld [tilespmem:s22+$0xA570];
	v0 =	vadd.f32 v0, v5  }
0x436: {  	v5 =	vadd.f32 v11, v6;
	v6 =	vadd.f32 v7, v8;
	v7 =	vld [tilespmem:$0x1FED0];
	_ =	sdelay $0x3  }
0x437: {  	v12 =	vld [tilespmem:s22+$0xA950]  }
0x438: {  	v3 =	vmul.f32 v13, v3;
	v10 =	vld [tilespmem:s22+$0xA940];
	v7 =	vmul.f32 v15, v7  }
0x439: {  	v8 =	vld [tilespmem:$0x1FEC0]  }
0x43a: {  	v3 =	vadd.f32 v3, v5;
	v5 =	vadd.f32 v7, v6;
	v6 =	vld [tilespmem:$0x1FEE0]  }
0x43b: {  	v9 =	vld [tilespmem:s22+$0xA970]  }
0x43c: {  	v7 =	vld [tilespmem:$0x1FF10]  }
0x43d: {  	v4 =	vadd.f32 v57, v4  }
0x43e: {  	v2 =	vadd.f32 v54, v2;
	v0 =	vadd.f32 v55, v0  }
0x43f: {  	v1 =	vadd.f32 v56, v1;
	v8 =	vmul.f32 v10, v8;
	v6 =	vmul.f32 v12, v6  }
0x440: {  	v2 =	vadd.f32 v52, v2;
	v0 =	vadd.f32 v53, v0  }
0x441: {  	v3 =	vadd.f32 v8, v3;
	v7 =	vmul.f32 v9, v7;
	v5 =	vadd.f32 v6, v5  }
0x442: {  	v4 =	vadd.f32 v51, v4;
	v0 =	vadd.f32 v0, v2  }
0x443: {  	v1 =	vadd.f32 v7, v1;
	v2 =	vadd.f32 v5, v3;
	_ =	sdelay $0x1  }
0x444: {  	s29 =	sshrl.u32 s24, $0x3;
	s21 =	sadd.s32 $0x10, s21;
	v1 =	vadd.f32 v1, v4;
	v0 =	vadd.f32 v2, v0  }
0x445: {  	s25 =	sand.u32 $0x80, s21;
	s22 =	smul.u32 $0x6000, s29  }
0x446: {  	s23 =	sadd.s32 $0x80, s23;
	s26 =	sand.u32 $0x70, s21;
	s25 =	sadd.s32 s25, s20;
	v0 =	vadd.f32 v1, v0  }
0x447: {  	s28 =	sand.u32 $0x380, s23;
	s25 =	sadd.s32 s26, s25;
	s22 =	sshra.s32 s22, $0x2  }
0x448: {  	s22 =	sor.u32 s28, s22;
	[tilespmem:s25+$0x300] =	vst v0  }
0x449: {  	v3 =	vld [tilespmem:s22+$0xA960]  }
0x44a: {  	v5 =	vld [tilespmem:s22+$0xA920]  }
0x44b: {  	v6 =	vld [tilespmem:s22+$0xA930]  }
0x44c: {  	v7 =	vld [tilespmem:s22+$0xA900]  }
0x44d: {  	v8 =	vld [tilespmem:s22+$0xA910]  }
0x44e: {  	v9 =	vld [tilespmem:s22+$0xA540]  }
0x44f: {  	v10 =	vld [tilespmem:s22+$0xA550]  }
0x450: {  	v12 =	vld [tilespmem:s22+$0xA520]  }
0x451: {  	v15 =	vld [tilespmem:s22+$0xA530]  }
0x452: {  	v2 =	vld [tilespmem:s22+$0xA160]  }
0x453: {  	v0 =	vld [tilespmem:s22+$0xA170]  }
0x454: {  	v60 =	vld [tilespmem:s22+$0xA140]  }
0x455: {  	v61 =	vld [tilespmem:s22+$0xA150]  }
0x456: {  	v58 =	vld [tilespmem:s22+$0xA100]  }
0x457: {  	v59 =	vld [tilespmem:s22+$0xA110]  }
0x458: {  	v4 =	vld [tilespmem:s22+$0x9D60]  }
0x459: {  	v1 =	vld [tilespmem:s22+$0x9D70]  }
0x45a: {  	v62 =	vld [tilespmem:s22+$0x9D20]  }
0x45b: {  	v63 =	vld [tilespmem:s22+$0x9D30]  }
0x45c: {  	v11 =	vld [tilespmem:s22+$0x9540]  }
0x45d: {  	v13 =	vld [tilespmem:s22+$0x9920]  }
0x45e: {  	v14 =	vld [tilespmem:s22+$0x9550]  }
0x45f: {  	v16 =	vld [tilespmem:s22+$0x9930];
	v51 =	vmul.f32 v3, v28  }
0x460: {  	v17 =	vld [tilespmem:s22+$0x9D00];
	v52 =	vmul.f32 v5, v27;
	v53 =	vmul.f32 v6, v22  }
0x461: {  	p1 =	sne.s32 s24, $0xF;
	v18 =	vld [tilespmem:s22+$0x9D10];
	v57 =	vmul.f32 v7, v40;
	v56 =	vmul.f32 v8, v39  }
.Ltmp5:
0x462: {  	v3 =	vld [tilespmem:s22+$0x9940];
	v54 =	vmul.f32 v9, v45;
	v55 =	vmul.f32 v10, v33;
	(pc) =	sbr.rel @p1 .LBB2_9-.Ltmp5, $4  }
0x463: {  	v8 =	vmul.f32 v11, v23;
	v9 =	vmul.f32 v13, v29;
	v6 =	vld [tilespmem:s22+$0x9950]  }
0x464: {  	v5 =	vld [tilespmem:s22+$0x9500];
	v14 =	vmul.f32 v14, v24;
	v16 =	vmul.f32 v16, v30  }
0x465: {  	v7 =	vld [tilespmem:s22+$0x9560];
	v13 =	vmul.f32 v17, v35;
	v11 =	vadd.f32 v9, v8;
	v8 =	vmul.f32 v12, v46  }
0x466: {  	s24 =	sadd.s32 $0x1, s24;
	v10 =	vld [tilespmem:s22+$0x9510];
	v12 =	vadd.f32 v16, v14;
	v14 =	vmul.f32 v18, v36;
	v9 =	vmul.f32 v15, v34  }
0x467: {  	v15 =	vld [tilespmem:s22+$0x9570]  }
0x468: {  	v11 =	vadd.f32 v13, v11;
	v13 =	vld [tilespmem:s22+$0x9520]  }
0x469: {  	v4 =	vmul.f32 v4, v41;
	v17 =	vld [tilespmem:s22+$0x9530]  }
0x46a: {  	v1 =	vmul.f32 v1, v42;
	v42 =	vld [tilespmem:$0x1FFB0]  }
0x46b: {  	v35 =	vmul.f32 v60, v47;
	v41 =	vld [tilespmem:s22+$0x9910];
	v4 =	vadd.f32 v4, v11  }
0x46c: {  	v30 =	vmul.f32 v59, v44;
	v59 =	vld [tilespmem:$0x1FFA0];
	v12 =	vadd.f32 v14, v12  }
0x46d: {  	v16 =	vmul.f32 v61, v48;
	v61 =	vld [tilespmem:$0x1FF80];
	v4 =	vadd.f32 v35, v4  }
0x46e: {  	v14 =	vld [tilespmem:s22+$0x9900];
	v1 =	vadd.f32 v1, v12  }
0x46f: {  	v47 =	vmul.f32 v15, v19;
	v19 =	vld [tilespmem:$0x1FF90];
	v4 =	vadd.f32 v8, v4;
	v8 =	vmul.f32 v10, v42  }
0x470: {  	v33 =	vmul.f32 v2, v49;
	v49 =	vmovc v50;
	v50 =	vmul.f32 v0, v50;
	v1 =	vadd.f32 v16, v1;
	v16 =	vld [tilespmem:s22+$0x9970]  }
0x471: {  	v0 =	vmul.f32 v62, v37;
	v2 =	vmul.f32 v63, v38;
	v35 =	vadd.f32 v47, v8;
	v47 =	vld [tilespmem:$0x1FF40]  }
0x472: {  	v6 =	vmul.f32 v6, v32;
	v11 =	vld [tilespmem:s22+$0x9960];
	v5 =	vmul.f32 v5, v26  }
0x473: {  	v12 =	vmul.f32 v58, v43;
	v7 =	vmul.f32 v7, v25;
	v58 =	vld [tilespmem:s22+$0xA120]  }
0x474: {  	v15 =	vld [tilespmem:s22+$0x9D40];
	v32 =	vmul.f32 v41, v20;
	v17 =	vmul.f32 v17, v19  }
0x475: {  	v36 =	vmovc v38;
	v5 =	vadd.f32 v7, v5;
	v41 =	vld [tilespmem:$0x1FF60];
	v62 =	vmul.f32 v14, v21;
	v1 =	vadd.f32 v9, v1  }
0x476: {  	v38 =	vmovc v42;
	v7 =	vld [tilespmem:s22+$0xA510];
	v9 =	vmul.f32 v13, v59;
	v42 =	vadd.f32 v32, v17;
	v13 =	vmul.f32 v16, v47  }
0x477: {  	v14 =	vld [tilespmem:s22+$0x9D50]  }
0x478: {  	v3 =	vmul.f32 v3, v31;
	v9 =	vadd.f32 v62, v9;
	v62 =	vadd.f32 v13, v42;
	v13 =	vld [tilespmem:$0x1FF70]  }
0x479: {  	v10 =	vld [tilespmem:s22+$0xA130]  }
0x47a: {  	v63 =	vmov v59;
	v3 =	vadd.f32 v3, v5;
	v59 =	vld [tilespmem:$0x1FF30]  }
0x47b: {  	v60 =	vadd.f32 v6, v35;
	v6 =	vmul.f32 v15, v61;
	v15 =	vld [tilespmem:s22+$0xA570]  }
0x47c: {  	v3 =	vadd.f32 v0, v3;
	v42 =	vld [tilespmem:$0x1FF20]  }
0x47d: {  	v8 =	vmul.f32 v11, v41;
	v11 =	vmul.f32 v14, v13;
	v14 =	vld [tilespmem:$0x1FF50]  }
0x47e: {  	v3 =	vadd.f32 v12, v3;
	v12 =	vld [tilespmem:s22+$0xA950]  }
0x47f: {  	v4 =	vadd.f32 v57, v4;
	v5 =	vadd.f32 v2, v60;
	v16 =	vld [tilespmem:s22+$0xA500]  }
0x480: {  	v1 =	vadd.f32 v56, v1;
	v56 =	vmovc v41;
	v8 =	vadd.f32 v8, v9;
	v57 =	vmovc v47;
	v17 =	vmov v61;
	v61 =	vld [tilespmem:$0x1FEF0]  }
0x481: {  	v5 =	vadd.f32 v30, v5;
	v35 =	vmovc v13;
	v13 =	vld [tilespmem:s22+$0xA560];
	v47 =	vmul.f32 v10, v42;
	v41 =	vadd.f32 v11, v62  }
0x482: {  	v6 =	vadd.f32 v6, v8;
	v10 =	vld [tilespmem:s22+$0xA940];
	v32 =	vmul.f32 v58, v14  }
0x483: {  	v8 =	vadd.f32 v47, v41;
	v41 =	vld [tilespmem:$0x1FF00];
	v25 =	vmov v14;
	v14 =	vadd.f32 v50, v5  }
0x484: {  	v60 =	vmul.f32 v16, v59;
	v50 =	vld [tilespmem:$0x1FED0];
	v6 =	vadd.f32 v32, v6  }
0x485: {  	v0 =	vadd.f32 v55, v14;
	v55 =	vld [tilespmem:$0x1FEC0]  }
0x486: {  	v58 =	vmov v42;
	v42 =	vadd.f32 v60, v6;
	v60 =	vld [tilespmem:$0x1FEE0]  }
0x487: {  	v9 =	vld [tilespmem:s22+$0xA970];
	v7 =	vmul.f32 v7, v61  }
0x488: {  	v61 =	vld [tilespmem:$0x1FF10];
	v62 =	vadd.f32 v33, v3;
	v3 =	vmul.f32 v13, v41  }
0x489: {  	v47 =	vadd.f32 v7, v8;
	v7 =	vmul.f32 v15, v50  }
0x48a: {  	v2 =	vadd.f32 v54, v62;
	v3 =	vadd.f32 v3, v42  }
0x48b: {  	v8 =	vmul.f32 v10, v55;
	v59 =	vadd.f32 v7, v47;
	v6 =	vmul.f32 v12, v60  }
0x48c: {  	v2 =	vadd.f32 v52, v2;
	v0 =	vadd.f32 v53, v0  }
0x48d: {  	v7 =	vmul.f32 v9, v61;
	v3 =	vadd.f32 v8, v3;
	v5 =	vadd.f32 v6, v59  }
0x48e: {  	v4 =	vadd.f32 v51, v4;
	v0 =	vadd.f32 v0, v2  }
0x48f: {  	v1 =	vadd.f32 v7, v1;
	v62 =	vadd.f32 v5, v3;
	_ =	sdelay $0x1  }
.Ltmp6:
0x490: {  	s21 =	sadd.s32 $0x10, s21;
	v1 =	vadd.f32 v1, v4;
	v0 =	vadd.f32 v62, v0;
	(pc) =	sbr.rel @p0 .LBB2_12-.Ltmp6, $4  }
0x491: {  	s29 =	sand.u32 $0x80, s21  }
0x492: {  	s21 =	sand.u32 $0x70, s21;
	s20 =	sadd.s32 s29, s20;
	v0 =	vadd.f32 v1, v0  }
0x493: {  	s20 =	sadd.s32 s21, s20  }
0x494: {  	v33 =	vmov v41;
	[tilespmem:s20+$0x300] =	vst v0  }
0x495: {  	s20 =	sshll.u32 s19, $0x6  }
0x496: {  	s20 =	sand.u32 $0x3FFFFFC0, s20  }
0x497: {  	v0 =	vld [tilespmem:s20+$0x70];
	_ =	sdelay $0x4  }
0x498: {  	v1 =	vshrl.u32 v0, $0x3  }
0x499: {  	v1 =	vmul.u32 $0x30, v1  }
0x49a: {  	v0 =	vand.u32 $0x7, v0  }
0x49b: {  	v0 =	vor.u32 v0, v1;
	v1 =	vld [tilespmem:$0x1FFD0];
	_ =	sdelay $0x1  }
0x49c: {  	v2 =	vld [tilespmem:$0x1FFE0];
	_ =	sdelay $0x2  }
0x49d: {  	v1 =	vperm.xlane v0, v1  }
0x49e: {  	v3 =	vld [tilespmem:$0x1FFF0]  }
0x49f: {  	v1 =	vadd.s32 v2, v1;
	_ =	sdelay $0x3  }
0x4a0: {  	v0 =	vperm.xlane v0, v3  }
0x4a1: {  	[tilespmem:s30], [sflag:$0x4] =	stream.indirect_vreg.gather [hbm4b:s2+s4], $0x80, v1, vm0, $0xb8;
	[tilespmem:$0xE500] =	vst v63  }
0x4a2: {  	v16 =	vld [tilespmem:$0x1FE60];
	v0 =	vadd.s32 v2, v0  }
0x4a3: {  	v32 =	vld [tilespmem:$0x1FE10];
	[tilespmem:s31], [sflag:$0x4] =	stream.indirect_vreg.gather [hbm4b:s6+s4], $0x80, v1, vm0, $0xb8  }
0x4a4: {  	v21 =	vld [tilespmem:$0x1FE30]  }
0x4a5: {  	v15 =	vld [tilespmem:$0x1FE20];
	[tilespmem:s0], [sflag:$0x4] =	stream.indirect_vreg.gather [hbm4b:s7+s4], $0x80, v1, vm0, $0xb8  }
0x4a6: {  	v18 =	vld [tilespmem:$0x1FE50]  }
0x4a7: {  	v31 =	vld [tilespmem:$0x1FE40];
	[tilespmem:s3], [sflag:$0x4] =	stream.indirect_vreg.gather [hbm4b:s2+s4], $0x80, v0, vm0, $0xb8  }
.Ltmp7:
0x4a8: {  	v20 =	vld [tilespmem:$0x1FE80];
	(pc) =	sbr.rel .LBB2_2-.Ltmp7, $4  }
0x4a9: {  	v41 =	vmov v25;
	v25 =	vld [tilespmem:$0x1FEA0]  }
0x4aa: {  	v23 =	vmov v37;
	v26 =	vmov v19;
	v19 =	vmov v36;
	v36 =	vld [tilespmem:$0x1FEB0];
	[tilespmem:s1], [sflag:$0x4] =	stream.indirect_vreg.gather [hbm4b:s6+s4], $0x80, v0, vm0, $0xb8  }
0x4ab: {  	s19 =	sadd.s32 $0x1, s19;
	v37 =	vmovc v56;
	v50 =	vmov v49;
	v49 =	vmov v34;
	v29 =	vmov v23;
	v23 =	vld [tilespmem:$0x1FE70]  }
0x4ac: {  	v34 =	vmovc v45;
	v45 =	vmovc v40;
	v40 =	vmov v39;
	v24 =	vmov v28;
	v2 =	vmov v35;
	v35 =	vld [tilespmem:$0x1FE90];
	[tilespmem:s11], [sflag:$0x4] =	stream.indirect_vreg.gather [hbm4b:s7+s4], $0x80, v0, vm0, $0xb8  }
.LBB2_13:
0x4ad: {  	_ =	sfence.sel $0x180000  }
0x4ae: {  	[bflag:$0x0] =	sbarrier.arrive $0xFFFF  }
0x4af: {  	_ =	strace $0x90000047  }
0x4b0: {  	s0 =	stileid.u32;
	[bflag:$0x2] =	sbarrier.arrive $0xFFFF  }
0x4b1: {  	p0 =	sne.s32 s0, $0x0;
	s0 =	rddreg [dreg:$0x4]  }
0x4b2: {  	s0 =	sadd.s32 @!p0 $0x100000, s0  }
0x4b3: {  	[sflag:s0] =	ssyncadd.tile.s32 @!p0 $0x1;
	_ =	shalt  }
.Lfunc_end2:
_tile_overlayer_lowered:
.L_overlay_start_2:
0x4b4: {  	(tag) =	ssettag $0x2  }
0x4b5: {  	s0 =	rddreg [dreg:$0x0];
	s2 =	stileid.u32  }
0x4b6: {  	s1 =	rddreg [dreg:$0x1];
	p0 =	sne.s32 s2, $0x0  }
0x4b7: {  	s3 =	rddreg [dreg:$0x2];
	[bflag:$0x3] =	sbarrier.arrive $0xFFFF;
	s2 =	simm.s32 @!p0 $0x1C05  }
0x4b8: {  	[timem:s3], [sflag:s2] =	dma.local @!p0 [hbm:s0], s1  }
0x4b9: {  	s0 =	simm.s32 @!p0 $0x5  }
0x4ba: {  	_ =	swait.ge @!p0 [sflag:s0], s1  }
0x4bb: {  	s1 =	ssub.s32 @!p0 $0x0, s1;
	[sflag:s0] =	ssyncset.done @!p0 $0x0  }
0x4bc: {  	[sflag:s0] =	ssyncadd.s32 @!p0 s1  }
0x4bd: {  	[bflag:$0x3] =	sbarrier.arrive $0xFFFF  }
0x4be: {  	_ =	shalt  }

</sc_bundles>
